<compile_context>
chip_gen: v7x
topology: tpu7x:2x2x1
jax: 0.10.2.dev20260603
libtpu: 0.0.44.dev20260713+nightly
codegen_flags: <defaults>
</compile_context>

<pallas_src>
import functools

import jax
import jax.numpy as jnp
from jax import lax
from jax.experimental import pallas as pl
from jax.experimental.pallas import tpu as pltpu
from jax.experimental.pallas import tpu_sc as plsc

E = 64
K = 2
D = 768
H = 3072
T = 2048
CAP = 77
CAPP = 80
NENT = T * K
TRASH = E * CAPP
NSLOT = (E + 1) * CAPP
CH = 128
NCH = T // CH

_HI = jax.lax.Precision.HIGHEST



def _gate_body(x_ref, wg_ref, bg_ref,
               i1_ref, i2_ref, p1_ref, p2_ref, w1_ref, w2_ref,
               k1_ref, k2_ref, s1_ref, s2_ref,
               incl_s, tot_s):
    x = x_ref[...]
    logits = jnp.dot(x, wg_ref[...], preferred_element_type=jnp.float32)
    logits = logits + bg_ref[...]
    lane = lax.broadcasted_iota(jnp.int32, (T, E), 1)
    v1 = jnp.max(logits, axis=1, keepdims=True)
    i1 = jnp.min(jnp.where(logits == v1, lane, E), axis=1, keepdims=True)
    masked = jnp.where(lane == i1, -1e30, logits)
    v2 = jnp.max(masked, axis=1, keepdims=True)
    i2 = jnp.min(jnp.where(masked == v2, lane, E), axis=1, keepdims=True)
    g1 = 1.0 / (1.0 + jnp.exp(v2 - v1))
    g2 = 1.0 - g1

    oh1 = (lane == i1).astype(jnp.float32)
    oh2 = (lane == i2).astype(jnp.float32)
    ohc = oh1 + oh2

    r = lax.broadcasted_iota(jnp.int32, (CH, CH), 0)
    c = lax.broadcasted_iota(jnp.int32, (CH, CH), 1)
    tincl = (r >= c).astype(jnp.float32)
    for cc in range(NCH):
        blk = ohc[cc * CH:(cc + 1) * CH, :]
        inc = lax.dot(tincl, blk, precision=_HI)
        incl_s[cc * CH:(cc + 1) * CH, :] = inc
        tot_s[cc:cc + 1, :] = inc[CH - 1:CH, :]
    r16 = lax.broadcasted_iota(jnp.int32, (NCH, NCH), 0)
    c16 = lax.broadcasted_iota(jnp.int32, (NCH, NCH), 1)
    tstrict = (r16 > c16).astype(jnp.float32)
    offs = lax.dot(tstrict, tot_s[...], precision=_HI)

    i1_ref[...] = i1
    i2_ref[...] = i2
    for cc in range(NCH):
        sl = slice(cc * CH, (cc + 1) * CH)
        oh1c = oh1[sl, :]
        oh2c = oh2[sl, :]
        excl = incl_s[sl, :] - (oh1c + oh2c) + offs[cc:cc + 1, :]
        p1f = jnp.sum(oh1c * excl, axis=1, keepdims=True)
        p2f = jnp.sum(oh2c * (excl + oh1c), axis=1, keepdims=True)
        p1 = (p1f + 0.5).astype(jnp.int32)
        p2 = (p2f + 0.5).astype(jnp.int32)
        keep1 = p1 < CAP
        keep2 = p2 < CAP
        tglob = cc * CH + lax.broadcasted_iota(jnp.int32, (CH, 1), 0)
        went = tglob // (CH // K)
        i1c = i1[sl, :]
        i2c = i2[sl, :]
        p1_ref[sl, :] = jnp.minimum(p1, CAPP - 1)
        p2_ref[sl, :] = jnp.minimum(p2, CAPP - 1)
        w1_ref[sl, :] = g1[sl, :] * keep1.astype(jnp.float32)
        w2_ref[sl, :] = g2[sl, :] * keep2.astype(jnp.float32)
        k1_ref[sl, :] = keep1.astype(jnp.float32)
        k2_ref[sl, :] = keep2.astype(jnp.float32)
        s1_ref[sl, :] = jnp.where(keep1, i1c * CAPP + p1, TRASH + went)
        s2_ref[sl, :] = jnp.where(keep2, i2c * CAPP + p2, TRASH + went)


def _gate(xt, Wg, bg2):
    i32 = jnp.int32
    f32 = jnp.float32
    outs = [
        jax.ShapeDtypeStruct((T, 1), i32),
        jax.ShapeDtypeStruct((T, 1), i32),
        jax.ShapeDtypeStruct((T, 1), i32),
        jax.ShapeDtypeStruct((T, 1), i32),
        jax.ShapeDtypeStruct((T, 1), f32),
        jax.ShapeDtypeStruct((T, 1), f32),
        jax.ShapeDtypeStruct((T, 1), f32),
        jax.ShapeDtypeStruct((T, 1), f32),
        jax.ShapeDtypeStruct((T, 1), i32),
        jax.ShapeDtypeStruct((T, 1), i32),
    ]
    return pl.pallas_call(
        _gate_body,
        out_shape=outs,
        scratch_shapes=[
            pltpu.VMEM((T, E), f32),
            pltpu.VMEM((NCH, E), f32),
        ],
    )(xt, Wg, bg2)



_NC = 2
_NS = 16
_NW = _NC * _NS
_EPW = NENT // _NW


_TPW = T // _NW


def _dispatch_body(x_hbm, s1_hbm, s2_hbm, buf_hbm,
                   s1_v, s2_v, rows_v, sem, sem2):
    wid = lax.axis_index("s") * _NC + lax.axis_index("c")
    base = wid * _TPW
    cp = pltpu.async_copy(x_hbm.at[pl.ds(base, _TPW)], rows_v, sem)
    pltpu.sync_copy(s1_hbm.at[pl.ds(base, _TPW)], s1_v)
    pltpu.sync_copy(s2_hbm.at[pl.ds(base, _TPW)], s2_v)
    cp.wait()
    c1 = pltpu.async_copy(rows_v, buf_hbm.at[s1_v], sem)
    c2 = pltpu.async_copy(rows_v, buf_hbm.at[s2_v], sem2)
    c1.wait()
    c2.wait()


@functools.cache
def _dispatch_kernel():
    return pl.kernel(
        _dispatch_body,
        out_type=jax.ShapeDtypeStruct((NSLOT, D), jnp.float32),
        mesh=plsc.VectorSubcoreMesh(core_axis_name="c", subcore_axis_name="s"),
        scratch_types=[
            pltpu.VMEM((_TPW,), jnp.int32),
            pltpu.VMEM((_TPW,), jnp.int32),
            pltpu.VMEM((_TPW, D), jnp.float32),
            pltpu.SemaphoreType.DMA,
            pltpu.SemaphoreType.DMA,
        ],
    )


def _dispatch(xt, slot1, slot2):
    return _dispatch_kernel()(xt, slot1, slot2)



NSP = 2
DB = D // NSP
HB = H // NSP


def _ffn_body(buf_ref, w1_ref, b1_ref, w2_ref, b2_ref, out_ref,
              hacc_s, ws_s):
    sp = pl.program_id(1)
    xb = buf_ref[...]
    hp = jnp.dot(xb, w1_ref[0], preferred_element_type=jnp.float32)
    w2s = jnp.sum(w2_ref[0], axis=1, keepdims=True)
    ws_s[pl.ds(sp * HB, HB), :] = w2s

    @pl.when(sp == 0)
    def _():
        hacc_s[...] = hp

    @pl.when(sp == NSP - 1)
    def _():
        h = jnp.maximum(hacc_s[...] + hp + b1_ref[0], 0.0)
        val = jnp.dot(h, ws_s[...], preferred_element_type=jnp.float32)
        val = val + jnp.sum(b2_ref[...])
        ok = (jnp.abs(val) < 1e30) & (val == val)
        out_ref[0] = jnp.where(ok, val, 0.0)


def _ffn(buf, W1, b1, W2, b2):
    return pl.pallas_call(
        _ffn_body,
        grid=(E, NSP),
        in_specs=[
            pl.BlockSpec((CAPP, DB), lambda e, sp: (e, sp)),
            pl.BlockSpec((1, DB, H), lambda e, sp: (e, sp, 0)),
            pl.BlockSpec((1, 1, H), lambda e, sp: (e, 0, 0)),
            pl.BlockSpec((1, HB, D), lambda e, sp: (e, sp, 0)),
            pl.BlockSpec((1, 1, D), lambda e, sp: (e, 0, 0)),
        ],
        out_specs=pl.BlockSpec((1, CAPP, 1), lambda e, sp: (e, 0, 0)),
        out_shape=jax.ShapeDtypeStruct((E, CAPP, 1), jnp.float32),
        scratch_shapes=[
            pltpu.VMEM((CAPP, H), jnp.float32),
            pltpu.VMEM((H, 1), jnp.float32),
        ],
        compiler_params=pltpu.CompilerParams(
            dimension_semantics=("arbitrary", "arbitrary"),
        ),
    )(buf, W1, b1.reshape(E, 1, H), W2, b2.reshape(E, 1, D))



def _combine_body(ss_ref, i1_ref, i2_ref, p1_ref, p2_ref,
                  w1_ref, w2_ref, k1_ref, k2_ref, out_ref):
    ss = ss_ref[...]
    lane_e = lax.broadcasted_iota(jnp.int32, (T, E), 1)
    lane_c = lax.broadcasted_iota(jnp.int32, (T, CAPP), 1)

    oh1 = (lane_e == i1_ref[...]).astype(jnp.float32)
    a1 = lax.dot(oh1, ss, precision=_HI)
    sel1 = (lane_c == p1_ref[...]).astype(jnp.float32)
    val1 = jnp.sum(a1 * sel1, axis=1, keepdims=True)
    val1 = jnp.where(k1_ref[...] > 0.5, val1, 0.0)

    oh2 = (lane_e == i2_ref[...]).astype(jnp.float32)
    a2 = lax.dot(oh2, ss, precision=_HI)
    sel2 = (lane_c == p2_ref[...]).astype(jnp.float32)
    val2 = jnp.sum(a2 * sel2, axis=1, keepdims=True)
    val2 = jnp.where(k2_ref[...] > 0.5, val2, 0.0)

    y = w1_ref[...] * val1 + w2_ref[...] * val2
    m = jnp.max(y, axis=0, keepdims=True)
    z = y - m
    out_ref[...] = z - jnp.log(jnp.sum(jnp.exp(z), axis=0, keepdims=True))


def _combine(ss, i1, i2, p1, p2, w1, w2, k1, k2):
    return pl.pallas_call(
        _combine_body,
        out_shape=jax.ShapeDtypeStruct((T, 1), jnp.float32),
    )(ss, i1, i2, p1, p2, w1, w2, k1, k2)



def kernel(x, Wg, bg, W1, b1, W2, b2):
    xt = x.reshape(T, D)
    bg2 = bg.reshape(1, E)
    i1, i2, p1, p2, w1, w2, k1, k2, s1, s2 = _gate(xt, Wg, bg2)
    buf = _dispatch(xt, s1.reshape(T), s2.reshape(T))
    ss = _ffn(buf, W1, b1, W2, b2).reshape(E, CAPP)
    y = _combine(ss, i1, i2, p1, p2, w1, w2, k1, k2)
    return y.reshape(x.shape[0], x.shape[1])

# --- scband reference (transcript-rebuilt; emitter-appended) ---
"""Pipeline reference for scband-example-model-30734785970329 (READ-ONLY COPY).

The authoritative reference and input builder live on the scoring server;
editing this copy changes nothing except your own understanding.
"""

import jax, jax.numpy as jnp
import numpy as np

E = 64      # num_local_experts
K = 2       # top_k (GShard top-2)
D = 768     # model_dim
H = 3072    # hidden_size
B = 1       # batch
S = 2048    # num_tokens
T = B * S
CAP = int(np.ceil(T * K * 1.2 / E))  # GShard capacity factor 1.2


def setup_inputs(seed: int = 0) -> dict:
    key = jax.random.key(seed)
    ks = jax.random.split(key, 6)
    x = jax.random.normal(ks[0], (B, S, D), dtype=jnp.float32)
    Wg = jax.random.normal(ks[1], (D, E), dtype=jnp.float32) * 0.02
    bg = jnp.zeros((E,), dtype=jnp.float32)
    W1 = jax.random.normal(ks[2], (E, D, H), dtype=jnp.float32) * 0.02
    b1 = jnp.zeros((E, H), dtype=jnp.float32)
    W2 = jax.random.normal(ks[3], (E, H, D), dtype=jnp.float32) * 0.02
    b2 = jnp.zeros((E, D), dtype=jnp.float32)
    return {"x": x, "Wg": Wg, "bg": bg, "W1": W1, "b1": b1, "W2": W2, "b2": b2}


def _moe(xt, Wg, bg, W1, b1, W2, b2):
    # GShard-style gate: logits -> top-k -> softmax over top-k values
    logits = xt @ Wg + bg                                   # [T, E]
    top_vals, top_idx = jax.lax.top_k(logits, K)            # [T, K]
    scores = jax.nn.softmax(top_vals, axis=-1)              # [T, K]
    eidx = top_idx.reshape(-1)                              # [T*K]
    sflat = scores.reshape(-1)                              # [T*K]
    # position-in-expert via cumsum of one-hot (capacity enforcement)
    oh = jax.nn.one_hot(eidx, E, dtype=jnp.int32)           # [T*K, E]
    pos = jnp.take_along_axis(jnp.cumsum(oh, axis=0), eidx[:, None], axis=1)[:, 0] - 1
    keep = pos < CAP
    p = jnp.where(keep, pos, CAP)                           # overflow -> slot CAP (dropped)
    keepf = keep.astype(xt.dtype)
    # dispatch: scatter-add tokens into per-expert capacity buffers
    xr = jnp.repeat(xt, K, axis=0)                          # [T*K, D] token-major
    buf = jnp.zeros((E, CAP + 1, D), dtype=xt.dtype).at[eidx, p].add(xr * keepf[:, None])
    buf = buf[:, :CAP]                                      # [E, CAP, D]
    # expert MLP: htoh4 -> relu -> h4toh (per-expert weights)
    h = jax.nn.relu(jnp.einsum('ecd,edh->ech', buf, W1) + b1[:, None, :])
    out = jnp.einsum('ech,ehd->ecd', h, W2) + b2[:, None, :]  # [E, CAP, D]
    # combine: gather back, weight by gate score
    out_ext = jnp.concatenate([out, jnp.zeros((E, 1, D), dtype=out.dtype)], axis=1)
    y = out_ext[eidx, p] * (sflat * keepf)[:, None]         # [T*K, D]
    y = y.reshape(-1, K, D).sum(axis=1)                     # [T, D]
    return y


def reference(x, Wg, bg, W1, b1, W2, b2):
    xt = x.reshape(-1, D)
    y = _moe(xt, Wg, bg, W1, b1, W2, b2)
    y = y.reshape(x.shape)                                  # [B, S, D]
    out = jax.nn.log_softmax(jnp.sum(y, axis=2), axis=1)    # [B, S]
    return out

if __name__ == "__main__":
    import jax
    _d = setup_inputs()
    print(jax.jit(kernel)(*tuple(_d.values())))

</pallas_src>

<mosaic_0001>
#map = affine_map<(d0, d1) -> (0, 0)>
#map1 = affine_map<(d0, d1) -> (0)>
module attributes {stable_mosaic.version = 14 : i64} {
  func.func @_dispatch_body(%arg0: i32, %arg1: i32, %arg2: memref<2048x768xf32, #tpu.memory_space<hbm>>, %arg3: memref<2048xi32, #tpu.memory_space<hbm>>, %arg4: memref<2048xi32, #tpu.memory_space<hbm>>, %arg5: memref<5200x768xf32, #tpu.memory_space<hbm>>, %arg6: memref<64xi32, #tpu.memory_space<vmem>>, %arg7: memref<64xi32, #tpu.memory_space<vmem>>, %arg8: memref<64x768xf32, #tpu.memory_space<vmem>>, %arg9: memref<!tpu.dma_semaphore, #tpu.memory_space<semaphore_mem>>, %arg10: memref<!tpu.dma_semaphore, #tpu.memory_space<semaphore_mem>>) attributes {dimension_semantics = [#tpu.dimension_semantics<core_parallel>, #tpu.dimension_semantics<subcore_parallel>], iteration_bounds = array<i64: 2, 16>, scalar_prefetch = 0 : i64, scratch_operands = 5 : i64, tpu.core_type = #tpu.core_type<sc_vector_subcore>, window_params = [{transform_indices = #map}, {transform_indices = #map1}, {transform_indices = #map1}, {transform_indices = #map}]} {
    %mul3A = arith.constant 2 : i32
    %mul3A_0 = arith.muli %arg1, %mul3A : i32
    %add3A = arith.addi %mul3A_0, %arg0 : i32
    %mul3A_1 = arith.constant 64 : i32
    %mul3A_2 = arith.muli %add3A, %mul3A_1 : i32
    %dma_start3A = arith.constant 0 : i32
    %dma_start3A_3 = tpu.memref_slice %arg2[%mul3A_2, %dma_start3A] : memref<2048x768xf32, #tpu.memory_space<hbm>> -> memref<64x768xf32, #tpu.memory_space<hbm>>
    %dma_start3A_4 = arith.constant 0 : i32
    %dma_start3A_5 = tpu.memref_slice %arg2[%mul3A_2, %dma_start3A_4] : memref<2048x768xf32, #tpu.memory_space<hbm>> -> memref<64x768xf32, #tpu.memory_space<hbm>>
    tpu.enqueue_dma source(%dma_start3A_5 : memref<64x768xf32, #tpu.memory_space<hbm>>) target(%arg8 : memref<64x768xf32, #tpu.memory_space<vmem>>) target_semaphore(%arg9 : memref<!tpu.dma_semaphore, #tpu.memory_space<semaphore_mem>>)
    "tpu.region"() ({
      %run_scoped3A = tpu.sem_alloc : memref<!tpu.dma_semaphore, #tpu.memory_space<semaphore_mem>>
      %dma_start3A_21 = tpu.memref_slice %arg3[%mul3A_2] : memref<2048xi32, #tpu.memory_space<hbm>> -> memref<64xi32, #tpu.memory_space<hbm>>
      %dma_start3A_22 = tpu.memref_slice %arg3[%mul3A_2] : memref<2048xi32, #tpu.memory_space<hbm>> -> memref<64xi32, #tpu.memory_space<hbm>>
      tpu.enqueue_dma source(%dma_start3A_22 : memref<64xi32, #tpu.memory_space<hbm>>) target(%arg6 : memref<64xi32, #tpu.memory_space<vmem>>) target_semaphore(%run_scoped3A : memref<!tpu.dma_semaphore, #tpu.memory_space<semaphore_mem>>)
      %dma_wait3A_23 = tpu.memref_slice %arg3[%mul3A_2] : memref<2048xi32, #tpu.memory_space<hbm>> -> memref<64xi32, #tpu.memory_space<hbm>>
      %dma_wait3A_24 = tpu.memref_slice %arg3[%mul3A_2] : memref<2048xi32, #tpu.memory_space<hbm>> -> memref<64xi32, #tpu.memory_space<hbm>>
      tpu.wait_dma2 semaphore(%run_scoped3A : memref<!tpu.dma_semaphore, #tpu.memory_space<semaphore_mem>>) src(%dma_wait3A_24 : memref<64xi32, #tpu.memory_space<hbm>>) dst(%arg6 : memref<64xi32, #tpu.memory_space<vmem>>)
      tpu.yield
    }) : () -> ()
    "tpu.region"() ({
      %run_scoped3A = tpu.sem_alloc : memref<!tpu.dma_semaphore, #tpu.memory_space<semaphore_mem>>
      %dma_start3A_21 = tpu.memref_slice %arg4[%mul3A_2] : memref<2048xi32, #tpu.memory_space<hbm>> -> memref<64xi32, #tpu.memory_space<hbm>>
      %dma_start3A_22 = tpu.memref_slice %arg4[%mul3A_2] : memref<2048xi32, #tpu.memory_space<hbm>> -> memref<64xi32, #tpu.memory_space<hbm>>
      tpu.enqueue_dma source(%dma_start3A_22 : memref<64xi32, #tpu.memory_space<hbm>>) target(%arg7 : memref<64xi32, #tpu.memory_space<vmem>>) target_semaphore(%run_scoped3A : memref<!tpu.dma_semaphore, #tpu.memory_space<semaphore_mem>>)
      %dma_wait3A_23 = tpu.memref_slice %arg4[%mul3A_2] : memref<2048xi32, #tpu.memory_space<hbm>> -> memref<64xi32, #tpu.memory_space<hbm>>
      %dma_wait3A_24 = tpu.memref_slice %arg4[%mul3A_2] : memref<2048xi32, #tpu.memory_space<hbm>> -> memref<64xi32, #tpu.memory_space<hbm>>
      tpu.wait_dma2 semaphore(%run_scoped3A : memref<!tpu.dma_semaphore, #tpu.memory_space<semaphore_mem>>) src(%dma_wait3A_24 : memref<64xi32, #tpu.memory_space<hbm>>) dst(%arg7 : memref<64xi32, #tpu.memory_space<vmem>>)
      tpu.yield
    }) : () -> ()
    %dma_wait3A = arith.constant 0 : i32
    %dma_wait3A_6 = tpu.memref_slice %arg2[%mul3A_2, %dma_wait3A] : memref<2048x768xf32, #tpu.memory_space<hbm>> -> memref<64x768xf32, #tpu.memory_space<hbm>>
    %dma_wait3A_7 = arith.constant 0 : i32
    %dma_wait3A_8 = tpu.memref_slice %arg2[%mul3A_2, %dma_wait3A_7] : memref<2048x768xf32, #tpu.memory_space<hbm>> -> memref<64x768xf32, #tpu.memory_space<hbm>>
    tpu.wait_dma2 semaphore(%arg9 : memref<!tpu.dma_semaphore, #tpu.memory_space<semaphore_mem>>) src(%dma_wait3A_8 : memref<64x768xf32, #tpu.memory_space<hbm>>) dst(%arg8 : memref<64x768xf32, #tpu.memory_space<vmem>>)
    %dma_start3A_9 = arith.constant 0 : i32
    %dma_start3A_10 = arith.constant 0 : i32
    %dma_start3A_11 = tpu.memref_slice %arg5[%dma_start3A_9, %dma_start3A_10] : memref<5200x768xf32, #tpu.memory_space<hbm>> -> memref<5200x768xf32, #tpu.memory_space<hbm>>
    tpu.enqueue_indirect_dma source(%arg8 : memref<64x768xf32, #tpu.memory_space<vmem>>) target(%dma_start3A_11 : memref<5200x768xf32, #tpu.memory_space<hbm>>) offsets(%arg6 : memref<64xi32, #tpu.memory_space<vmem>>) semaphore(%arg9 : memref<!tpu.dma_semaphore, #tpu.memory_space<semaphore_mem>>)
    %dma_start3A_12 = arith.constant 0 : i32
    %dma_start3A_13 = arith.constant 0 : i32
    %dma_start3A_14 = tpu.memref_slice %arg5[%dma_start3A_12, %dma_start3A_13] : memref<5200x768xf32, #tpu.memory_space<hbm>> -> memref<5200x768xf32, #tpu.memory_space<hbm>>
    tpu.enqueue_indirect_dma source(%arg8 : memref<64x768xf32, #tpu.memory_space<vmem>>) target(%dma_start3A_14 : memref<5200x768xf32, #tpu.memory_space<hbm>>) offsets(%arg7 : memref<64xi32, #tpu.memory_space<vmem>>) semaphore(%arg10 : memref<!tpu.dma_semaphore, #tpu.memory_space<semaphore_mem>>)
    %dma_wait3A_15 = arith.constant 0 : i32
    %dma_wait3A_16 = arith.constant 0 : i32
    %dma_wait3A_17 = tpu.memref_slice %arg5[%dma_wait3A_15, %dma_wait3A_16] : memref<5200x768xf32, #tpu.memory_space<hbm>> -> memref<5200x768xf32, #tpu.memory_space<hbm>>
    tpu.wait_indirect_dma semaphore(%arg9 : memref<!tpu.dma_semaphore, #tpu.memory_space<semaphore_mem>>) src(%arg8 : memref<64x768xf32, #tpu.memory_space<vmem>>) dst(%dma_wait3A_17 : memref<5200x768xf32, #tpu.memory_space<hbm>>)
    %dma_wait3A_18 = arith.constant 0 : i32
    %dma_wait3A_19 = arith.constant 0 : i32
    %dma_wait3A_20 = tpu.memref_slice %arg5[%dma_wait3A_18, %dma_wait3A_19] : memref<5200x768xf32, #tpu.memory_space<hbm>> -> memref<5200x768xf32, #tpu.memory_space<hbm>>
    tpu.wait_indirect_dma semaphore(%arg10 : memref<!tpu.dma_semaphore, #tpu.memory_space<semaphore_mem>>) src(%arg8 : memref<64x768xf32, #tpu.memory_space<vmem>>) dst(%dma_wait3A_20 : memref<5200x768xf32, #tpu.memory_space<hbm>>)
    return
  }
}

module attributes {stable_mosaic.version = 14 : i64} {
  func.func @_gate_body(%arg0: memref<2048x768xf32, #tpu.memory_space<vmem>>, %arg1: memref<768x64xf32, #tpu.memory_space<vmem>>, %arg2: memref<1x64xf32, #tpu.memory_space<vmem>>, %arg3: memref<2048x1xi32, #tpu.memory_space<vmem>>, %arg4: memref<2048x1xi32, #tpu.memory_space<vmem>>, %arg5: memref<2048x1xi32, #tpu.memory_space<vmem>>, %arg6: memref<2048x1xi32, #tpu.memory_space<vmem>>, %arg7: memref<2048x1xf32, #tpu.memory_space<vmem>>, %arg8: memref<2048x1xf32, #tpu.memory_space<vmem>>, %arg9: memref<2048x1xf32, #tpu.memory_space<vmem>>, %arg10: memref<2048x1xf32, #tpu.memory_space<vmem>>, %arg11: memref<2048x1xi32, #tpu.memory_space<vmem>>, %arg12: memref<2048x1xi32, #tpu.memory_space<vmem>>, %arg13: memref<2048x64xf32, #tpu.memory_space<vmem>>, %arg14: memref<16x64xf32, #tpu.memory_space<vmem>>) attributes {dimension_semantics = [], scalar_prefetch = 0 : i64, scratch_operands = 2 : i64, tpu.core_type = #tpu.core_type<tc>} {
    %get3A = arith.constant 0 : index
    %get3A_0 = arith.constant 0 : index
    %get3A_1 = vector.load %arg0[%get3A, %get3A_0] : memref<2048x768xf32, #tpu.memory_space<vmem>>, vector<2048x768xf32>
    %get3A_2 = arith.constant 0 : index
    %get3A_3 = arith.constant 0 : index
    %get3A_4 = vector.load %arg1[%get3A_2, %get3A_3] : memref<768x64xf32, #tpu.memory_space<vmem>>, vector<768x64xf32>
    %dot_general3A = arith.constant dense<0.000000e+00> : vector<2048x64xf32>
    %dot_general3A_5 = tpu.matmul %get3A_1, %get3A_4, %dot_general3A {dimension_numbers = #tpu.dot_dimension_numbers<[1], [0], [0], [1], [0, 0, 1, 1], [], []>, transpose_lhs_hint = false} : vector<2048x768xf32>, vector<768x64xf32>, vector<2048x64xf32> -> vector<2048x64xf32>
    %get3A_6 = arith.constant 0 : index
    %get3A_7 = arith.constant 0 : index
    %get3A_8 = vector.load %arg2[%get3A_6, %get3A_7] : memref<1x64xf32, #tpu.memory_space<vmem>>, vector<1x64xf32>
    %add3A = vector.broadcast %get3A_8 : vector<1x64xf32> to vector<2048x64xf32>
    %add3A_9 = arith.addf %dot_general3A_5, %add3A : vector<2048x64xf32>
    %iota3A = tpu.iota {dimensions = array<i32: 1>} : vector<2048x64xi32>
    %reduce_max3A = arith.constant dense<0xFF800000> : vector<2048xf32>
    %reduce_max3A_10 = vector.multi_reduction <maximumf>, %add3A_9, %reduce_max3A [1] : vector<2048x64xf32> to vector<2048xf32>
    %broadcast_in_dim3A = vector.shape_cast %reduce_max3A_10 : vector<2048xf32> to vector<2048x1xf32>
    %eq3A = vector.broadcast %broadcast_in_dim3A : vector<2048x1xf32> to vector<2048x64xf32>
    %eq3A_11 = arith.cmpf oeq, %add3A_9, %eq3A : vector<2048x64xf32>
    %jit3A = arith.constant 64 : i32
    %broadcast_in_dim3A_12 = vector.broadcast %jit3A : i32 to vector<2048x64xi32>
    %select_n3A = arith.select %eq3A_11, %iota3A, %broadcast_in_dim3A_12 : vector<2048x64xi1>, vector<2048x64xi32>
    %reduce_min3A = arith.constant dense<2147483647> : vector<2048xi32>
    %reduce_min3A_13 = vector.multi_reduction <minsi>, %select_n3A, %reduce_min3A [1] : vector<2048x64xi32> to vector<2048xi32>
    %broadcast_in_dim3A_14 = vector.shape_cast %reduce_min3A_13 : vector<2048xi32> to vector<2048x1xi32>
    %eq3A_15 = vector.broadcast %broadcast_in_dim3A_14 : vector<2048x1xi32> to vector<2048x64xi32>
    %eq3A_16 = arith.cmpi eq, %iota3A, %eq3A_15 : vector<2048x64xi32>
    %jit3A_17 = arith.constant -1.000000e+30 : f32
    %broadcast_in_dim3A_18 = vector.broadcast %jit3A_17 : f32 to vector<2048x64xf32>
    %select_n3A_19 = arith.select %eq3A_16, %broadcast_in_dim3A_18, %add3A_9 : vector<2048x64xi1>, vector<2048x64xf32>
    %reduce_max3A_20 = arith.constant dense<0xFF800000> : vector<2048xf32>
    %reduce_max3A_21 = vector.multi_reduction <maximumf>, %select_n3A_19, %reduce_max3A_20 [1] : vector<2048x64xf32> to vector<2048xf32>
    %broadcast_in_dim3A_22 = vector.shape_cast %reduce_max3A_21 : vector<2048xf32> to vector<2048x1xf32>
    %eq3A_23 = vector.broadcast %broadcast_in_dim3A_22 : vector<2048x1xf32> to vector<2048x64xf32>
    %eq3A_24 = arith.cmpf oeq, %select_n3A_19, %eq3A_23 : vector<2048x64xf32>
    %jit3A_25 = arith.constant 64 : i32
    %broadcast_in_dim3A_26 = vector.broadcast %jit3A_25 : i32 to vector<2048x64xi32>
    %select_n3A_27 = arith.select %eq3A_24, %iota3A, %broadcast_in_dim3A_26 : vector<2048x64xi1>, vector<2048x64xi32>
    %reduce_min3A_28 = arith.constant dense<2147483647> : vector<2048xi32>
    %reduce_min3A_29 = vector.multi_reduction <minsi>, %select_n3A_27, %reduce_min3A_28 [1] : vector<2048x64xi32> to vector<2048xi32>
    %broadcast_in_dim3A_30 = vector.shape_cast %reduce_min3A_29 : vector<2048xi32> to vector<2048x1xi32>
    %sub3A = arith.subf %broadcast_in_dim3A_22, %broadcast_in_dim3A : vector<2048x1xf32>
    %exp3A = math.exp %sub3A : vector<2048x1xf32>
    %add3A_31 = arith.constant 1.000000e+00 : f32
    %add3A_32 = vector.broadcast %add3A_31 : f32 to vector<2048x1xf32>
    %add3A_33 = arith.addf %add3A_32, %exp3A : vector<2048x1xf32>
    %div3A = arith.constant 1.000000e+00 : f32
    %div3A_34 = vector.broadcast %div3A : f32 to vector<2048x1xf32>
    %div3A_35 = arith.divf %div3A_34, %add3A_33 : vector<2048x1xf32>
    %sub3A_36 = arith.constant 1.000000e+00 : f32
    %sub3A_37 = vector.broadcast %sub3A_36 : f32 to vector<2048x1xf32>
    %sub3A_38 = arith.subf %sub3A_37, %div3A_35 : vector<2048x1xf32>
    %eq3A_39 = vector.broadcast %broadcast_in_dim3A_14 : vector<2048x1xi32> to vector<2048x64xi32>
    %eq3A_40 = arith.cmpi eq, %iota3A, %eq3A_39 : vector<2048x64xi32>
    %convert_element_type3A = arith.extui %eq3A_40 : vector<2048x64xi1> to vector<2048x64xi32>
    %convert_element_type3A_41 = arith.sitofp %convert_element_type3A : vector<2048x64xi32> to vector<2048x64xf32>
    %eq3A_42 = vector.broadcast %broadcast_in_dim3A_30 : vector<2048x1xi32> to vector<2048x64xi32>
    %eq3A_43 = arith.cmpi eq, %iota3A, %eq3A_42 : vector<2048x64xi32>
    %convert_element_type3A_44 = arith.extui %eq3A_43 : vector<2048x64xi1> to vector<2048x64xi32>
    %convert_element_type3A_45 = arith.sitofp %convert_element_type3A_44 : vector<2048x64xi32> to vector<2048x64xf32>
    %add3A_46 = arith.addf %convert_element_type3A_41, %convert_element_type3A_45 : vector<2048x64xf32>
    %iota3A_47 = tpu.iota {dimensions = array<i32: 0>} : vector<128x128xi32>
    %iota3A_48 = tpu.iota {dimensions = array<i32: 1>} : vector<128x128xi32>
    %ge3A = arith.cmpi sge, %iota3A_47, %iota3A_48 : vector<128x128xi32>
    %convert_element_type3A_49 = arith.extui %ge3A : vector<128x128xi1> to vector<128x128xi32>
    %convert_element_type3A_50 = arith.sitofp %convert_element_type3A_49 : vector<128x128xi32> to vector<128x128xf32>
    %slice3A = vector.extract_strided_slice %add3A_46 {offsets = [0, 0], sizes = [128, 64], strides = [1, 1]} : vector<2048x64xf32> to vector<128x64xf32>
    %dot_general3A_51 = arith.constant dense<0.000000e+00> : vector<128x64xf32>
    %dot_general3A_52 = tpu.matmul %convert_element_type3A_50, %slice3A, %dot_general3A_51 {dimension_numbers = #tpu.dot_dimension_numbers<[1], [0], [0], [1], [0, 0, 1, 1], [], []>, precision = #tpu.contract_precision<fp32>, transpose_lhs_hint = false} : vector<128x128xf32>, vector<128x64xf32>, vector<128x64xf32> -> vector<128x64xf32>
    %swap3A = arith.constant 0 : index
    %swap3A_53 = arith.constant 0 : index
    %swap3A_54 = vector.load %arg13[%swap3A, %swap3A_53] : memref<2048x64xf32, #tpu.memory_space<vmem>>, vector<128x64xf32>
    tpu.vector_store %arg13[%swap3A, %swap3A_53], %dot_general3A_52 {strides = array<i32>} : memref<2048x64xf32, #tpu.memory_space<vmem>>, vector<128x64xf32>,
    %slice3A_55 = vector.extract_strided_slice %dot_general3A_52 {offsets = [127, 0], sizes = [1, 64], strides = [1, 1]} : vector<128x64xf32> to vector<1x64xf32>
    %swap3A_56 = arith.constant 0 : index
    %swap3A_57 = arith.constant 0 : index
    %swap3A_58 = vector.load %arg14[%swap3A_56, %swap3A_57] : memref<16x64xf32, #tpu.memory_space<vmem>>, vector<1x64xf32>
    tpu.vector_store %arg14[%swap3A_56, %swap3A_57], %slice3A_55 {strides = array<i32>} : memref<16x64xf32, #tpu.memory_space<vmem>>, vector<1x64xf32>,
    %slice3A_59 = vector.extract_strided_slice %add3A_46 {offsets = [128, 0], sizes = [128, 64], strides = [1, 1]} : vector<2048x64xf32> to vector<128x64xf32>
    %dot_general3A_60 = arith.constant dense<0.000000e+00> : vector<128x64xf32>
    %dot_general3A_61 = tpu.matmul %convert_element_type3A_50, %slice3A_59, %dot_general3A_60 {dimension_numbers = #tpu.dot_dimension_numbers<[1], [0], [0], [1], [0, 0, 1, 1], [], []>, precision = #tpu.contract_precision<fp32>, transpose_lhs_hint = false} : vector<128x128xf32>, vector<128x64xf32>, vector<128x64xf32> -> vector<128x64xf32>
    %swap3A_62 = arith.constant 128 : index
    %swap3A_63 = arith.constant 0 : index
    %swap3A_64 = vector.load %arg13[%swap3A_62, %swap3A_63] : memref<2048x64xf32, #tpu.memory_space<vmem>>, vector<128x64xf32>
    tpu.vector_store %arg13[%swap3A_62, %swap3A_63], %dot_general3A_61 {strides = array<i32>} : memref<2048x64xf32, #tpu.memory_space<vmem>>, vector<128x64xf32>,
    %slice3A_65 = vector.extract_strided_slice %dot_general3A_61 {offsets = [127, 0], sizes = [1, 64], strides = [1, 1]} : vector<128x64xf32> to vector<1x64xf32>
    %swap3A_66 = arith.constant 1 : index
    %swap3A_67 = arith.constant 0 : index
    %swap3A_68 = vector.load %arg14[%swap3A_66, %swap3A_67] : memref<16x64xf32, #tpu.memory_space<vmem>>, vector<1x64xf32>
    tpu.vector_store %arg14[%swap3A_66, %swap3A_67], %slice3A_65 {strides = array<i32>} : memref<16x64xf32, #tpu.memory_space<vmem>>, vector<1x64xf32>,
    %slice3A_69 = vector.extract_strided_slice %add3A_46 {offsets = [256, 0], sizes = [128, 64], strides = [1, 1]} : vector<2048x64xf32> to vector<128x64xf32>
    %dot_general3A_70 = arith.constant dense<0.000000e+00> : vector<128x64xf32>
    %dot_general3A_71 = tpu.matmul %convert_element_type3A_50, %slice3A_69, %dot_general3A_70 {dimension_numbers = #tpu.dot_dimension_numbers<[1], [0], [0], [1], [0, 0, 1, 1], [], []>, precision = #tpu.contract_precision<fp32>, transpose_lhs_hint = false} : vector<128x128xf32>, vector<128x64xf32>, vector<128x64xf32> -> vector<128x64xf32>
    %swap3A_72 = arith.constant 256 : index
    %swap3A_73 = arith.constant 0 : index
    %swap3A_74 = vector.load %arg13[%swap3A_72, %swap3A_73] : memref<2048x64xf32, #tpu.memory_space<vmem>>, vector<128x64xf32>
    tpu.vector_store %arg13[%swap3A_72, %swap3A_73], %dot_general3A_71 {strides = array<i32>} : memref<2048x64xf32, #tpu.memory_space<vmem>>, vector<128x64xf32>,
    %slice3A_75 = vector.extract_strided_slice %dot_general3A_71 {offsets = [127, 0], sizes = [1, 64], strides = [1, 1]} : vector<128x64xf32> to vector<1x64xf32>
    %swap3A_76 = arith.constant 2 : index
    %swap3A_77 = arith.constant 0 : index
    %swap3A_78 = vector.load %arg14[%swap3A_76, %swap3A_77] : memref<16x64xf32, #tpu.memory_space<vmem>>, vector<1x64xf32>
    tpu.vector_store %arg14[%swap3A_76, %swap3A_77], %slice3A_75 {strides = array<i32>} : memref<16x64xf32, #tpu.memory_space<vmem>>, vector<1x64xf32>,
    %slice3A_79 = vector.extract_strided_slice %add3A_46 {offsets = [384, 0], sizes = [128, 64], strides = [1, 1]} : vector<2048x64xf32> to vector<128x64xf32>
    %dot_general3A_80 = arith.constant dense<0.000000e+00> : vector<128x64xf32>
    %dot_general3A_81 = tpu.matmul %convert_element_type3A_50, %slice3A_79, %dot_general3A_80 {dimension_numbers = #tpu.dot_dimension_numbers<[1], [0], [0], [1], [0, 0, 1, 1], [], []>, precision = #tpu.contract_precision<fp32>, transpose_lhs_hint = false} : vector<128x128xf32>, vector<128x64xf32>, vector<128x64xf32> -> vector<128x64xf32>
    %swap3A_82 = arith.constant 384 : index
    %swap3A_83 = arith.constant 0 : index
    %swap3A_84 = vector.load %arg13[%swap3A_82, %swap3A_83] : memref<2048x64xf32, #tpu.memory_space<vmem>>, vector<128x64xf32>
    tpu.vector_store %arg13[%swap3A_82, %swap3A_83], %dot_general3A_81 {strides = array<i32>} : memref<2048x64xf32, #tpu.memory_space<vmem>>, vector<128x64xf32>,
    %slice3A_85 = vector.extract_strided_slice %dot_general3A_81 {offsets = [127, 0], sizes = [1, 64], strides = [1, 1]} : vector<128x64xf32> to vector<1x64xf32>
    %swap3A_86 = arith.constant 3 : index
    %swap3A_87 = arith.constant 0 : index
    %swap3A_88 = vector.load %arg14[%swap3A_86, %swap3A_87] : memref<16x64xf32, #tpu.memory_space<vmem>>, vector<1x64xf32>
    tpu.vector_store %arg14[%swap3A_86, %swap3A_87], %slice3A_85 {strides = array<i32>} : memref<16x64xf32, #tpu.memory_space<vmem>>, vector<1x64xf32>,
    %slice3A_89 = vector.extract_strided_slice %add3A_46 {offsets = [512, 0], sizes = [128, 64], strides = [1, 1]} : vector<2048x64xf32> to vector<128x64xf32>
    %dot_general3A_90 = arith.constant dense<0.000000e+00> : vector<128x64xf32>
    %dot_general3A_91 = tpu.matmul %convert_element_type3A_50, %slice3A_89, %dot_general3A_90 {dimension_numbers = #tpu.dot_dimension_numbers<[1], [0], [0], [1], [0, 0, 1, 1], [], []>, precision = #tpu.contract_precision<fp32>, transpose_lhs_hint = false} : vector<128x128xf32>, vector<128x64xf32>, vector<128x64xf32> -> vector<128x64xf32>
    %swap3A_92 = arith.constant 512 : index
    %swap3A_93 = arith.constant 0 : index
    %swap3A_94 = vector.load %arg13[%swap3A_92, %swap3A_93] : memref<2048x64xf32, #tpu.memory_space<vmem>>, vector<128x64xf32>
    tpu.vector_store %arg13[%swap3A_92, %swap3A_93], %dot_general3A_91 {strides = array<i32>} : memref<2048x64xf32, #tpu.memory_space<vmem>>, vector<128x64xf32>,
    %slice3A_95 = vector.extract_strided_slice %dot_general3A_91 {offsets = [127, 0], sizes = [1, 64], strides = [1, 1]} : vector<128x64xf32> to vector<1x64xf32>
    %swap3A_96 = arith.constant 4 : index
    %swap3A_97 = arith.constant 0 : index
    %swap3A_98 = vector.load %arg14[%swap3A_96, %swap3A_97] : memref<16x64xf32, #tpu.memory_space<vmem>>, vector<1x64xf32>
    tpu.vector_store %arg14[%swap3A_96, %swap3A_97], %slice3A_95 {strides = array<i32>} : memref<16x64xf32, #tpu.memory_space<vmem>>, vector<1x64xf32>,
    %slice3A_99 = vector.extract_strided_slice %add3A_46 {offsets = [640, 0], sizes = [128, 64], strides = [1, 1]} : vector<2048x64xf32> to vector<128x64xf32>
    %dot_general3A_100 = arith.constant dense<0.000000e+00> : vector<128x64xf32>
    %dot_general3A_101 = tpu.matmul %convert_element_type3A_50, %slice3A_99, %dot_general3A_100 {dimension_numbers = #tpu.dot_dimension_numbers<[1], [0], [0], [1], [0, 0, 1, 1], [], []>, precision = #tpu.contract_precision<fp32>, transpose_lhs_hint = false} : vector<128x128xf32>, vector<128x64xf32>, vector<128x64xf32> -> vector<128x64xf32>
    %swap3A_102 = arith.constant 640 : index
    %swap3A_103 = arith.constant 0 : index
    %swap3A_104 = vector.load %arg13[%swap3A_102, %swap3A_103] : memref<2048x64xf32, #tpu.memory_space<vmem>>, vector<128x64xf32>
    tpu.vector_store %arg13[%swap3A_102, %swap3A_103], %dot_general3A_101 {strides = array<i32>} : memref<2048x64xf32, #tpu.memory_space<vmem>>, vector<128x64xf32>,
    %slice3A_105 = vector.extract_strided_slice %dot_general3A_101 {offsets = [127, 0], sizes = [1, 64], strides = [1, 1]} : vector<128x64xf32> to vector<1x64xf32>
    %swap3A_106 = arith.constant 5 : index
    %swap3A_107 = arith.constant 0 : index
    %swap3A_108 = vector.load %arg14[%swap3A_106, %swap3A_107] : memref<16x64xf32, #tpu.memory_space<vmem>>, vector<1x64xf32>
    tpu.vector_store %arg14[%swap3A_106, %swap3A_107], %slice3A_105 {strides = array<i32>} : memref<16x64xf32, #tpu.memory_space<vmem>>, vector<1x64xf32>,
    %slice3A_109 = vector.extract_strided_slice %add3A_46 {offsets = [768, 0], sizes = [128, 64], strides = [1, 1]} : vector<2048x64xf32> to vector<128x64xf32>
    %dot_general3A_110 = arith.constant dense<0.000000e+00> : vector<128x64xf32>
    %dot_general3A_111 = tpu.matmul %convert_element_type3A_50, %slice3A_109, %dot_general3A_110 {dimension_numbers = #tpu.dot_dimension_numbers<[1], [0], [0], [1], [0, 0, 1, 1], [], []>, precision = #tpu.contract_precision<fp32>, transpose_lhs_hint = false} : vector<128x128xf32>, vector<128x64xf32>, vector<128x64xf32> -> vector<128x64xf32>
    %swap3A_112 = arith.constant 768 : index
    %swap3A_113 = arith.constant 0 : index
    %swap3A_114 = vector.load %arg13[%swap3A_112, %swap3A_113] : memref<2048x64xf32, #tpu.memory_space<vmem>>, vector<128x64xf32>
    tpu.vector_store %arg13[%swap3A_112, %swap3A_113], %dot_general3A_111 {strides = array<i32>} : memref<2048x64xf32, #tpu.memory_space<vmem>>, vector<128x64xf32>,
    %slice3A_115 = vector.extract_strided_slice %dot_general3A_111 {offsets = [127, 0], sizes = [1, 64], strides = [1, 1]} : vector<128x64xf32> to vector<1x64xf32>
    %swap3A_116 = arith.constant 6 : index
    %swap3A_117 = arith.constant 0 : index
    %swap3A_118 = vector.load %arg14[%swap3A_116, %swap3A_117] : memref<16x64xf32, #tpu.memory_space<vmem>>, vector<1x64xf32>
    tpu.vector_store %arg14[%swap3A_116, %swap3A_117], %slice3A_115 {strides = array<i32>} : memref<16x64xf32, #tpu.memory_space<vmem>>, vector<1x64xf32>,
    %slice3A_119 = vector.extract_strided_slice %add3A_46 {offsets = [896, 0], sizes = [128, 64], strides = [1, 1]} : vector<2048x64xf32> to vector<128x64xf32>
    %dot_general3A_120 = arith.constant dense<0.000000e+00> : vector<128x64xf32>
    %dot_general3A_121 = tpu.matmul %convert_element_type3A_50, %slice3A_119, %dot_general3A_120 {dimension_numbers = #tpu.dot_dimension_numbers<[1], [0], [0], [1], [0, 0, 1, 1], [], []>, precision = #tpu.contract_precision<fp32>, transpose_lhs_hint = false} : vector<128x128xf32>, vector<128x64xf32>, vector<128x64xf32> -> vector<128x64xf32>
    %swap3A_122 = arith.constant 896 : index
    %swap3A_123 = arith.constant 0 : index
    %swap3A_124 = vector.load %arg13[%swap3A_122, %swap3A_123] : memref<2048x64xf32, #tpu.memory_space<vmem>>, vector<128x64xf32>
    tpu.vector_store %arg13[%swap3A_122, %swap3A_123], %dot_general3A_121 {strides = array<i32>} : memref<2048x64xf32, #tpu.memory_space<vmem>>, vector<128x64xf32>,
    %slice3A_125 = vector.extract_strided_slice %dot_general3A_121 {offsets = [127, 0], sizes = [1, 64], strides = [1, 1]} : vector<128x64xf32> to vector<1x64xf32>
    %swap3A_126 = arith.constant 7 : index
    %swap3A_127 = arith.constant 0 : index
    %swap3A_128 = vector.load %arg14[%swap3A_126, %swap3A_127] : memref<16x64xf32, #tpu.memory_space<vmem>>, vector<1x64xf32>
    tpu.vector_store %arg14[%swap3A_126, %swap3A_127], %slice3A_125 {strides = array<i32>} : memref<16x64xf32, #tpu.memory_space<vmem>>, vector<1x64xf32>,
    %slice3A_129 = vector.extract_strided_slice %add3A_46 {offsets = [1024, 0], sizes = [128, 64], strides = [1, 1]} : vector<2048x64xf32> to vector<128x64xf32>
    %dot_general3A_130 = arith.constant dense<0.000000e+00> : vector<128x64xf32>
    %dot_general3A_131 = tpu.matmul %convert_element_type3A_50, %slice3A_129, %dot_general3A_130 {dimension_numbers = #tpu.dot_dimension_numbers<[1], [0], [0], [1], [0, 0, 1, 1], [], []>, precision = #tpu.contract_precision<fp32>, transpose_lhs_hint = false} : vector<128x128xf32>, vector<128x64xf32>, vector<128x64xf32> -> vector<128x64xf32>
    %swap3A_132 = arith.constant 1024 : index
    %swap3A_133 = arith.constant 0 : index
    %swap3A_134 = vector.load %arg13[%swap3A_132, %swap3A_133] : memref<2048x64xf32, #tpu.memory_space<vmem>>, vector<128x64xf32>
    tpu.vector_store %arg13[%swap3A_132, %swap3A_133], %dot_general3A_131 {strides = array<i32>} : memref<2048x64xf32, #tpu.memory_space<vmem>>, vector<128x64xf32>,
    %slice3A_135 = vector.extract_strided_slice %dot_general3A_131 {offsets = [127, 0], sizes = [1, 64], strides = [1, 1]} : vector<128x64xf32> to vector<1x64xf32>
    %swap3A_136 = arith.constant 8 : index
    %swap3A_137 = arith.constant 0 : index
    %swap3A_138 = vector.load %arg14[%swap3A_136, %swap3A_137] : memref<16x64xf32, #tpu.memory_space<vmem>>, vector<1x64xf32>
    tpu.vector_store %arg14[%swap3A_136, %swap3A_137], %slice3A_135 {strides = array<i32>} : memref<16x64xf32, #tpu.memory_space<vmem>>, vector<1x64xf32>,
    %slice3A_139 = vector.extract_strided_slice %add3A_46 {offsets = [1152, 0], sizes = [128, 64], strides = [1, 1]} : vector<2048x64xf32> to vector<128x64xf32>
    %dot_general3A_140 = arith.constant dense<0.000000e+00> : vector<128x64xf32>
    %dot_general3A_141 = tpu.matmul %convert_element_type3A_50, %slice3A_139, %dot_general3A_140 {dimension_numbers = #tpu.dot_dimension_numbers<[1], [0], [0], [1], [0, 0, 1, 1], [], []>, precision = #tpu.contract_precision<fp32>, transpose_lhs_hint = false} : vector<128x128xf32>, vector<128x64xf32>, vector<128x64xf32> -> vector<128x64xf32>
    %swap3A_142 = arith.constant 1152 : index
    %swap3A_143 = arith.constant 0 : index
    %swap3A_144 = vector.load %arg13[%swap3A_142, %swap3A_143] : memref<2048x64xf32, #tpu.memory_space<vmem>>, vector<128x64xf32>
    tpu.vector_store %arg13[%swap3A_142, %swap3A_143], %dot_general3A_141 {strides = array<i32>} : memref<2048x64xf32, #tpu.memory_space<vmem>>, vector<128x64xf32>,
    %slice3A_145 = vector.extract_strided_slice %dot_general3A_141 {offsets = [127, 0], sizes = [1, 64], strides = [1, 1]} : vector<128x64xf32> to vector<1x64xf32>
    %swap3A_146 = arith.constant 9 : index
    %swap3A_147 = arith.constant 0 : index
    %swap3A_148 = vector.load %arg14[%swap3A_146, %swap3A_147] : memref<16x64xf32, #tpu.memory_space<vmem>>, vector<1x64xf32>
    tpu.vector_store %arg14[%swap3A_146, %swap3A_147], %slice3A_145 {strides = array<i32>} : memref<16x64xf32, #tpu.memory_space<vmem>>, vector<1x64xf32>,
    %slice3A_149 = vector.extract_strided_slice %add3A_46 {offsets = [1280, 0], sizes = [128, 64], strides = [1, 1]} : vector<2048x64xf32> to vector<128x64xf32>
    %dot_general3A_150 = arith.constant dense<0.000000e+00> : vector<128x64xf32>
    %dot_general3A_151 = tpu.matmul %convert_element_type3A_50, %slice3A_149, %dot_general3A_150 {dimension_numbers = #tpu.dot_dimension_numbers<[1], [0], [0], [1], [0, 0, 1, 1], [], []>, precision = #tpu.contract_precision<fp32>, transpose_lhs_hint = false} : vector<128x128xf32>, vector<128x64xf32>, vector<128x64xf32> -> vector<128x64xf32>
    %swap3A_152 = arith.constant 1280 : index
    %swap3A_153 = arith.constant 0 : index
    %swap3A_154 = vector.load %arg13[%swap3A_152, %swap3A_153] : memref<2048x64xf32, #tpu.memory_space<vmem>>, vector<128x64xf32>
    tpu.vector_store %arg13[%swap3A_152, %swap3A_153], %dot_general3A_151 {strides = array<i32>} : memref<2048x64xf32, #tpu.memory_space<vmem>>, vector<128x64xf32>,
    %slice3A_155 = vector.extract_strided_slice %dot_general3A_151 {offsets = [127, 0], sizes = [1, 64], strides = [1, 1]} : vector<128x64xf32> to vector<1x64xf32>
    %swap3A_156 = arith.constant 10 : index
    %swap3A_157 = arith.constant 0 : index
    %swap3A_158 = vector.load %arg14[%swap3A_156, %swap3A_157] : memref<16x64xf32, #tpu.memory_space<vmem>>, vector<1x64xf32>
    tpu.vector_store %arg14[%swap3A_156, %swap3A_157], %slice3A_155 {strides = array<i32>} : memref<16x64xf32, #tpu.memory_space<vmem>>, vector<1x64xf32>,
    %slice3A_159 = vector.extract_strided_slice %add3A_46 {offsets = [1408, 0], sizes = [128, 64], strides = [1, 1]} : vector<2048x64xf32> to vector<128x64xf32>
    %dot_general3A_160 = arith.constant dense<0.000000e+00> : vector<128x64xf32>
    %dot_general3A_161 = tpu.matmul %convert_element_type3A_50, %slice3A_159, %dot_general3A_160 {dimension_numbers = #tpu.dot_dimension_numbers<[1], [0], [0], [1], [0, 0, 1, 1], [], []>, precision = #tpu.contract_precision<fp32>, transpose_lhs_hint = false} : vector<128x128xf32>, vector<128x64xf32>, vector<128x64xf32> -> vector<128x64xf32>
    %swap3A_162 = arith.constant 1408 : index
    %swap3A_163 = arith.constant 0 : index
    %swap3A_164 = vector.load %arg13[%swap3A_162, %swap3A_163] : memref<2048x64xf32, #tpu.memory_space<vmem>>, vector<128x64xf32>
    tpu.vector_store %arg13[%swap3A_162, %swap3A_163], %dot_general3A_161 {strides = array<i32>} : memref<2048x64xf32, #tpu.memory_space<vmem>>, vector<128x64xf32>,
    %slice3A_165 = vector.extract_strided_slice %dot_general3A_161 {offsets = [127, 0], sizes = [1, 64], strides = [1, 1]} : vector<128x64xf32> to vector<1x64xf32>
    %swap3A_166 = arith.constant 11 : index
    %swap3A_167 = arith.constant 0 : index
    %swap3A_168 = vector.load %arg14[%swap3A_166, %swap3A_167] : memref<16x64xf32, #tpu.memory_space<vmem>>, vector<1x64xf32>
    tpu.vector_store %arg14[%swap3A_166, %swap3A_167], %slice3A_165 {strides = array<i32>} : memref<16x64xf32, #tpu.memory_space<vmem>>, vector<1x64xf32>,
    %slice3A_169 = vector.extract_strided_slice %add3A_46 {offsets = [1536, 0], sizes = [128, 64], strides = [1, 1]} : vector<2048x64xf32> to vector<128x64xf32>
    %dot_general3A_170 = arith.constant dense<0.000000e+00> : vector<128x64xf32>
    %dot_general3A_171 = tpu.matmul %convert_element_type3A_50, %slice3A_169, %dot_general3A_170 {dimension_numbers = #tpu.dot_dimension_numbers<[1], [0], [0], [1], [0, 0, 1, 1], [], []>, precision = #tpu.contract_precision<fp32>, transpose_lhs_hint = false} : vector<128x128xf32>, vector<128x64xf32>, vector<128x64xf32> -> vector<128x64xf32>
    %swap3A_172 = arith.constant 1536 : index
    %swap3A_173 = arith.constant 0 : index
    %swap3A_174 = vector.load %arg13[%swap3A_172, %swap3A_173] : memref<2048x64xf32, #tpu.memory_space<vmem>>, vector<128x64xf32>
    tpu.vector_store %arg13[%swap3A_172, %swap3A_173], %dot_general3A_171 {strides = array<i32>} : memref<2048x64xf32, #tpu.memory_space<vmem>>, vector<128x64xf32>,
    %slice3A_175 = vector.extract_strided_slice %dot_general3A_171 {offsets = [127, 0], sizes = [1, 64], strides = [1, 1]} : vector<128x64xf32> to vector<1x64xf32>
    %swap3A_176 = arith.constant 12 : index
    %swap3A_177 = arith.constant 0 : index
    %swap3A_178 = vector.load %arg14[%swap3A_176, %swap3A_177] : memref<16x64xf32, #tpu.memory_space<vmem>>, vector<1x64xf32>
    tpu.vector_store %arg14[%swap3A_176, %swap3A_177], %slice3A_175 {strides = array<i32>} : memref<16x64xf32, #tpu.memory_space<vmem>>, vector<1x64xf32>,
    %slice3A_179 = vector.extract_strided_slice %add3A_46 {offsets = [1664, 0], sizes = [128, 64], strides = [1, 1]} : vector<2048x64xf32> to vector<128x64xf32>
    %dot_general3A_180 = arith.constant dense<0.000000e+00> : vector<128x64xf32>
    %dot_general3A_181 = tpu.matmul %convert_element_type3A_50, %slice3A_179, %dot_general3A_180 {dimension_numbers = #tpu.dot_dimension_numbers<[1], [0], [0], [1], [0, 0, 1, 1], [], []>, precision = #tpu.contract_precision<fp32>, transpose_lhs_hint = false} : vector<128x128xf32>, vector<128x64xf32>, vector<128x64xf32> -> vector<128x64xf32>
    %swap3A_182 = arith.constant 1664 : index
    %swap3A_183 = arith.constant 0 : index
    %swap3A_184 = vector.load %arg13[%swap3A_182, %swap3A_183] : memref<2048x64xf32, #tpu.memory_space<vmem>>, vector<128x64xf32>
    tpu.vector_store %arg13[%swap3A_182, %swap3A_183], %dot_general3A_181 {strides = array<i32>} : memref<2048x64xf32, #tpu.memory_space<vmem>>, vector<128x64xf32>,
    %slice3A_185 = vector.extract_strided_slice %dot_general3A_181 {offsets = [127, 0], sizes = [1, 64], strides = [1, 1]} : vector<128x64xf32> to vector<1x64xf32>
    %swap3A_186 = arith.constant 13 : index
    %swap3A_187 = arith.constant 0 : index
    %swap3A_188 = vector.load %arg14[%swap3A_186, %swap3A_187] : memref<16x64xf32, #tpu.memory_space<vmem>>, vector<1x64xf32>
    tpu.vector_store %arg14[%swap3A_186, %swap3A_187], %slice3A_185 {strides = array<i32>} : memref<16x64xf32, #tpu.memory_space<vmem>>, vector<1x64xf32>,
    %slice3A_189 = vector.extract_strided_slice %add3A_46 {offsets = [1792, 0], sizes = [128, 64], strides = [1, 1]} : vector<2048x64xf32> to vector<128x64xf32>
    %dot_general3A_190 = arith.constant dense<0.000000e+00> : vector<128x64xf32>
    %dot_general3A_191 = tpu.matmul %convert_element_type3A_50, %slice3A_189, %dot_general3A_190 {dimension_numbers = #tpu.dot_dimension_numbers<[1], [0], [0], [1], [0, 0, 1, 1], [], []>, precision = #tpu.contract_precision<fp32>, transpose_lhs_hint = false} : vector<128x128xf32>, vector<128x64xf32>, vector<128x64xf32> -> vector<128x64xf32>
    %swap3A_192 = arith.constant 1792 : index
    %swap3A_193 = arith.constant 0 : index
    %swap3A_194 = vector.load %arg13[%swap3A_192, %swap3A_193] : memref<2048x64xf32, #tpu.memory_space<vmem>>, vector<128x64xf32>
    tpu.vector_store %arg13[%swap3A_192, %swap3A_193], %dot_general3A_191 {strides = array<i32>} : memref<2048x64xf32, #tpu.memory_space<vmem>>, vector<128x64xf32>,
    %slice3A_195 = vector.extract_strided_slice %dot_general3A_191 {offsets = [127, 0], sizes = [1, 64], strides = [1, 1]} : vector<128x64xf32> to vector<1x64xf32>
    %swap3A_196 = arith.constant 14 : index
    %swap3A_197 = arith.constant 0 : index
    %swap3A_198 = vector.load %arg14[%swap3A_196, %swap3A_197] : memref<16x64xf32, #tpu.memory_space<vmem>>, vector<1x64xf32>
    tpu.vector_store %arg14[%swap3A_196, %swap3A_197], %slice3A_195 {strides = array<i32>} : memref<16x64xf32, #tpu.memory_space<vmem>>, vector<1x64xf32>,
    %slice3A_199 = vector.extract_strided_slice %add3A_46 {offsets = [1920, 0], sizes = [128, 64], strides = [1, 1]} : vector<2048x64xf32> to vector<128x64xf32>
    %dot_general3A_200 = arith.constant dense<0.000000e+00> : vector<128x64xf32>
    %dot_general3A_201 = tpu.matmul %convert_element_type3A_50, %slice3A_199, %dot_general3A_200 {dimension_numbers = #tpu.dot_dimension_numbers<[1], [0], [0], [1], [0, 0, 1, 1], [], []>, precision = #tpu.contract_precision<fp32>, transpose_lhs_hint = false} : vector<128x128xf32>, vector<128x64xf32>, vector<128x64xf32> -> vector<128x64xf32>
    %swap3A_202 = arith.constant 1920 : index
    %swap3A_203 = arith.constant 0 : index
    %swap3A_204 = vector.load %arg13[%swap3A_202, %swap3A_203] : memref<2048x64xf32, #tpu.memory_space<vmem>>, vector<128x64xf32>
    tpu.vector_store %arg13[%swap3A_202, %swap3A_203], %dot_general3A_201 {strides = array<i32>} : memref<2048x64xf32, #tpu.memory_space<vmem>>, vector<128x64xf32>,
    %slice3A_205 = vector.extract_strided_slice %dot_general3A_201 {offsets = [127, 0], sizes = [1, 64], strides = [1, 1]} : vector<128x64xf32> to vector<1x64xf32>
    %swap3A_206 = arith.constant 15 : index
    %swap3A_207 = arith.constant 0 : index
    %swap3A_208 = vector.load %arg14[%swap3A_206, %swap3A_207] : memref<16x64xf32, #tpu.memory_space<vmem>>, vector<1x64xf32>
    tpu.vector_store %arg14[%swap3A_206, %swap3A_207], %slice3A_205 {strides = array<i32>} : memref<16x64xf32, #tpu.memory_space<vmem>>, vector<1x64xf32>,
    %iota3A_209 = tpu.iota {dimensions = array<i32: 0>} : vector<16x16xi32>
    %iota3A_210 = tpu.iota {dimensions = array<i32: 1>} : vector<16x16xi32>
    %gt3A = arith.cmpi sgt, %iota3A_209, %iota3A_210 : vector<16x16xi32>
    %convert_element_type3A_211 = arith.extui %gt3A : vector<16x16xi1> to vector<16x16xi32>
    %convert_element_type3A_212 = arith.sitofp %convert_element_type3A_211 : vector<16x16xi32> to vector<16x16xf32>
    %get3A_213 = arith.constant 0 : index
    %get3A_214 = arith.constant 0 : index
    %get3A_215 = vector.load %arg14[%get3A_213, %get3A_214] : memref<16x64xf32, #tpu.memory_space<vmem>>, vector<16x64xf32>
    %dot_general3A_216 = arith.constant dense<0.000000e+00> : vector<16x64xf32>
    %dot_general3A_217 = tpu.matmul %convert_element_type3A_212, %get3A_215, %dot_general3A_216 {dimension_numbers = #tpu.dot_dimension_numbers<[1], [0], [0], [1], [0, 0, 1, 1], [], []>, precision = #tpu.contract_precision<fp32>, transpose_lhs_hint = false} : vector<16x16xf32>, vector<16x64xf32>, vector<16x64xf32> -> vector<16x64xf32>
    %swap3A_218 = arith.constant 0 : index
    %swap3A_219 = arith.constant 0 : index
    %swap3A_220 = vector.load %arg3[%swap3A_218, %swap3A_219] : memref<2048x1xi32, #tpu.memory_space<vmem>>, vector<2048x1xi32>
    tpu.vector_store %arg3[%swap3A_218, %swap3A_219], %broadcast_in_dim3A_14 {strides = array<i32>} : memref<2048x1xi32, #tpu.memory_space<vmem>>, vector<2048x1xi32>,
    %swap3A_221 = arith.constant 0 : index
    %swap3A_222 = arith.constant 0 : index
    %swap3A_223 = vector.load %arg4[%swap3A_221, %swap3A_222] : memref<2048x1xi32, #tpu.memory_space<vmem>>, vector<2048x1xi32>
    tpu.vector_store %arg4[%swap3A_221, %swap3A_222], %broadcast_in_dim3A_30 {strides = array<i32>} : memref<2048x1xi32, #tpu.memory_space<vmem>>, vector<2048x1xi32>,
    %slice3A_224 = vector.extract_strided_slice %convert_element_type3A_41 {offsets = [0, 0], sizes = [128, 64], strides = [1, 1]} : vector<2048x64xf32> to vector<128x64xf32>
    %slice3A_225 = vector.extract_strided_slice %convert_element_type3A_45 {offsets = [0, 0], sizes = [128, 64], strides = [1, 1]} : vector<2048x64xf32> to vector<128x64xf32>
    %get3A_226 = arith.constant 0 : index
    %get3A_227 = arith.constant 0 : index
    %get3A_228 = vector.load %arg13[%get3A_226, %get3A_227] : memref<2048x64xf32, #tpu.memory_space<vmem>>, vector<128x64xf32>
    %add3A_229 = arith.addf %slice3A_224, %slice3A_225 : vector<128x64xf32>
    %sub3A_230 = arith.subf %get3A_228, %add3A_229 : vector<128x64xf32>
    %slice3A_231 = vector.extract_strided_slice %dot_general3A_217 {offsets = [0, 0], sizes = [1, 64], strides = [1, 1]} : vector<16x64xf32> to vector<1x64xf32>
    %add3A_232 = vector.broadcast %slice3A_231 : vector<1x64xf32> to vector<128x64xf32>
    %add3A_233 = arith.addf %sub3A_230, %add3A_232 : vector<128x64xf32>
    %mul3A = arith.mulf %slice3A_224, %add3A_233 : vector<128x64xf32>
    %reduce_sum3A = arith.constant dense<0.000000e+00> : vector<128xf32>
    %reduce_sum3A_234 = vector.multi_reduction <add>, %mul3A, %reduce_sum3A [1] : vector<128x64xf32> to vector<128xf32>
    %broadcast_in_dim3A_235 = vector.shape_cast %reduce_sum3A_234 : vector<128xf32> to vector<128x1xf32>
    %add3A_236 = arith.addf %add3A_233, %slice3A_224 : vector<128x64xf32>
    %mul3A_237 = arith.mulf %slice3A_225, %add3A_236 : vector<128x64xf32>
    %reduce_sum3A_238 = arith.constant dense<0.000000e+00> : vector<128xf32>
    %reduce_sum3A_239 = vector.multi_reduction <add>, %mul3A_237, %reduce_sum3A_238 [1] : vector<128x64xf32> to vector<128xf32>
    %broadcast_in_dim3A_240 = vector.shape_cast %reduce_sum3A_239 : vector<128xf32> to vector<128x1xf32>
    %add3A_241 = arith.constant 5.000000e-01 : f32
    %add3A_242 = vector.broadcast %add3A_241 : f32 to vector<128x1xf32>
    %add3A_243 = arith.addf %broadcast_in_dim3A_235, %add3A_242 : vector<128x1xf32>
    %convert_element_type3A_244 = arith.fptosi %add3A_243 : vector<128x1xf32> to vector<128x1xi32>
    %add3A_245 = arith.constant 5.000000e-01 : f32
    %add3A_246 = vector.broadcast %add3A_245 : f32 to vector<128x1xf32>
    %add3A_247 = arith.addf %broadcast_in_dim3A_240, %add3A_246 : vector<128x1xf32>
    %convert_element_type3A_248 = arith.fptosi %add3A_247 : vector<128x1xf32> to vector<128x1xi32>
    %lt3A = arith.constant 77 : i32
    %lt3A_249 = vector.broadcast %lt3A : i32 to vector<128x1xi32>
    %lt3A_250 = arith.cmpi slt, %convert_element_type3A_244, %lt3A_249 : vector<128x1xi32>
    %lt3A_251 = arith.constant 77 : i32
    %lt3A_252 = vector.broadcast %lt3A_251 : i32 to vector<128x1xi32>
    %lt3A_253 = arith.cmpi slt, %convert_element_type3A_248, %lt3A_252 : vector<128x1xi32>
    %iota3A_254 = tpu.iota {dimensions = array<i32: 0>} : vector<128x1xi32>
    %add3A_255 = arith.constant 0 : i32
    %add3A_256 = vector.broadcast %add3A_255 : i32 to vector<128x1xi32>
    %add3A_257 = arith.addi %add3A_256, %iota3A_254 : vector<128x1xi32>
    %jit3A_258 = arith.constant 64 : i32
    %div3A_259 = vector.broadcast %jit3A_258 : i32 to vector<128x1xi32>
    %div3A_260 = arith.divsi %add3A_257, %div3A_259 : vector<128x1xi32>
    %sign3A = arith.constant 0 : i32
    %sign3A_261 = vector.broadcast %sign3A : i32 to vector<128x1xi32>
    %sign3A_262 = arith.cmpi sgt, %add3A_257, %sign3A_261 : vector<128x1xi32>
    %sign3A_263 = arith.extui %sign3A_262 : vector<128x1xi1> to vector<128x1xi32>
    %sign3A_264 = arith.constant 0 : i32
    %sign3A_265 = vector.broadcast %sign3A_264 : i32 to vector<128x1xi32>
    %sign3A_266 = arith.cmpi slt, %add3A_257, %sign3A_265 : vector<128x1xi32>
    %sign3A_267 = arith.extui %sign3A_266 : vector<128x1xi1> to vector<128x1xi32>
    %sign3A_268 = arith.subi %sign3A_263, %sign3A_267 : vector<128x1xi32>
    %sign3A_269 = arith.constant 0 : i32
    %sign3A_270 = arith.cmpi sgt, %jit3A_258, %sign3A_269 : i32
    %sign3A_271 = arith.extui %sign3A_270 : i1 to i32
    %sign3A_272 = arith.constant 0 : i32
    %sign3A_273 = arith.cmpi slt, %jit3A_258, %sign3A_272 : i32
    %sign3A_274 = arith.extui %sign3A_273 : i1 to i32
    %sign3A_275 = arith.subi %sign3A_271, %sign3A_274 : i32
    %ne3A = vector.broadcast %sign3A_275 : i32 to vector<128x1xi32>
    %ne3A_276 = arith.cmpi ne, %sign3A_268, %ne3A : vector<128x1xi32>
    %rem3A = vector.broadcast %jit3A_258 : i32 to vector<128x1xi32>
    %rem3A_277 = arith.remsi %add3A_257, %rem3A : vector<128x1xi32>
    %ne3A_278 = arith.constant 0 : i32
    %ne3A_279 = vector.broadcast %ne3A_278 : i32 to vector<128x1xi32>
    %ne3A_280 = arith.cmpi ne, %rem3A_277, %ne3A_279 : vector<128x1xi32>
    %and3A = arith.andi %ne3A_276, %ne3A_280 : vector<128x1xi1>
    %sub3A_281 = arith.constant 1 : i32
    %sub3A_282 = vector.broadcast %sub3A_281 : i32 to vector<128x1xi32>
    %sub3A_283 = arith.subi %div3A_260, %sub3A_282 : vector<128x1xi32>
    %select_n3A_284 = arith.select %and3A, %sub3A_283, %div3A_260 : vector<128x1xi1>, vector<128x1xi32>
    %slice3A_285 = vector.extract_strided_slice %broadcast_in_dim3A_14 {offsets = [0, 0], sizes = [128, 1], strides = [1, 1]} : vector<2048x1xi32> to vector<128x1xi32>
    %slice3A_286 = vector.extract_strided_slice %broadcast_in_dim3A_30 {offsets = [0, 0], sizes = [128, 1], strides = [1, 1]} : vector<2048x1xi32> to vector<128x1xi32>
    %min3A = arith.constant 79 : i32
    %min3A_287 = vector.broadcast %min3A : i32 to vector<128x1xi32>
    %min3A_288 = arith.minsi %convert_element_type3A_244, %min3A_287 : vector<128x1xi32>
    %swap3A_289 = arith.constant 0 : index
    %swap3A_290 = arith.constant 0 : index
    %swap3A_291 = vector.load %arg5[%swap3A_289, %swap3A_290] : memref<2048x1xi32, #tpu.memory_space<vmem>>, vector<128x1xi32>
    tpu.vector_store %arg5[%swap3A_289, %swap3A_290], %min3A_288 {strides = array<i32>} : memref<2048x1xi32, #tpu.memory_space<vmem>>, vector<128x1xi32>,
    %min3A_292 = arith.constant 79 : i32
    %min3A_293 = vector.broadcast %min3A_292 : i32 to vector<128x1xi32>
    %min3A_294 = arith.minsi %convert_element_type3A_248, %min3A_293 : vector<128x1xi32>
    %swap3A_295 = arith.constant 0 : index
    %swap3A_296 = arith.constant 0 : index
    %swap3A_297 = vector.load %arg6[%swap3A_295, %swap3A_296] : memref<2048x1xi32, #tpu.memory_space<vmem>>, vector<128x1xi32>
    tpu.vector_store %arg6[%swap3A_295, %swap3A_296], %min3A_294 {strides = array<i32>} : memref<2048x1xi32, #tpu.memory_space<vmem>>, vector<128x1xi32>,
    %slice3A_298 = vector.extract_strided_slice %div3A_35 {offsets = [0, 0], sizes = [128, 1], strides = [1, 1]} : vector<2048x1xf32> to vector<128x1xf32>
    %convert_element_type3A_299 = arith.extui %lt3A_250 : vector<128x1xi1> to vector<128x1xi32>
    %convert_element_type3A_300 = arith.sitofp %convert_element_type3A_299 : vector<128x1xi32> to vector<128x1xf32>
    %mul3A_301 = arith.mulf %slice3A_298, %convert_element_type3A_300 : vector<128x1xf32>
    %swap3A_302 = arith.constant 0 : index
    %swap3A_303 = arith.constant 0 : index
    %swap3A_304 = vector.load %arg7[%swap3A_302, %swap3A_303] : memref<2048x1xf32, #tpu.memory_space<vmem>>, vector<128x1xf32>
    tpu.vector_store %arg7[%swap3A_302, %swap3A_303], %mul3A_301 {strides = array<i32>} : memref<2048x1xf32, #tpu.memory_space<vmem>>, vector<128x1xf32>,
    %slice3A_305 = vector.extract_strided_slice %sub3A_38 {offsets = [0, 0], sizes = [128, 1], strides = [1, 1]} : vector<2048x1xf32> to vector<128x1xf32>
    %convert_element_type3A_306 = arith.extui %lt3A_253 : vector<128x1xi1> to vector<128x1xi32>
    %convert_element_type3A_307 = arith.sitofp %convert_element_type3A_306 : vector<128x1xi32> to vector<128x1xf32>
    %mul3A_308 = arith.mulf %slice3A_305, %convert_element_type3A_307 : vector<128x1xf32>
    %swap3A_309 = arith.constant 0 : index
    %swap3A_310 = arith.constant 0 : index
    %swap3A_311 = vector.load %arg8[%swap3A_309, %swap3A_310] : memref<2048x1xf32, #tpu.memory_space<vmem>>, vector<128x1xf32>
    tpu.vector_store %arg8[%swap3A_309, %swap3A_310], %mul3A_308 {strides = array<i32>} : memref<2048x1xf32, #tpu.memory_space<vmem>>, vector<128x1xf32>,
    %convert_element_type3A_312 = arith.extui %lt3A_250 : vector<128x1xi1> to vector<128x1xi32>
    %convert_element_type3A_313 = arith.sitofp %convert_element_type3A_312 : vector<128x1xi32> to vector<128x1xf32>
    %swap3A_314 = arith.constant 0 : index
    %swap3A_315 = arith.constant 0 : index
    %swap3A_316 = vector.load %arg9[%swap3A_314, %swap3A_315] : memref<2048x1xf32, #tpu.memory_space<vmem>>, vector<128x1xf32>
    tpu.vector_store %arg9[%swap3A_314, %swap3A_315], %convert_element_type3A_313 {strides = array<i32>} : memref<2048x1xf32, #tpu.memory_space<vmem>>, vector<128x1xf32>,
    %convert_element_type3A_317 = arith.extui %lt3A_253 : vector<128x1xi1> to vector<128x1xi32>
    %convert_element_type3A_318 = arith.sitofp %convert_element_type3A_317 : vector<128x1xi32> to vector<128x1xf32>
    %swap3A_319 = arith.constant 0 : index
    %swap3A_320 = arith.constant 0 : index
    %swap3A_321 = vector.load %arg10[%swap3A_319, %swap3A_320] : memref<2048x1xf32, #tpu.memory_space<vmem>>, vector<128x1xf32>
    tpu.vector_store %arg10[%swap3A_319, %swap3A_320], %convert_element_type3A_318 {strides = array<i32>} : memref<2048x1xf32, #tpu.memory_space<vmem>>, vector<128x1xf32>,
    %mul3A_322 = arith.constant 80 : i32
    %mul3A_323 = vector.broadcast %mul3A_322 : i32 to vector<128x1xi32>
    %mul3A_324 = arith.muli %slice3A_285, %mul3A_323 : vector<128x1xi32>
    %add3A_325 = arith.addi %mul3A_324, %convert_element_type3A_244 : vector<128x1xi32>
    %add3A_326 = arith.constant 5120 : i32
    %add3A_327 = vector.broadcast %add3A_326 : i32 to vector<128x1xi32>
    %add3A_328 = arith.addi %add3A_327, %select_n3A_284 : vector<128x1xi32>
    %select_n3A_329 = arith.select %lt3A_250, %add3A_325, %add3A_328 : vector<128x1xi1>, vector<128x1xi32>
    %swap3A_330 = arith.constant 0 : index
    %swap3A_331 = arith.constant 0 : index
    %swap3A_332 = vector.load %arg11[%swap3A_330, %swap3A_331] : memref<2048x1xi32, #tpu.memory_space<vmem>>, vector<128x1xi32>
    tpu.vector_store %arg11[%swap3A_330, %swap3A_331], %select_n3A_329 {strides = array<i32>} : memref<2048x1xi32, #tpu.memory_space<vmem>>, vector<128x1xi32>,
    %mul3A_333 = arith.constant 80 : i32
    %mul3A_334 = vector.broadcast %mul3A_333 : i32 to vector<128x1xi32>
    %mul3A_335 = arith.muli %slice3A_286, %mul3A_334 : vector<128x1xi32>
    %add3A_336 = arith.addi %mul3A_335, %convert_element_type3A_248 : vector<128x1xi32>
    %add3A_337 = arith.constant 5120 : i32
    %add3A_338 = vector.broadcast %add3A_337 : i32 to vector<128x1xi32>
    %add3A_339 = arith.addi %add3A_338, %select_n3A_284 : vector<128x1xi32>
    %select_n3A_340 = arith.select %lt3A_253, %add3A_336, %add3A_339 : vector<128x1xi1>, vector<128x1xi32>
    %swap3A_341 = arith.constant 0 : index
    %swap3A_342 = arith.constant 0 : index
    %swap3A_343 = vector.load %arg12[%swap3A_341, %swap3A_342] : memref<2048x1xi32, #tpu.memory_space<vmem>>, vector<128x1xi32>
    tpu.vector_store %arg12[%swap3A_341, %swap3A_342], %select_n3A_340 {strides = array<i32>} : memref<2048x1xi32, #tpu.memory_space<vmem>>, vector<128x1xi32>,
    %slice3A_344 = vector.extract_strided_slice %convert_element_type3A_41 {offsets = [128, 0], sizes = [128, 64], strides = [1, 1]} : vector<2048x64xf32> to vector<128x64xf32>
    %slice3A_345 = vector.extract_strided_slice %convert_element_type3A_45 {offsets = [128, 0], sizes = [128, 64], strides = [1, 1]} : vector<2048x64xf32> to vector<128x64xf32>
    %get3A_346 = arith.constant 128 : index
    %get3A_347 = arith.constant 0 : index
    %get3A_348 = vector.load %arg13[%get3A_346, %get3A_347] : memref<2048x64xf32, #tpu.memory_space<vmem>>, vector<128x64xf32>
    %add3A_349 = arith.addf %slice3A_344, %slice3A_345 : vector<128x64xf32>
    %sub3A_350 = arith.subf %get3A_348, %add3A_349 : vector<128x64xf32>
    %slice3A_351 = vector.extract_strided_slice %dot_general3A_217 {offsets = [1, 0], sizes = [1, 64], strides = [1, 1]} : vector<16x64xf32> to vector<1x64xf32>
    %add3A_352 = vector.broadcast %slice3A_351 : vector<1x64xf32> to vector<128x64xf32>
    %add3A_353 = arith.addf %sub3A_350, %add3A_352 : vector<128x64xf32>
    %mul3A_354 = arith.mulf %slice3A_344, %add3A_353 : vector<128x64xf32>
    %reduce_sum3A_355 = arith.constant dense<0.000000e+00> : vector<128xf32>
    %reduce_sum3A_356 = vector.multi_reduction <add>, %mul3A_354, %reduce_sum3A_355 [1] : vector<128x64xf32> to vector<128xf32>
    %broadcast_in_dim3A_357 = vector.shape_cast %reduce_sum3A_356 : vector<128xf32> to vector<128x1xf32>
    %add3A_358 = arith.addf %add3A_353, %slice3A_344 : vector<128x64xf32>
    %mul3A_359 = arith.mulf %slice3A_345, %add3A_358 : vector<128x64xf32>
    %reduce_sum3A_360 = arith.constant dense<0.000000e+00> : vector<128xf32>
    %reduce_sum3A_361 = vector.multi_reduction <add>, %mul3A_359, %reduce_sum3A_360 [1] : vector<128x64xf32> to vector<128xf32>
    %broadcast_in_dim3A_362 = vector.shape_cast %reduce_sum3A_361 : vector<128xf32> to vector<128x1xf32>
    %add3A_363 = arith.constant 5.000000e-01 : f32
    %add3A_364 = vector.broadcast %add3A_363 : f32 to vector<128x1xf32>
    %add3A_365 = arith.addf %broadcast_in_dim3A_357, %add3A_364 : vector<128x1xf32>
    %convert_element_type3A_366 = arith.fptosi %add3A_365 : vector<128x1xf32> to vector<128x1xi32>
    %add3A_367 = arith.constant 5.000000e-01 : f32
    %add3A_368 = vector.broadcast %add3A_367 : f32 to vector<128x1xf32>
    %add3A_369 = arith.addf %broadcast_in_dim3A_362, %add3A_368 : vector<128x1xf32>
    %convert_element_type3A_370 = arith.fptosi %add3A_369 : vector<128x1xf32> to vector<128x1xi32>
    %lt3A_371 = arith.constant 77 : i32
    %lt3A_372 = vector.broadcast %lt3A_371 : i32 to vector<128x1xi32>
    %lt3A_373 = arith.cmpi slt, %convert_element_type3A_366, %lt3A_372 : vector<128x1xi32>
    %lt3A_374 = arith.constant 77 : i32
    %lt3A_375 = vector.broadcast %lt3A_374 : i32 to vector<128x1xi32>
    %lt3A_376 = arith.cmpi slt, %convert_element_type3A_370, %lt3A_375 : vector<128x1xi32>
    %iota3A_377 = tpu.iota {dimensions = array<i32: 0>} : vector<128x1xi32>
    %add3A_378 = arith.constant 128 : i32
    %add3A_379 = vector.broadcast %add3A_378 : i32 to vector<128x1xi32>
    %add3A_380 = arith.addi %add3A_379, %iota3A_377 : vector<128x1xi32>
    %jit3A_381 = arith.constant 64 : i32
    %div3A_382 = vector.broadcast %jit3A_381 : i32 to vector<128x1xi32>
    %div3A_383 = arith.divsi %add3A_380, %div3A_382 : vector<128x1xi32>
    %sign3A_384 = arith.constant 0 : i32
    %sign3A_385 = vector.broadcast %sign3A_384 : i32 to vector<128x1xi32>
    %sign3A_386 = arith.cmpi sgt, %add3A_380, %sign3A_385 : vector<128x1xi32>
    %sign3A_387 = arith.extui %sign3A_386 : vector<128x1xi1> to vector<128x1xi32>
    %sign3A_388 = arith.constant 0 : i32
    %sign3A_389 = vector.broadcast %sign3A_388 : i32 to vector<128x1xi32>
    %sign3A_390 = arith.cmpi slt, %add3A_380, %sign3A_389 : vector<128x1xi32>
    %sign3A_391 = arith.extui %sign3A_390 : vector<128x1xi1> to vector<128x1xi32>
    %sign3A_392 = arith.subi %sign3A_387, %sign3A_391 : vector<128x1xi32>
    %sign3A_393 = arith.constant 0 : i32
    %sign3A_394 = arith.cmpi sgt, %jit3A_381, %sign3A_393 : i32
    %sign3A_395 = arith.extui %sign3A_394 : i1 to i32
    %sign3A_396 = arith.constant 0 : i32
    %sign3A_397 = arith.cmpi slt, %jit3A_381, %sign3A_396 : i32
    %sign3A_398 = arith.extui %sign3A_397 : i1 to i32
    %sign3A_399 = arith.subi %sign3A_395, %sign3A_398 : i32
    %ne3A_400 = vector.broadcast %sign3A_399 : i32 to vector<128x1xi32>
    %ne3A_401 = arith.cmpi ne, %sign3A_392, %ne3A_400 : vector<128x1xi32>
    %rem3A_402 = vector.broadcast %jit3A_381 : i32 to vector<128x1xi32>
    %rem3A_403 = arith.remsi %add3A_380, %rem3A_402 : vector<128x1xi32>
    %ne3A_404 = arith.constant 0 : i32
    %ne3A_405 = vector.broadcast %ne3A_404 : i32 to vector<128x1xi32>
    %ne3A_406 = arith.cmpi ne, %rem3A_403, %ne3A_405 : vector<128x1xi32>
    %and3A_407 = arith.andi %ne3A_401, %ne3A_406 : vector<128x1xi1>
    %sub3A_408 = arith.constant 1 : i32
    %sub3A_409 = vector.broadcast %sub3A_408 : i32 to vector<128x1xi32>
    %sub3A_410 = arith.subi %div3A_383, %sub3A_409 : vector<128x1xi32>
    %select_n3A_411 = arith.select %and3A_407, %sub3A_410, %div3A_383 : vector<128x1xi1>, vector<128x1xi32>
    %slice3A_412 = vector.extract_strided_slice %broadcast_in_dim3A_14 {offsets = [128, 0], sizes = [128, 1], strides = [1, 1]} : vector<2048x1xi32> to vector<128x1xi32>
    %slice3A_413 = vector.extract_strided_slice %broadcast_in_dim3A_30 {offsets = [128, 0], sizes = [128, 1], strides = [1, 1]} : vector<2048x1xi32> to vector<128x1xi32>
    %min3A_414 = arith.constant 79 : i32
    %min3A_415 = vector.broadcast %min3A_414 : i32 to vector<128x1xi32>
    %min3A_416 = arith.minsi %convert_element_type3A_366, %min3A_415 : vector<128x1xi32>
    %swap3A_417 = arith.constant 128 : index
    %swap3A_418 = arith.constant 0 : index
    %swap3A_419 = vector.load %arg5[%swap3A_417, %swap3A_418] : memref<2048x1xi32, #tpu.memory_space<vmem>>, vector<128x1xi32>
    tpu.vector_store %arg5[%swap3A_417, %swap3A_418], %min3A_416 {strides = array<i32>} : memref<2048x1xi32, #tpu.memory_space<vmem>>, vector<128x1xi32>,
    %min3A_420 = arith.constant 79 : i32
    %min3A_421 = vector.broadcast %min3A_420 : i32 to vector<128x1xi32>
    %min3A_422 = arith.minsi %convert_element_type3A_370, %min3A_421 : vector<128x1xi32>
    %swap3A_423 = arith.constant 128 : index
    %swap3A_424 = arith.constant 0 : index
    %swap3A_425 = vector.load %arg6[%swap3A_423, %swap3A_424] : memref<2048x1xi32, #tpu.memory_space<vmem>>, vector<128x1xi32>
    tpu.vector_store %arg6[%swap3A_423, %swap3A_424], %min3A_422 {strides = array<i32>} : memref<2048x1xi32, #tpu.memory_space<vmem>>, vector<128x1xi32>,
    %slice3A_426 = vector.extract_strided_slice %div3A_35 {offsets = [128, 0], sizes = [128, 1], strides = [1, 1]} : vector<2048x1xf32> to vector<128x1xf32>
    %convert_element_type3A_427 = arith.extui %lt3A_373 : vector<128x1xi1> to vector<128x1xi32>
    %convert_element_type3A_428 = arith.sitofp %convert_element_type3A_427 : vector<128x1xi32> to vector<128x1xf32>
    %mul3A_429 = arith.mulf %slice3A_426, %convert_element_type3A_428 : vector<128x1xf32>
    %swap3A_430 = arith.constant 128 : index
    %swap3A_431 = arith.constant 0 : index
    %swap3A_432 = vector.load %arg7[%swap3A_430, %swap3A_431] : memref<2048x1xf32, #tpu.memory_space<vmem>>, vector<128x1xf32>
    tpu.vector_store %arg7[%swap3A_430, %swap3A_431], %mul3A_429 {strides = array<i32>} : memref<2048x1xf32, #tpu.memory_space<vmem>>, vector<128x1xf32>,
    %slice3A_433 = vector.extract_strided_slice %sub3A_38 {offsets = [128, 0], sizes = [128, 1], strides = [1, 1]} : vector<2048x1xf32> to vector<128x1xf32>
    %convert_element_type3A_434 = arith.extui %lt3A_376 : vector<128x1xi1> to vector<128x1xi32>
    %convert_element_type3A_435 = arith.sitofp %convert_element_type3A_434 : vector<128x1xi32> to vector<128x1xf32>
    %mul3A_436 = arith.mulf %slice3A_433, %convert_element_type3A_435 : vector<128x1xf32>
    %swap3A_437 = arith.constant 128 : index
    %swap3A_438 = arith.constant 0 : index
    %swap3A_439 = vector.load %arg8[%swap3A_437, %swap3A_438] : memref<2048x1xf32, #tpu.memory_space<vmem>>, vector<128x1xf32>
    tpu.vector_store %arg8[%swap3A_437, %swap3A_438], %mul3A_436 {strides = array<i32>} : memref<2048x1xf32, #tpu.memory_space<vmem>>, vector<128x1xf32>,
    %convert_element_type3A_440 = arith.extui %lt3A_373 : vector<128x1xi1> to vector<128x1xi32>
    %convert_element_type3A_441 = arith.sitofp %convert_element_type3A_440 : vector<128x1xi32> to vector<128x1xf32>
    %swap3A_442 = arith.constant 128 : index
    %swap3A_443 = arith.constant 0 : index
    %swap3A_444 = vector.load %arg9[%swap3A_442, %swap3A_443] : memref<2048x1xf32, #tpu.memory_space<vmem>>, vector<128x1xf32>
    tpu.vector_store %arg9[%swap3A_442, %swap3A_443], %convert_element_type3A_441 {strides = array<i32>} : memref<2048x1xf32, #tpu.memory_space<vmem>>, vector<128x1xf32>,
    %convert_element_type3A_445 = arith.extui %lt3A_376 : vector<128x1xi1> to vector<128x1xi32>
    %convert_element_type3A_446 = arith.sitofp %convert_element_type3A_445 : vector<128x1xi32> to vector<128x1xf32>
    %swap3A_447 = arith.constant 128 : index
    %swap3A_448 = arith.constant 0 : index
    %swap3A_449 = vector.load %arg10[%swap3A_447, %swap3A_448] : memref<2048x1xf32, #tpu.memory_space<vmem>>, vector<128x1xf32>
    tpu.vector_store %arg10[%swap3A_447, %swap3A_448], %convert_element_type3A_446 {strides = array<i32>} : memref<2048x1xf32, #tpu.memory_space<vmem>>, vector<128x1xf32>,
    %mul3A_450 = arith.constant 80 : i32
    %mul3A_451 = vector.broadcast %mul3A_450 : i32 to vector<128x1xi32>
    %mul3A_452 = arith.muli %slice3A_412, %mul3A_451 : vector<128x1xi32>
    %add3A_453 = arith.addi %mul3A_452, %convert_element_type3A_366 : vector<128x1xi32>
    %add3A_454 = arith.constant 5120 : i32
    %add3A_455 = vector.broadcast %add3A_454 : i32 to vector<128x1xi32>
    %add3A_456 = arith.addi %add3A_455, %select_n3A_411 : vector<128x1xi32>
    %select_n3A_457 = arith.select %lt3A_373, %add3A_453, %add3A_456 : vector<128x1xi1>, vector<128x1xi32>
    %swap3A_458 = arith.constant 128 : index
    %swap3A_459 = arith.constant 0 : index
    %swap3A_460 = vector.load %arg11[%swap3A_458, %swap3A_459] : memref<2048x1xi32, #tpu.memory_space<vmem>>, vector<128x1xi32>
    tpu.vector_store %arg11[%swap3A_458, %swap3A_459], %select_n3A_457 {strides = array<i32>} : memref<2048x1xi32, #tpu.memory_space<vmem>>, vector<128x1xi32>,
    %mul3A_461 = arith.constant 80 : i32
    %mul3A_462 = vector.broadcast %mul3A_461 : i32 to vector<128x1xi32>
    %mul3A_463 = arith.muli %slice3A_413, %mul3A_462 : vector<128x1xi32>
    %add3A_464 = arith.addi %mul3A_463, %convert_element_type3A_370 : vector<128x1xi32>
    %add3A_465 = arith.constant 5120 : i32
    %add3A_466 = vector.broadcast %add3A_465 : i32 to vector<128x1xi32>
    %add3A_467 = arith.addi %add3A_466, %select_n3A_411 : vector<128x1xi32>
    %select_n3A_468 = arith.select %lt3A_376, %add3A_464, %add3A_467 : vector<128x1xi1>, vector<128x1xi32>
    %swap3A_469 = arith.constant 128 : index
    %swap3A_470 = arith.constant 0 : index
    %swap3A_471 = vector.load %arg12[%swap3A_469, %swap3A_470] : memref<2048x1xi32, #tpu.memory_space<vmem>>, vector<128x1xi32>
    tpu.vector_store %arg12[%swap3A_469, %swap3A_470], %select_n3A_468 {strides = array<i32>} : memref<2048x1xi32, #tpu.memory_space<vmem>>, vector<128x1xi32>,
    %slice3A_472 = vector.extract_strided_slice %convert_element_type3A_41 {offsets = [256, 0], sizes = [128, 64], strides = [1, 1]} : vector<2048x64xf32> to vector<128x64xf32>
    %slice3A_473 = vector.extract_strided_slice %convert_element_type3A_45 {offsets = [256, 0], sizes = [128, 64], strides = [1, 1]} : vector<2048x64xf32> to vector<128x64xf32>
    %get3A_474 = arith.constant 256 : index
    %get3A_475 = arith.constant 0 : index
    %get3A_476 = vector.load %arg13[%get3A_474, %get3A_475] : memref<2048x64xf32, #tpu.memory_space<vmem>>, vector<128x64xf32>
    %add3A_477 = arith.addf %slice3A_472, %slice3A_473 : vector<128x64xf32>
    %sub3A_478 = arith.subf %get3A_476, %add3A_477 : vector<128x64xf32>
    %slice3A_479 = vector.extract_strided_slice %dot_general3A_217 {offsets = [2, 0], sizes = [1, 64], strides = [1, 1]} : vector<16x64xf32> to vector<1x64xf32>
    %add3A_480 = vector.broadcast %slice3A_479 : vector<1x64xf32> to vector<128x64xf32>
    %add3A_481 = arith.addf %sub3A_478, %add3A_480 : vector<128x64xf32>
    %mul3A_482 = arith.mulf %slice3A_472, %add3A_481 : vector<128x64xf32>
    %reduce_sum3A_483 = arith.constant dense<0.000000e+00> : vector<128xf32>
    %reduce_sum3A_484 = vector.multi_reduction <add>, %mul3A_482, %reduce_sum3A_483 [1] : vector<128x64xf32> to vector<128xf32>
    %broadcast_in_dim3A_485 = vector.shape_cast %reduce_sum3A_484 : vector<128xf32> to vector<128x1xf32>
    %add3A_486 = arith.addf %add3A_481, %slice3A_472 : vector<128x64xf32>
    %mul3A_487 = arith.mulf %slice3A_473, %add3A_486 : vector<128x64xf32>
    %reduce_sum3A_488 = arith.constant dense<0.000000e+00> : vector<128xf32>
    %reduce_sum3A_489 = vector.multi_reduction <add>, %mul3A_487, %reduce_sum3A_488 [1] : vector<128x64xf32> to vector<128xf32>
    %broadcast_in_dim3A_490 = vector.shape_cast %reduce_sum3A_489 : vector<128xf32> to vector<128x1xf32>
    %add3A_491 = arith.constant 5.000000e-01 : f32
    %add3A_492 = vector.broadcast %add3A_491 : f32 to vector<128x1xf32>
    %add3A_493 = arith.addf %broadcast_in_dim3A_485, %add3A_492 : vector<128x1xf32>
    %convert_element_type3A_494 = arith.fptosi %add3A_493 : vector<128x1xf32> to vector<128x1xi32>
    %add3A_495 = arith.constant 5.000000e-01 : f32
    %add3A_496 = vector.broadcast %add3A_495 : f32 to vector<128x1xf32>
    %add3A_497 = arith.addf %broadcast_in_dim3A_490, %add3A_496 : vector<128x1xf32>
    %convert_element_type3A_498 = arith.fptosi %add3A_497 : vector<128x1xf32> to vector<128x1xi32>
    %lt3A_499 = arith.constant 77 : i32
    %lt3A_500 = vector.broadcast %lt3A_499 : i32 to vector<128x1xi32>
    %lt3A_501 = arith.cmpi slt, %convert_element_type3A_494, %lt3A_500 : vector<128x1xi32>
    %lt3A_502 = arith.constant 77 : i32
    %lt3A_503 = vector.broadcast %lt3A_502 : i32 to vector<128x1xi32>
    %lt3A_504 = arith.cmpi slt, %convert_element_type3A_498, %lt3A_503 : vector<128x1xi32>
    %iota3A_505 = tpu.iota {dimensions = array<i32: 0>} : vector<128x1xi32>
    %add3A_506 = arith.constant 256 : i32
    %add3A_507 = vector.broadcast %add3A_506 : i32 to vector<128x1xi32>
    %add3A_508 = arith.addi %add3A_507, %iota3A_505 : vector<128x1xi32>
    %jit3A_509 = arith.constant 64 : i32
    %div3A_510 = vector.broadcast %jit3A_509 : i32 to vector<128x1xi32>
    %div3A_511 = arith.divsi %add3A_508, %div3A_510 : vector<128x1xi32>
    %sign3A_512 = arith.constant 0 : i32
    %sign3A_513 = vector.broadcast %sign3A_512 : i32 to vector<128x1xi32>
    %sign3A_514 = arith.cmpi sgt, %add3A_508, %sign3A_513 : vector<128x1xi32>
    %sign3A_515 = arith.extui %sign3A_514 : vector<128x1xi1> to vector<128x1xi32>
    %sign3A_516 = arith.constant 0 : i32
    %sign3A_517 = vector.broadcast %sign3A_516 : i32 to vector<128x1xi32>
    %sign3A_518 = arith.cmpi slt, %add3A_508, %sign3A_517 : vector<128x1xi32>
    %sign3A_519 = arith.extui %sign3A_518 : vector<128x1xi1> to vector<128x1xi32>
    %sign3A_520 = arith.subi %sign3A_515, %sign3A_519 : vector<128x1xi32>
    %sign3A_521 = arith.constant 0 : i32
    %sign3A_522 = arith.cmpi sgt, %jit3A_509, %sign3A_521 : i32
    %sign3A_523 = arith.extui %sign3A_522 : i1 to i32
    %sign3A_524 = arith.constant 0 : i32
    %sign3A_525 = arith.cmpi slt, %jit3A_509, %sign3A_524 : i32
    %sign3A_526 = arith.extui %sign3A_525 : i1 to i32
    %sign3A_527 = arith.subi %sign3A_523, %sign3A_526 : i32
    %ne3A_528 = vector.broadcast %sign3A_527 : i32 to vector<128x1xi32>
    %ne3A_529 = arith.cmpi ne, %sign3A_520, %ne3A_528 : vector<128x1xi32>
    %rem3A_530 = vector.broadcast %jit3A_509 : i32 to vector<128x1xi32>
    %rem3A_531 = arith.remsi %add3A_508, %rem3A_530 : vector<128x1xi32>
    %ne3A_532 = arith.constant 0 : i32
    %ne3A_533 = vector.broadcast %ne3A_532 : i32 to vector<128x1xi32>
    %ne3A_534 = arith.cmpi ne, %rem3A_531, %ne3A_533 : vector<128x1xi32>
    %and3A_535 = arith.andi %ne3A_529, %ne3A_534 : vector<128x1xi1>
    %sub3A_536 = arith.constant 1 : i32
    %sub3A_537 = vector.broadcast %sub3A_536 : i32 to vector<128x1xi32>
    %sub3A_538 = arith.subi %div3A_511, %sub3A_537 : vector<128x1xi32>
    %select_n3A_539 = arith.select %and3A_535, %sub3A_538, %div3A_511 : vector<128x1xi1>, vector<128x1xi32>
    %slice3A_540 = vector.extract_strided_slice %broadcast_in_dim3A_14 {offsets = [256, 0], sizes = [128, 1], strides = [1, 1]} : vector<2048x1xi32> to vector<128x1xi32>
    %slice3A_541 = vector.extract_strided_slice %broadcast_in_dim3A_30 {offsets = [256, 0], sizes = [128, 1], strides = [1, 1]} : vector<2048x1xi32> to vector<128x1xi32>
    %min3A_542 = arith.constant 79 : i32
    %min3A_543 = vector.broadcast %min3A_542 : i32 to vector<128x1xi32>
    %min3A_544 = arith.minsi %convert_element_type3A_494, %min3A_543 : vector<128x1xi32>
    %swap3A_545 = arith.constant 256 : index
    %swap3A_546 = arith.constant 0 : index
    %swap3A_547 = vector.load %arg5[%swap3A_545, %swap3A_546] : memref<2048x1xi32, #tpu.memory_space<vmem>>, vector<128x1xi32>
    tpu.vector_store %arg5[%swap3A_545, %swap3A_546], %min3A_544 {strides = array<i32>} : memref<2048x1xi32, #tpu.memory_space<vmem>>, vector<128x1xi32>,
    %min3A_548 = arith.constant 79 : i32
    %min3A_549 = vector.broadcast %min3A_548 : i32 to vector<128x1xi32>
    %min3A_550 = arith.minsi %convert_element_type3A_498, %min3A_549 : vector<128x1xi32>
    %swap3A_551 = arith.constant 256 : index
    %swap3A_552 = arith.constant 0 : index
    %swap3A_553 = vector.load %arg6[%swap3A_551, %swap3A_552] : memref<2048x1xi32, #tpu.memory_space<vmem>>, vector<128x1xi32>
    tpu.vector_store %arg6[%swap3A_551, %swap3A_552], %min3A_550 {strides = array<i32>} : memref<2048x1xi32, #tpu.memory_space<vmem>>, vector<128x1xi32>,
    %slice3A_554 = vector.extract_strided_slice %div3A_35 {offsets = [256, 0], sizes = [128, 1], strides = [1, 1]} : vector<2048x1xf32> to vector<128x1xf32>
    %convert_element_type3A_555 = arith.extui %lt3A_501 : vector<128x1xi1> to vector<128x1xi32>
    %convert_element_type3A_556 = arith.sitofp %convert_element_type3A_555 : vector<128x1xi32> to vector<128x1xf32>
    %mul3A_557 = arith.mulf %slice3A_554, %convert_element_type3A_556 : vector<128x1xf32>
    %swap3A_558 = arith.constant 256 : index
    %swap3A_559 = arith.constant 0 : index
    %swap3A_560 = vector.load %arg7[%swap3A_558, %swap3A_559] : memref<2048x1xf32, #tpu.memory_space<vmem>>, vector<128x1xf32>
    tpu.vector_store %arg7[%swap3A_558, %swap3A_559], %mul3A_557 {strides = array<i32>} : memref<2048x1xf32, #tpu.memory_space<vmem>>, vector<128x1xf32>,
    %slice3A_561 = vector.extract_strided_slice %sub3A_38 {offsets = [256, 0], sizes = [128, 1], strides = [1, 1]} : vector<2048x1xf32> to vector<128x1xf32>
    %convert_element_type3A_562 = arith.extui %lt3A_504 : vector<128x1xi1> to vector<128x1xi32>
    %convert_element_type3A_563 = arith.sitofp %convert_element_type3A_562 : vector<128x1xi32> to vector<128x1xf32>
    %mul3A_564 = arith.mulf %slice3A_561, %convert_element_type3A_563 : vector<128x1xf32>
    %swap3A_565 = arith.constant 256 : index
    %swap3A_566 = arith.constant 0 : index
    %swap3A_567 = vector.load %arg8[%swap3A_565, %swap3A_566] : memref<2048x1xf32, #tpu.memory_space<vmem>>, vector<128x1xf32>
    tpu.vector_store %arg8[%swap3A_565, %swap3A_566], %mul3A_564 {strides = array<i32>} : memref<2048x1xf32, #tpu.memory_space<vmem>>, vector<128x1xf32>,
    %convert_element_type3A_568 = arith.extui %lt3A_501 : vector<128x1xi1> to vector<128x1xi32>
    %convert_element_type3A_569 = arith.sitofp %convert_element_type3A_568 : vector<128x1xi32> to vector<128x1xf32>
    %swap3A_570 = arith.constant 256 : index
    %swap3A_571 = arith.constant 0 : index
    %swap3A_572 = vector.load %arg9[%swap3A_570, %swap3A_571] : memref<2048x1xf32, #tpu.memory_space<vmem>>, vector<128x1xf32>
    tpu.vector_store %arg9[%swap3A_570, %swap3A_571], %convert_element_type3A_569 {strides = array<i32>} : memref<2048x1xf32, #tpu.memory_space<vmem>>, vector<128x1xf32>,
    %convert_element_type3A_573 = arith.extui %lt3A_504 : vector<128x1xi1> to vector<128x1xi32>
    %convert_element_type3A_574 = arith.sitofp %convert_element_type3A_573 : vector<128x1xi32> to vector<128x1xf32>
    %swap3A_575 = arith.constant 256 : index
    %swap3A_576 = arith.constant 0 : index
    %swap3A_577 = vector.load %arg10[%swap3A_575, %swap3A_576] : memref<2048x1xf32, #tpu.memory_space<vmem>>, vector<128x1xf32>
    tpu.vector_store %arg10[%swap3A_575, %swap3A_576], %convert_element_type3A_574 {strides = array<i32>} : memref<2048x1xf32, #tpu.memory_space<vmem>>, vector<128x1xf32>,
    %mul3A_578 = arith.constant 80 : i32
    %mul3A_579 = vector.broadcast %mul3A_578 : i32 to vector<128x1xi32>
    %mul3A_580 = arith.muli %slice3A_540, %mul3A_579 : vector<128x1xi32>
    %add3A_581 = arith.addi %mul3A_580, %convert_element_type3A_494 : vector<128x1xi32>
    %add3A_582 = arith.constant 5120 : i32
    %add3A_583 = vector.broadcast %add3A_582 : i32 to vector<128x1xi32>
    %add3A_584 = arith.addi %add3A_583, %select_n3A_539 : vector<128x1xi32>
    %select_n3A_585 = arith.select %lt3A_501, %add3A_581, %add3A_584 : vector<128x1xi1>, vector<128x1xi32>
    %swap3A_586 = arith.constant 256 : index
    %swap3A_587 = arith.constant 0 : index
    %swap3A_588 = vector.load %arg11[%swap3A_586, %swap3A_587] : memref<2048x1xi32, #tpu.memory_space<vmem>>, vector<128x1xi32>
    tpu.vector_store %arg11[%swap3A_586, %swap3A_587], %select_n3A_585 {strides = array<i32>} : memref<2048x1xi32, #tpu.memory_space<vmem>>, vector<128x1xi32>,
    %mul3A_589 = arith.constant 80 : i32
    %mul3A_590 = vector.broadcast %mul3A_589 : i32 to vector<128x1xi32>
    %mul3A_591 = arith.muli %slice3A_541, %mul3A_590 : vector<128x1xi32>
    %add3A_592 = arith.addi %mul3A_591, %convert_element_type3A_498 : vector<128x1xi32>
    %add3A_593 = arith.constant 5120 : i32
    %add3A_594 = vector.broadcast %add3A_593 : i32 to vector<128x1xi32>
    %add3A_595 = arith.addi %add3A_594, %select_n3A_539 : vector<128x1xi32>
    %select_n3A_596 = arith.select %lt3A_504, %add3A_592, %add3A_595 : vector<128x1xi1>, vector<128x1xi32>
    %swap3A_597 = arith.constant 256 : index
    %swap3A_598 = arith.constant 0 : index
    %swap3A_599 = vector.load %arg12[%swap3A_597, %swap3A_598] : memref<2048x1xi32, #tpu.memory_space<vmem>>, vector<128x1xi32>
    tpu.vector_store %arg12[%swap3A_597, %swap3A_598], %select_n3A_596 {strides = array<i32>} : memref<2048x1xi32, #tpu.memory_space<vmem>>, vector<128x1xi32>,
    %slice3A_600 = vector.extract_strided_slice %convert_element_type3A_41 {offsets = [384, 0], sizes = [128, 64], strides = [1, 1]} : vector<2048x64xf32> to vector<128x64xf32>
    %slice3A_601 = vector.extract_strided_slice %convert_element_type3A_45 {offsets = [384, 0], sizes = [128, 64], strides = [1, 1]} : vector<2048x64xf32> to vector<128x64xf32>
    %get3A_602 = arith.constant 384 : index
    %get3A_603 = arith.constant 0 : index
    %get3A_604 = vector.load %arg13[%get3A_602, %get3A_603] : memref<2048x64xf32, #tpu.memory_space<vmem>>, vector<128x64xf32>
    %add3A_605 = arith.addf %slice3A_600, %slice3A_601 : vector<128x64xf32>
    %sub3A_606 = arith.subf %get3A_604, %add3A_605 : vector<128x64xf32>
    %slice3A_607 = vector.extract_strided_slice %dot_general3A_217 {offsets = [3, 0], sizes = [1, 64], strides = [1, 1]} : vector<16x64xf32> to vector<1x64xf32>
    %add3A_608 = vector.broadcast %slice3A_607 : vector<1x64xf32> to vector<128x64xf32>
    %add3A_609 = arith.addf %sub3A_606, %add3A_608 : vector<128x64xf32>
    %mul3A_610 = arith.mulf %slice3A_600, %add3A_609 : vector<128x64xf32>
    %reduce_sum3A_611 = arith.constant dense<0.000000e+00> : vector<128xf32>
    %reduce_sum3A_612 = vector.multi_reduction <add>, %mul3A_610, %reduce_sum3A_611 [1] : vector<128x64xf32> to vector<128xf32>
    %broadcast_in_dim3A_613 = vector.shape_cast %reduce_sum3A_612 : vector<128xf32> to vector<128x1xf32>
    %add3A_614 = arith.addf %add3A_609, %slice3A_600 : vector<128x64xf32>
    %mul3A_615 = arith.mulf %slice3A_601, %add3A_614 : vector<128x64xf32>
    %reduce_sum3A_616 = arith.constant dense<0.000000e+00> : vector<128xf32>
    %reduce_sum3A_617 = vector.multi_reduction <add>, %mul3A_615, %reduce_sum3A_616 [1] : vector<128x64xf32> to vector<128xf32>
    %broadcast_in_dim3A_618 = vector.shape_cast %reduce_sum3A_617 : vector<128xf32> to vector<128x1xf32>
    %add3A_619 = arith.constant 5.000000e-01 : f32
    %add3A_620 = vector.broadcast %add3A_619 : f32 to vector<128x1xf32>
    %add3A_621 = arith.addf %broadcast_in_dim3A_613, %add3A_620 : vector<128x1xf32>
    %convert_element_type3A_622 = arith.fptosi %add3A_621 : vector<128x1xf32> to vector<128x1xi32>
    %add3A_623 = arith.constant 5.000000e-01 : f32
    %add3A_624 = vector.broadcast %add3A_623 : f32 to vector<128x1xf32>
    %add3A_625 = arith.addf %broadcast_in_dim3A_618, %add3A_624 : vector<128x1xf32>
    %convert_element_type3A_626 = arith.fptosi %add3A_625 : vector<128x1xf32> to vector<128x1xi32>
    %lt3A_627 = arith.constant 77 : i32
    %lt3A_628 = vector.broadcast %lt3A_627 : i32 to vector<128x1xi32>
    %lt3A_629 = arith.cmpi slt, %convert_element_type3A_622, %lt3A_628 : vector<128x1xi32>
    %lt3A_630 = arith.constant 77 : i32
    %lt3A_631 = vector.broadcast %lt3A_630 : i32 to vector<128x1xi32>
    %lt3A_632 = arith.cmpi slt, %convert_element_type3A_626, %lt3A_631 : vector<128x1xi32>
    %iota3A_633 = tpu.iota {dimensions = array<i32: 0>} : vector<128x1xi32>
    %add3A_634 = arith.constant 384 : i32
    %add3A_635 = vector.broadcast %add3A_634 : i32 to vector<128x1xi32>
    %add3A_636 = arith.addi %add3A_635, %iota3A_633 : vector<128x1xi32>
    %jit3A_637 = arith.constant 64 : i32
    %div3A_638 = vector.broadcast %jit3A_637 : i32 to vector<128x1xi32>
    %div3A_639 = arith.divsi %add3A_636, %div3A_638 : vector<128x1xi32>
    %sign3A_640 = arith.constant 0 : i32
    %sign3A_641 = vector.broadcast %sign3A_640 : i32 to vector<128x1xi32>
    %sign3A_642 = arith.cmpi sgt, %add3A_636, %sign3A_641 : vector<128x1xi32>
    %sign3A_643 = arith.extui %sign3A_642 : vector<128x1xi1> to vector<128x1xi32>
    %sign3A_644 = arith.constant 0 : i32
    %sign3A_645 = vector.broadcast %sign3A_644 : i32 to vector<128x1xi32>
    %sign3A_646 = arith.cmpi slt, %add3A_636, %sign3A_645 : vector<128x1xi32>
    %sign3A_647 = arith.extui %sign3A_646 : vector<128x1xi1> to vector<128x1xi32>
    %sign3A_648 = arith.subi %sign3A_643, %sign3A_647 : vector<128x1xi32>
    %sign3A_649 = arith.constant 0 : i32
    %sign3A_650 = arith.cmpi sgt, %jit3A_637, %sign3A_649 : i32
    %sign3A_651 = arith.extui %sign3A_650 : i1 to i32
    %sign3A_652 = arith.constant 0 : i32
    %sign3A_653 = arith.cmpi slt, %jit3A_637, %sign3A_652 : i32
    %sign3A_654 = arith.extui %sign3A_653 : i1 to i32
    %sign3A_655 = arith.subi %sign3A_651, %sign3A_654 : i32
    %ne3A_656 = vector.broadcast %sign3A_655 : i32 to vector<128x1xi32>
    %ne3A_657 = arith.cmpi ne, %sign3A_648, %ne3A_656 : vector<128x1xi32>
    %rem3A_658 = vector.broadcast %jit3A_637 : i32 to vector<128x1xi32>
    %rem3A_659 = arith.remsi %add3A_636, %rem3A_658 : vector<128x1xi32>
    %ne3A_660 = arith.constant 0 : i32
    %ne3A_661 = vector.broadcast %ne3A_660 : i32 to vector<128x1xi32>
    %ne3A_662 = arith.cmpi ne, %rem3A_659, %ne3A_661 : vector<128x1xi32>
    %and3A_663 = arith.andi %ne3A_657, %ne3A_662 : vector<128x1xi1>
    %sub3A_664 = arith.constant 1 : i32
    %sub3A_665 = vector.broadcast %sub3A_664 : i32 to vector<128x1xi32>
    %sub3A_666 = arith.subi %div3A_639, %sub3A_665 : vector<128x1xi32>
    %select_n3A_667 = arith.select %and3A_663, %sub3A_666, %div3A_639 : vector<128x1xi1>, vector<128x1xi32>
    %slice3A_668 = vector.extract_strided_slice %broadcast_in_dim3A_14 {offsets = [384, 0], sizes = [128, 1], strides = [1, 1]} : vector<2048x1xi32> to vector<128x1xi32>
    %slice3A_669 = vector.extract_strided_slice %broadcast_in_dim3A_30 {offsets = [384, 0], sizes = [128, 1], strides = [1, 1]} : vector<2048x1xi32> to vector<128x1xi32>
    %min3A_670 = arith.constant 79 : i32
    %min3A_671 = vector.broadcast %min3A_670 : i32 to vector<128x1xi32>
    %min3A_672 = arith.minsi %convert_element_type3A_622, %min3A_671 : vector<128x1xi32>
    %swap3A_673 = arith.constant 384 : index
    %swap3A_674 = arith.constant 0 : index
    %swap3A_675 = vector.load %arg5[%swap3A_673, %swap3A_674] : memref<2048x1xi32, #tpu.memory_space<vmem>>, vector<128x1xi32>
    tpu.vector_store %arg5[%swap3A_673, %swap3A_674], %min3A_672 {strides = array<i32>} : memref<2048x1xi32, #tpu.memory_space<vmem>>, vector<128x1xi32>,
    %min3A_676 = arith.constant 79 : i32
    %min3A_677 = vector.broadcast %min3A_676 : i32 to vector<128x1xi32>
    %min3A_678 = arith.minsi %convert_element_type3A_626, %min3A_677 : vector<128x1xi32>
    %swap3A_679 = arith.constant 384 : index
    %swap3A_680 = arith.constant 0 : index
    %swap3A_681 = vector.load %arg6[%swap3A_679, %swap3A_680] : memref<2048x1xi32, #tpu.memory_space<vmem>>, vector<128x1xi32>
    tpu.vector_store %arg6[%swap3A_679, %swap3A_680], %min3A_678 {strides = array<i32>} : memref<2048x1xi32, #tpu.memory_space<vmem>>, vector<128x1xi32>,
    %slice3A_682 = vector.extract_strided_slice %div3A_35 {offsets = [384, 0], sizes = [128, 1], strides = [1, 1]} : vector<2048x1xf32> to vector<128x1xf32>
    %convert_element_type3A_683 = arith.extui %lt3A_629 : vector<128x1xi1> to vector<128x1xi32>
    %convert_element_type3A_684 = arith.sitofp %convert_element_type3A_683 : vector<128x1xi32> to vector<128x1xf32>
    %mul3A_685 = arith.mulf %slice3A_682, %convert_element_type3A_684 : vector<128x1xf32>
    %swap3A_686 = arith.constant 384 : index
    %swap3A_687 = arith.constant 0 : index
    %swap3A_688 = vector.load %arg7[%swap3A_686, %swap3A_687] : memref<2048x1xf32, #tpu.memory_space<vmem>>, vector<128x1xf32>
    tpu.vector_store %arg7[%swap3A_686, %swap3A_687], %mul3A_685 {strides = array<i32>} : memref<2048x1xf32, #tpu.memory_space<vmem>>, vector<128x1xf32>,
    %slice3A_689 = vector.extract_strided_slice %sub3A_38 {offsets = [384, 0], sizes = [128, 1], strides = [1, 1]} : vector<2048x1xf32> to vector<128x1xf32>
    %convert_element_type3A_690 = arith.extui %lt3A_632 : vector<128x1xi1> to vector<128x1xi32>
    %convert_element_type3A_691 = arith.sitofp %convert_element_type3A_690 : vector<128x1xi32> to vector<128x1xf32>
    %mul3A_692 = arith.mulf %slice3A_689, %convert_element_type3A_691 : vector<128x1xf32>
    %swap3A_693 = arith.constant 384 : index
    %swap3A_694 = arith.constant 0 : index
    %swap3A_695 = vector.load %arg8[%swap3A_693, %swap3A_694] : memref<2048x1xf32, #tpu.memory_space<vmem>>, vector<128x1xf32>
    tpu.vector_store %arg8[%swap3A_693, %swap3A_694], %mul3A_692 {strides = array<i32>} : memref<2048x1xf32, #tpu.memory_space<vmem>>, vector<128x1xf32>,
    %convert_element_type3A_696 = arith.extui %lt3A_629 : vector<128x1xi1> to vector<128x1xi32>
    %convert_element_type3A_697 = arith.sitofp %convert_element_type3A_696 : vector<128x1xi32> to vector<128x1xf32>
    %swap3A_698 = arith.constant 384 : index
    %swap3A_699 = arith.constant 0 : index
    %swap3A_700 = vector.load %arg9[%swap3A_698, %swap3A_699] : memref<2048x1xf32, #tpu.memory_space<vmem>>, vector<128x1xf32>
    tpu.vector_store %arg9[%swap3A_698, %swap3A_699], %convert_element_type3A_697 {strides = array<i32>} : memref<2048x1xf32, #tpu.memory_space<vmem>>, vector<128x1xf32>,
    %convert_element_type3A_701 = arith.extui %lt3A_632 : vector<128x1xi1> to vector<128x1xi32>
    %convert_element_type3A_702 = arith.sitofp %convert_element_type3A_701 : vector<128x1xi32> to vector<128x1xf32>
    %swap3A_703 = arith.constant 384 : index
    %swap3A_704 = arith.constant 0 : index
    %swap3A_705 = vector.load %arg10[%swap3A_703, %swap3A_704] : memref<2048x1xf32, #tpu.memory_space<vmem>>, vector<128x1xf32>
    tpu.vector_store %arg10[%swap3A_703, %swap3A_704], %convert_element_type3A_702 {strides = array<i32>} : memref<2048x1xf32, #tpu.memory_space<vmem>>, vector<128x1xf32>,
    %mul3A_706 = arith.constant 80 : i32
    %mul3A_707 = vector.broadcast %mul3A_706 : i32 to vector<128x1xi32>
    %mul3A_708 = arith.muli %slice3A_668, %mul3A_707 : vector<128x1xi32>
    %add3A_709 = arith.addi %mul3A_708, %convert_element_type3A_622 : vector<128x1xi32>
    %add3A_710 = arith.constant 5120 : i32
    %add3A_711 = vector.broadcast %add3A_710 : i32 to vector<128x1xi32>
    %add3A_712 = arith.addi %add3A_711, %select_n3A_667 : vector<128x1xi32>
    %select_n3A_713 = arith.select %lt3A_629, %add3A_709, %add3A_712 : vector<128x1xi1>, vector<128x1xi32>
    %swap3A_714 = arith.constant 384 : index
    %swap3A_715 = arith.constant 0 : index
    %swap3A_716 = vector.load %arg11[%swap3A_714, %swap3A_715] : memref<2048x1xi32, #tpu.memory_space<vmem>>, vector<128x1xi32>
    tpu.vector_store %arg11[%swap3A_714, %swap3A_715], %select_n3A_713 {strides = array<i32>} : memref<2048x1xi32, #tpu.memory_space<vmem>>, vector<128x1xi32>,
    %mul3A_717 = arith.constant 80 : i32
    %mul3A_718 = vector.broadcast %mul3A_717 : i32 to vector<128x1xi32>
    %mul3A_719 = arith.muli %slice3A_669, %mul3A_718 : vector<128x1xi32>
    %add3A_720 = arith.addi %mul3A_719, %convert_element_type3A_626 : vector<128x1xi32>
    %add3A_721 = arith.constant 5120 : i32
    %add3A_722 = vector.broadcast %add3A_721 : i32 to vector<128x1xi32>
    %add3A_723 = arith.addi %add3A_722, %select_n3A_667 : vector<128x1xi32>
    %select_n3A_724 = arith.select %lt3A_632, %add3A_720, %add3A_723 : vector<128x1xi1>, vector<128x1xi32>
    %swap3A_725 = arith.constant 384 : index
    %swap3A_726 = arith.constant 0 : index
    %swap3A_727 = vector.load %arg12[%swap3A_725, %swap3A_726] : memref<2048x1xi32, #tpu.memory_space<vmem>>, vector<128x1xi32>
    tpu.vector_store %arg12[%swap3A_725, %swap3A_726], %select_n3A_724 {strides = array<i32>} : memref<2048x1xi32, #tpu.memory_space<vmem>>, vector<128x1xi32>,
    %slice3A_728 = vector.extract_strided_slice %convert_element_type3A_41 {offsets = [512, 0], sizes = [128, 64], strides = [1, 1]} : vector<2048x64xf32> to vector<128x64xf32>
    %slice3A_729 = vector.extract_strided_slice %convert_element_type3A_45 {offsets = [512, 0], sizes = [128, 64], strides = [1, 1]} : vector<2048x64xf32> to vector<128x64xf32>
    %get3A_730 = arith.constant 512 : index
    %get3A_731 = arith.constant 0 : index
    %get3A_732 = vector.load %arg13[%get3A_730, %get3A_731] : memref<2048x64xf32, #tpu.memory_space<vmem>>, vector<128x64xf32>
    %add3A_733 = arith.addf %slice3A_728, %slice3A_729 : vector<128x64xf32>
    %sub3A_734 = arith.subf %get3A_732, %add3A_733 : vector<128x64xf32>
    %slice3A_735 = vector.extract_strided_slice %dot_general3A_217 {offsets = [4, 0], sizes = [1, 64], strides = [1, 1]} : vector<16x64xf32> to vector<1x64xf32>
    %add3A_736 = vector.broadcast %slice3A_735 : vector<1x64xf32> to vector<128x64xf32>
    %add3A_737 = arith.addf %sub3A_734, %add3A_736 : vector<128x64xf32>
    %mul3A_738 = arith.mulf %slice3A_728, %add3A_737 : vector<128x64xf32>
    %reduce_sum3A_739 = arith.constant dense<0.000000e+00> : vector<128xf32>
    %reduce_sum3A_740 = vector.multi_reduction <add>, %mul3A_738, %reduce_sum3A_739 [1] : vector<128x64xf32> to vector<128xf32>
    %broadcast_in_dim3A_741 = vector.shape_cast %reduce_sum3A_740 : vector<128xf32> to vector<128x1xf32>
    %add3A_742 = arith.addf %add3A_737, %slice3A_728 : vector<128x64xf32>
    %mul3A_743 = arith.mulf %slice3A_729, %add3A_742 : vector<128x64xf32>
    %reduce_sum3A_744 = arith.constant dense<0.000000e+00> : vector<128xf32>
    %reduce_sum3A_745 = vector.multi_reduction <add>, %mul3A_743, %reduce_sum3A_744 [1] : vector<128x64xf32> to vector<128xf32>
    %broadcast_in_dim3A_746 = vector.shape_cast %reduce_sum3A_745 : vector<128xf32> to vector<128x1xf32>
    %add3A_747 = arith.constant 5.000000e-01 : f32
    %add3A_748 = vector.broadcast %add3A_747 : f32 to vector<128x1xf32>
    %add3A_749 = arith.addf %broadcast_in_dim3A_741, %add3A_748 : vector<128x1xf32>
    %convert_element_type3A_750 = arith.fptosi %add3A_749 : vector<128x1xf32> to vector<128x1xi32>
    %add3A_751 = arith.constant 5.000000e-01 : f32
    %add3A_752 = vector.broadcast %add3A_751 : f32 to vector<128x1xf32>
    %add3A_753 = arith.addf %broadcast_in_dim3A_746, %add3A_752 : vector<128x1xf32>
    %convert_element_type3A_754 = arith.fptosi %add3A_753 : vector<128x1xf32> to vector<128x1xi32>
    %lt3A_755 = arith.constant 77 : i32
    %lt3A_756 = vector.broadcast %lt3A_755 : i32 to vector<128x1xi32>
    %lt3A_757 = arith.cmpi slt, %convert_element_type3A_750, %lt3A_756 : vector<128x1xi32>
    %lt3A_758 = arith.constant 77 : i32
    %lt3A_759 = vector.broadcast %lt3A_758 : i32 to vector<128x1xi32>
    %lt3A_760 = arith.cmpi slt, %convert_element_type3A_754, %lt3A_759 : vector<128x1xi32>
    %iota3A_761 = tpu.iota {dimensions = array<i32: 0>} : vector<128x1xi32>
    %add3A_762 = arith.constant 512 : i32
    %add3A_763 = vector.broadcast %add3A_762 : i32 to vector<128x1xi32>
    %add3A_764 = arith.addi %add3A_763, %iota3A_761 : vector<128x1xi32>
    %jit3A_765 = arith.constant 64 : i32
    %div3A_766 = vector.broadcast %jit3A_765 : i32 to vector<128x1xi32>
    %div3A_767 = arith.divsi %add3A_764, %div3A_766 : vector<128x1xi32>
    %sign3A_768 = arith.constant 0 : i32
    %sign3A_769 = vector.broadcast %sign3A_768 : i32 to vector<128x1xi32>
    %sign3A_770 = arith.cmpi sgt, %add3A_764, %sign3A_769 : vector<128x1xi32>
    %sign3A_771 = arith.extui %sign3A_770 : vector<128x1xi1> to vector<128x1xi32>
    %sign3A_772 = arith.constant 0 : i32
    %sign3A_773 = vector.broadcast %sign3A_772 : i32 to vector<128x1xi32>
    %sign3A_774 = arith.cmpi slt, %add3A_764, %sign3A_773 : vector<128x1xi32>
    %sign3A_775 = arith.extui %sign3A_774 : vector<128x1xi1> to vector<128x1xi32>
    %sign3A_776 = arith.subi %sign3A_771, %sign3A_775 : vector<128x1xi32>
    %sign3A_777 = arith.constant 0 : i32
    %sign3A_778 = arith.cmpi sgt, %jit3A_765, %sign3A_777 : i32
    %sign3A_779 = arith.extui %sign3A_778 : i1 to i32
    %sign3A_780 = arith.constant 0 : i32
    %sign3A_781 = arith.cmpi slt, %jit3A_765, %sign3A_780 : i32
    %sign3A_782 = arith.extui %sign3A_781 : i1 to i32
    %sign3A_783 = arith.subi %sign3A_779, %sign3A_782 : i32
    %ne3A_784 = vector.broadcast %sign3A_783 : i32 to vector<128x1xi32>
    %ne3A_785 = arith.cmpi ne, %sign3A_776, %ne3A_784 : vector<128x1xi32>
    %rem3A_786 = vector.broadcast %jit3A_765 : i32 to vector<128x1xi32>
    %rem3A_787 = arith.remsi %add3A_764, %rem3A_786 : vector<128x1xi32>
    %ne3A_788 = arith.constant 0 : i32
    %ne3A_789 = vector.broadcast %ne3A_788 : i32 to vector<128x1xi32>
    %ne3A_790 = arith.cmpi ne, %rem3A_787, %ne3A_789 : vector<128x1xi32>
    %and3A_791 = arith.andi %ne3A_785, %ne3A_790 : vector<128x1xi1>
    %sub3A_792 = arith.constant 1 : i32
    %sub3A_793 = vector.broadcast %sub3A_792 : i32 to vector<128x1xi32>
    %sub3A_794 = arith.subi %div3A_767, %sub3A_793 : vector<128x1xi32>
    %select_n3A_795 = arith.select %and3A_791, %sub3A_794, %div3A_767 : vector<128x1xi1>, vector<128x1xi32>
    %slice3A_796 = vector.extract_strided_slice %broadcast_in_dim3A_14 {offsets = [512, 0], sizes = [128, 1], strides = [1, 1]} : vector<2048x1xi32> to vector<128x1xi32>
    %slice3A_797 = vector.extract_strided_slice %broadcast_in_dim3A_30 {offsets = [512, 0], sizes = [128, 1], strides = [1, 1]} : vector<2048x1xi32> to vector<128x1xi32>
    %min3A_798 = arith.constant 79 : i32
    %min3A_799 = vector.broadcast %min3A_798 : i32 to vector<128x1xi32>
    %min3A_800 = arith.minsi %convert_element_type3A_750, %min3A_799 : vector<128x1xi32>
    %swap3A_801 = arith.constant 512 : index
    %swap3A_802 = arith.constant 0 : index
    %swap3A_803 = vector.load %arg5[%swap3A_801, %swap3A_802] : memref<2048x1xi32, #tpu.memory_space<vmem>>, vector<128x1xi32>
    tpu.vector_store %arg5[%swap3A_801, %swap3A_802], %min3A_800 {strides = array<i32>} : memref<2048x1xi32, #tpu.memory_space<vmem>>, vector<128x1xi32>,
    %min3A_804 = arith.constant 79 : i32
    %min3A_805 = vector.broadcast %min3A_804 : i32 to vector<128x1xi32>
    %min3A_806 = arith.minsi %convert_element_type3A_754, %min3A_805 : vector<128x1xi32>
    %swap3A_807 = arith.constant 512 : index
    %swap3A_808 = arith.constant 0 : index
    %swap3A_809 = vector.load %arg6[%swap3A_807, %swap3A_808] : memref<2048x1xi32, #tpu.memory_space<vmem>>, vector<128x1xi32>
    tpu.vector_store %arg6[%swap3A_807, %swap3A_808], %min3A_806 {strides = array<i32>} : memref<2048x1xi32, #tpu.memory_space<vmem>>, vector<128x1xi32>,
    %slice3A_810 = vector.extract_strided_slice %div3A_35 {offsets = [512, 0], sizes = [128, 1], strides = [1, 1]} : vector<2048x1xf32> to vector<128x1xf32>
    %convert_element_type3A_811 = arith.extui %lt3A_757 : vector<128x1xi1> to vector<128x1xi32>
    %convert_element_type3A_812 = arith.sitofp %convert_element_type3A_811 : vector<128x1xi32> to vector<128x1xf32>
    %mul3A_813 = arith.mulf %slice3A_810, %convert_element_type3A_812 : vector<128x1xf32>
    %swap3A_814 = arith.constant 512 : index
    %swap3A_815 = arith.constant 0 : index
    %swap3A_816 = vector.load %arg7[%swap3A_814, %swap3A_815] : memref<2048x1xf32, #tpu.memory_space<vmem>>, vector<128x1xf32>
    tpu.vector_store %arg7[%swap3A_814, %swap3A_815], %mul3A_813 {strides = array<i32>} : memref<2048x1xf32, #tpu.memory_space<vmem>>, vector<128x1xf32>,
    %slice3A_817 = vector.extract_strided_slice %sub3A_38 {offsets = [512, 0], sizes = [128, 1], strides = [1, 1]} : vector<2048x1xf32> to vector<128x1xf32>
    %convert_element_type3A_818 = arith.extui %lt3A_760 : vector<128x1xi1> to vector<128x1xi32>
    %convert_element_type3A_819 = arith.sitofp %convert_element_type3A_818 : vector<128x1xi32> to vector<128x1xf32>
    %mul3A_820 = arith.mulf %slice3A_817, %convert_element_type3A_819 : vector<128x1xf32>
    %swap3A_821 = arith.constant 512 : index
    %swap3A_822 = arith.constant 0 : index
    %swap3A_823 = vector.load %arg8[%swap3A_821, %swap3A_822] : memref<2048x1xf32, #tpu.memory_space<vmem>>, vector<128x1xf32>
    tpu.vector_store %arg8[%swap3A_821, %swap3A_822], %mul3A_820 {strides = array<i32>} : memref<2048x1xf32, #tpu.memory_space<vmem>>, vector<128x1xf32>,
    %convert_element_type3A_824 = arith.extui %lt3A_757 : vector<128x1xi1> to vector<128x1xi32>
    %convert_element_type3A_825 = arith.sitofp %convert_element_type3A_824 : vector<128x1xi32> to vector<128x1xf32>
    %swap3A_826 = arith.constant 512 : index
    %swap3A_827 = arith.constant 0 : index
    %swap3A_828 = vector.load %arg9[%swap3A_826, %swap3A_827] : memref<2048x1xf32, #tpu.memory_space<vmem>>, vector<128x1xf32>
    tpu.vector_store %arg9[%swap3A_826, %swap3A_827], %convert_element_type3A_825 {strides = array<i32>} : memref<2048x1xf32, #tpu.memory_space<vmem>>, vector<128x1xf32>,
    %convert_element_type3A_829 = arith.extui %lt3A_760 : vector<128x1xi1> to vector<128x1xi32>
    %convert_element_type3A_830 = arith.sitofp %convert_element_type3A_829 : vector<128x1xi32> to vector<128x1xf32>
    %swap3A_831 = arith.constant 512 : index
    %swap3A_832 = arith.constant 0 : index
    %swap3A_833 = vector.load %arg10[%swap3A_831, %swap3A_832] : memref<2048x1xf32, #tpu.memory_space<vmem>>, vector<128x1xf32>
    tpu.vector_store %arg10[%swap3A_831, %swap3A_832], %convert_element_type3A_830 {strides = array<i32>} : memref<2048x1xf32, #tpu.memory_space<vmem>>, vector<128x1xf32>,
    %mul3A_834 = arith.constant 80 : i32
    %mul3A_835 = vector.broadcast %mul3A_834 : i32 to vector<128x1xi32>
    %mul3A_836 = arith.muli %slice3A_796, %mul3A_835 : vector<128x1xi32>
    %add3A_837 = arith.addi %mul3A_836, %convert_element_type3A_750 : vector<128x1xi32>
    %add3A_838 = arith.constant 5120 : i32
    %add3A_839 = vector.broadcast %add3A_838 : i32 to vector<128x1xi32>
    %add3A_840 = arith.addi %add3A_839, %select_n3A_795 : vector<128x1xi32>
    %select_n3A_841 = arith.select %lt3A_757, %add3A_837, %add3A_840 : vector<128x1xi1>, vector<128x1xi32>
    %swap3A_842 = arith.constant 512 : index
    %swap3A_843 = arith.constant 0 : index
    %swap3A_844 = vector.load %arg11[%swap3A_842, %swap3A_843] : memref<2048x1xi32, #tpu.memory_space<vmem>>, vector<128x1xi32>
    tpu.vector_store %arg11[%swap3A_842, %swap3A_843], %select_n3A_841 {strides = array<i32>} : memref<2048x1xi32, #tpu.memory_space<vmem>>, vector<128x1xi32>,
    %mul3A_845 = arith.constant 80 : i32
    %mul3A_846 = vector.broadcast %mul3A_845 : i32 to vector<128x1xi32>
    %mul3A_847 = arith.muli %slice3A_797, %mul3A_846 : vector<128x1xi32>
    %add3A_848 = arith.addi %mul3A_847, %convert_element_type3A_754 : vector<128x1xi32>
    %add3A_849 = arith.constant 5120 : i32
    %add3A_850 = vector.broadcast %add3A_849 : i32 to vector<128x1xi32>
    %add3A_851 = arith.addi %add3A_850, %select_n3A_795 : vector<128x1xi32>
    %select_n3A_852 = arith.select %lt3A_760, %add3A_848, %add3A_851 : vector<128x1xi1>, vector<128x1xi32>
    %swap3A_853 = arith.constant 512 : index
    %swap3A_854 = arith.constant 0 : index
    %swap3A_855 = vector.load %arg12[%swap3A_853, %swap3A_854] : memref<2048x1xi32, #tpu.memory_space<vmem>>, vector<128x1xi32>
    tpu.vector_store %arg12[%swap3A_853, %swap3A_854], %select_n3A_852 {strides = array<i32>} : memref<2048x1xi32, #tpu.memory_space<vmem>>, vector<128x1xi32>,
    %slice3A_856 = vector.extract_strided_slice %convert_element_type3A_41 {offsets = [640, 0], sizes = [128, 64], strides = [1, 1]} : vector<2048x64xf32> to vector<128x64xf32>
    %slice3A_857 = vector.extract_strided_slice %convert_element_type3A_45 {offsets = [640, 0], sizes = [128, 64], strides = [1, 1]} : vector<2048x64xf32> to vector<128x64xf32>
    %get3A_858 = arith.constant 640 : index
    %get3A_859 = arith.constant 0 : index
    %get3A_860 = vector.load %arg13[%get3A_858, %get3A_859] : memref<2048x64xf32, #tpu.memory_space<vmem>>, vector<128x64xf32>
    %add3A_861 = arith.addf %slice3A_856, %slice3A_857 : vector<128x64xf32>
    %sub3A_862 = arith.subf %get3A_860, %add3A_861 : vector<128x64xf32>
    %slice3A_863 = vector.extract_strided_slice %dot_general3A_217 {offsets = [5, 0], sizes = [1, 64], strides = [1, 1]} : vector<16x64xf32> to vector<1x64xf32>
    %add3A_864 = vector.broadcast %slice3A_863 : vector<1x64xf32> to vector<128x64xf32>
    %add3A_865 = arith.addf %sub3A_862, %add3A_864 : vector<128x64xf32>
    %mul3A_866 = arith.mulf %slice3A_856, %add3A_865 : vector<128x64xf32>
    %reduce_sum3A_867 = arith.constant dense<0.000000e+00> : vector<128xf32>
    %reduce_sum3A_868 = vector.multi_reduction <add>, %mul3A_866, %reduce_sum3A_867 [1] : vector<128x64xf32> to vector<128xf32>
    %broadcast_in_dim3A_869 = vector.shape_cast %reduce_sum3A_868 : vector<128xf32> to vector<128x1xf32>
    %add3A_870 = arith.addf %add3A_865, %slice3A_856 : vector<128x64xf32>
    %mul3A_871 = arith.mulf %slice3A_857, %add3A_870 : vector<128x64xf32>
    %reduce_sum3A_872 = arith.constant dense<0.000000e+00> : vector<128xf32>
    %reduce_sum3A_873 = vector.multi_reduction <add>, %mul3A_871, %reduce_sum3A_872 [1] : vector<128x64xf32> to vector<128xf32>
    %broadcast_in_dim3A_874 = vector.shape_cast %reduce_sum3A_873 : vector<128xf32> to vector<128x1xf32>
    %add3A_875 = arith.constant 5.000000e-01 : f32
    %add3A_876 = vector.broadcast %add3A_875 : f32 to vector<128x1xf32>
    %add3A_877 = arith.addf %broadcast_in_dim3A_869, %add3A_876 : vector<128x1xf32>
    %convert_element_type3A_878 = arith.fptosi %add3A_877 : vector<128x1xf32> to vector<128x1xi32>
    %add3A_879 = arith.constant 5.000000e-01 : f32
    %add3A_880 = vector.broadcast %add3A_879 : f32 to vector<128x1xf32>
    %add3A_881 = arith.addf %broadcast_in_dim3A_874, %add3A_880 : vector<128x1xf32>
    %convert_element_type3A_882 = arith.fptosi %add3A_881 : vector<128x1xf32> to vector<128x1xi32>
    %lt3A_883 = arith.constant 77 : i32
    %lt3A_884 = vector.broadcast %lt3A_883 : i32 to vector<128x1xi32>
    %lt3A_885 = arith.cmpi slt, %convert_element_type3A_878, %lt3A_884 : vector<128x1xi32>
    %lt3A_886 = arith.constant 77 : i32
    %lt3A_887 = vector.broadcast %lt3A_886 : i32 to vector<128x1xi32>
    %lt3A_888 = arith.cmpi slt, %convert_element_type3A_882, %lt3A_887 : vector<128x1xi32>
    %iota3A_889 = tpu.iota {dimensions = array<i32: 0>} : vector<128x1xi32>
    %add3A_890 = arith.constant 640 : i32
    %add3A_891 = vector.broadcast %add3A_890 : i32 to vector<128x1xi32>
    %add3A_892 = arith.addi %add3A_891, %iota3A_889 : vector<128x1xi32>
    %jit3A_893 = arith.constant 64 : i32
    %div3A_894 = vector.broadcast %jit3A_893 : i32 to vector<128x1xi32>
    %div3A_895 = arith.divsi %add3A_892, %div3A_894 : vector<128x1xi32>
    %sign3A_896 = arith.constant 0 : i32
    %sign3A_897 = vector.broadcast %sign3A_896 : i32 to vector<128x1xi32>
    %sign3A_898 = arith.cmpi sgt, %add3A_892, %sign3A_897 : vector<128x1xi32>
    %sign3A_899 = arith.extui %sign3A_898 : vector<128x1xi1> to vector<128x1xi32>
    %sign3A_900 = arith.constant 0 : i32
    %sign3A_901 = vector.broadcast %sign3A_900 : i32 to vector<128x1xi32>
    %sign3A_902 = arith.cmpi slt, %add3A_892, %sign3A_901 : vector<128x1xi32>
    %sign3A_903 = arith.extui %sign3A_902 : vector<128x1xi1> to vector<128x1xi32>
    %sign3A_904 = arith.subi %sign3A_899, %sign3A_903 : vector<128x1xi32>
    %sign3A_905 = arith.constant 0 : i32
    %sign3A_906 = arith.cmpi sgt, %jit3A_893, %sign3A_905 : i32
    %sign3A_907 = arith.extui %sign3A_906 : i1 to i32
    %sign3A_908 = arith.constant 0 : i32
    %sign3A_909 = arith.cmpi slt, %jit3A_893, %sign3A_908 : i32
    %sign3A_910 = arith.extui %sign3A_909 : i1 to i32
    %sign3A_911 = arith.subi %sign3A_907, %sign3A_910 : i32
    %ne3A_912 = vector.broadcast %sign3A_911 : i32 to vector<128x1xi32>
    %ne3A_913 = arith.cmpi ne, %sign3A_904, %ne3A_912 : vector<128x1xi32>
    %rem3A_914 = vector.broadcast %jit3A_893 : i32 to vector<128x1xi32>
    %rem3A_915 = arith.remsi %add3A_892, %rem3A_914 : vector<128x1xi32>
    %ne3A_916 = arith.constant 0 : i32
    %ne3A_917 = vector.broadcast %ne3A_916 : i32 to vector<128x1xi32>
    %ne3A_918 = arith.cmpi ne, %rem3A_915, %ne3A_917 : vector<128x1xi32>
    %and3A_919 = arith.andi %ne3A_913, %ne3A_918 : vector<128x1xi1>
    %sub3A_920 = arith.constant 1 : i32
    %sub3A_921 = vector.broadcast %sub3A_920 : i32 to vector<128x1xi32>
    %sub3A_922 = arith.subi %div3A_895, %sub3A_921 : vector<128x1xi32>
    %select_n3A_923 = arith.select %and3A_919, %sub3A_922, %div3A_895 : vector<128x1xi1>, vector<128x1xi32>
    %slice3A_924 = vector.extract_strided_slice %broadcast_in_dim3A_14 {offsets = [640, 0], sizes = [128, 1], strides = [1, 1]} : vector<2048x1xi32> to vector<128x1xi32>
    %slice3A_925 = vector.extract_strided_slice %broadcast_in_dim3A_30 {offsets = [640, 0], sizes = [128, 1], strides = [1, 1]} : vector<2048x1xi32> to vector<128x1xi32>
    %min3A_926 = arith.constant 79 : i32
    %min3A_927 = vector.broadcast %min3A_926 : i32 to vector<128x1xi32>
    %min3A_928 = arith.minsi %convert_element_type3A_878, %min3A_927 : vector<128x1xi32>
    %swap3A_929 = arith.constant 640 : index
    %swap3A_930 = arith.constant 0 : index
    %swap3A_931 = vector.load %arg5[%swap3A_929, %swap3A_930] : memref<2048x1xi32, #tpu.memory_space<vmem>>, vector<128x1xi32>
    tpu.vector_store %arg5[%swap3A_929, %swap3A_930], %min3A_928 {strides = array<i32>} : memref<2048x1xi32, #tpu.memory_space<vmem>>, vector<128x1xi32>,
    %min3A_932 = arith.constant 79 : i32
    %min3A_933 = vector.broadcast %min3A_932 : i32 to vector<128x1xi32>
    %min3A_934 = arith.minsi %convert_element_type3A_882, %min3A_933 : vector<128x1xi32>
    %swap3A_935 = arith.constant 640 : index
    %swap3A_936 = arith.constant 0 : index
    %swap3A_937 = vector.load %arg6[%swap3A_935, %swap3A_936] : memref<2048x1xi32, #tpu.memory_space<vmem>>, vector<128x1xi32>
    tpu.vector_store %arg6[%swap3A_935, %swap3A_936], %min3A_934 {strides = array<i32>} : memref<2048x1xi32, #tpu.memory_space<vmem>>, vector<128x1xi32>,
    %slice3A_938 = vector.extract_strided_slice %div3A_35 {offsets = [640, 0], sizes = [128, 1], strides = [1, 1]} : vector<2048x1xf32> to vector<128x1xf32>
    %convert_element_type3A_939 = arith.extui %lt3A_885 : vector<128x1xi1> to vector<128x1xi32>
    %convert_element_type3A_940 = arith.sitofp %convert_element_type3A_939 : vector<128x1xi32> to vector<128x1xf32>
    %mul3A_941 = arith.mulf %slice3A_938, %convert_element_type3A_940 : vector<128x1xf32>
    %swap3A_942 = arith.constant 640 : index
    %swap3A_943 = arith.constant 0 : index
    %swap3A_944 = vector.load %arg7[%swap3A_942, %swap3A_943] : memref<2048x1xf32, #tpu.memory_space<vmem>>, vector<128x1xf32>
    tpu.vector_store %arg7[%swap3A_942, %swap3A_943], %mul3A_941 {strides = array<i32>} : memref<2048x1xf32, #tpu.memory_space<vmem>>, vector<128x1xf32>,
    %slice3A_945 = vector.extract_strided_slice %sub3A_38 {offsets = [640, 0], sizes = [128, 1], strides = [1, 1]} : vector<2048x1xf32> to vector<128x1xf32>
    %convert_element_type3A_946 = arith.extui %lt3A_888 : vector<128x1xi1> to vector<128x1xi32>
    %convert_element_type3A_947 = arith.sitofp %convert_element_type3A_946 : vector<128x1xi32> to vector<128x1xf32>
    %mul3A_948 = arith.mulf %slice3A_945, %convert_element_type3A_947 : vector<128x1xf32>
    %swap3A_949 = arith.constant 640 : index
    %swap3A_950 = arith.constant 0 : index
    %swap3A_951 = vector.load %arg8[%swap3A_949, %swap3A_950] : memref<2048x1xf32, #tpu.memory_space<vmem>>, vector<128x1xf32>
    tpu.vector_store %arg8[%swap3A_949, %swap3A_950], %mul3A_948 {strides = array<i32>} : memref<2048x1xf32, #tpu.memory_space<vmem>>, vector<128x1xf32>,
    %convert_element_type3A_952 = arith.extui %lt3A_885 : vector<128x1xi1> to vector<128x1xi32>
    %convert_element_type3A_953 = arith.sitofp %convert_element_type3A_952 : vector<128x1xi32> to vector<128x1xf32>
    %swap3A_954 = arith.constant 640 : index
    %swap3A_955 = arith.constant 0 : index
    %swap3A_956 = vector.load %arg9[%swap3A_954, %swap3A_955] : memref<2048x1xf32, #tpu.memory_space<vmem>>, vector<128x1xf32>
    tpu.vector_store %arg9[%swap3A_954, %swap3A_955], %convert_element_type3A_953 {strides = array<i32>} : memref<2048x1xf32, #tpu.memory_space<vmem>>, vector<128x1xf32>,
    %convert_element_type3A_957 = arith.extui %lt3A_888 : vector<128x1xi1> to vector<128x1xi32>
    %convert_element_type3A_958 = arith.sitofp %convert_element_type3A_957 : vector<128x1xi32> to vector<128x1xf32>
    %swap3A_959 = arith.constant 640 : index
    %swap3A_960 = arith.constant 0 : index
    %swap3A_961 = vector.load %arg10[%swap3A_959, %swap3A_960] : memref<2048x1xf32, #tpu.memory_space<vmem>>, vector<128x1xf32>
    tpu.vector_store %arg10[%swap3A_959, %swap3A_960], %convert_element_type3A_958 {strides = array<i32>} : memref<2048x1xf32, #tpu.memory_space<vmem>>, vector<128x1xf32>,
    %mul3A_962 = arith.constant 80 : i32
    %mul3A_963 = vector.broadcast %mul3A_962 : i32 to vector<128x1xi32>
    %mul3A_964 = arith.muli %slice3A_924, %mul3A_963 : vector<128x1xi32>
    %add3A_965 = arith.addi %mul3A_964, %convert_element_type3A_878 : vector<128x1xi32>
    %add3A_966 = arith.constant 5120 : i32
    %add3A_967 = vector.broadcast %add3A_966 : i32 to vector<128x1xi32>
    %add3A_968 = arith.addi %add3A_967, %select_n3A_923 : vector<128x1xi32>
    %select_n3A_969 = arith.select %lt3A_885, %add3A_965, %add3A_968 : vector<128x1xi1>, vector<128x1xi32>
    %swap3A_970 = arith.constant 640 : index
    %swap3A_971 = arith.constant 0 : index
    %swap3A_972 = vector.load %arg11[%swap3A_970, %swap3A_971] : memref<2048x1xi32, #tpu.memory_space<vmem>>, vector<128x1xi32>
    tpu.vector_store %arg11[%swap3A_970, %swap3A_971], %select_n3A_969 {strides = array<i32>} : memref<2048x1xi32, #tpu.memory_space<vmem>>, vector<128x1xi32>,
    %mul3A_973 = arith.constant 80 : i32
    %mul3A_974 = vector.broadcast %mul3A_973 : i32 to vector<128x1xi32>
    %mul3A_975 = arith.muli %slice3A_925, %mul3A_974 : vector<128x1xi32>
    %add3A_976 = arith.addi %mul3A_975, %convert_element_type3A_882 : vector<128x1xi32>
    %add3A_977 = arith.constant 5120 : i32
    %add3A_978 = vector.broadcast %add3A_977 : i32 to vector<128x1xi32>
    %add3A_979 = arith.addi %add3A_978, %select_n3A_923 : vector<128x1xi32>
    %select_n3A_980 = arith.select %lt3A_888, %add3A_976, %add3A_979 : vector<128x1xi1>, vector<128x1xi32>
    %swap3A_981 = arith.constant 640 : index
    %swap3A_982 = arith.constant 0 : index
    %swap3A_983 = vector.load %arg12[%swap3A_981, %swap3A_982] : memref<2048x1xi32, #tpu.memory_space<vmem>>, vector<128x1xi32>
    tpu.vector_store %arg12[%swap3A_981, %swap3A_982], %select_n3A_980 {strides = array<i32>} : memref<2048x1xi32, #tpu.memory_space<vmem>>, vector<128x1xi32>,
    %slice3A_984 = vector.extract_strided_slice %convert_element_type3A_41 {offsets = [768, 0], sizes = [128, 64], strides = [1, 1]} : vector<2048x64xf32> to vector<128x64xf32>
    %slice3A_985 = vector.extract_strided_slice %convert_element_type3A_45 {offsets = [768, 0], sizes = [128, 64], strides = [1, 1]} : vector<2048x64xf32> to vector<128x64xf32>
    %get3A_986 = arith.constant 768 : index
    %get3A_987 = arith.constant 0 : index
    %get3A_988 = vector.load %arg13[%get3A_986, %get3A_987] : memref<2048x64xf32, #tpu.memory_space<vmem>>, vector<128x64xf32>
    %add3A_989 = arith.addf %slice3A_984, %slice3A_985 : vector<128x64xf32>
    %sub3A_990 = arith.subf %get3A_988, %add3A_989 : vector<128x64xf32>
    %slice3A_991 = vector.extract_strided_slice %dot_general3A_217 {offsets = [6, 0], sizes = [1, 64], strides = [1, 1]} : vector<16x64xf32> to vector<1x64xf32>
    %add3A_992 = vector.broadcast %slice3A_991 : vector<1x64xf32> to vector<128x64xf32>
    %add3A_993 = arith.addf %sub3A_990, %add3A_992 : vector<128x64xf32>
    %mul3A_994 = arith.mulf %slice3A_984, %add3A_993 : vector<128x64xf32>
    %reduce_sum3A_995 = arith.constant dense<0.000000e+00> : vector<128xf32>
    %reduce_sum3A_996 = vector.multi_reduction <add>, %mul3A_994, %reduce_sum3A_995 [1] : vector<128x64xf32> to vector<128xf32>
    %broadcast_in_dim3A_997 = vector.shape_cast %reduce_sum3A_996 : vector<128xf32> to vector<128x1xf32>
    %add3A_998 = arith.addf %add3A_993, %slice3A_984 : vector<128x64xf32>
    %mul3A_999 = arith.mulf %slice3A_985, %add3A_998 : vector<128x64xf32>
    %reduce_sum3A_1000 = arith.constant dense<0.000000e+00> : vector<128xf32>
    %reduce_sum3A_1001 = vector.multi_reduction <add>, %mul3A_999, %reduce_sum3A_1000 [1] : vector<128x64xf32> to vector<128xf32>
    %broadcast_in_dim3A_1002 = vector.shape_cast %reduce_sum3A_1001 : vector<128xf32> to vector<128x1xf32>
    %add3A_1003 = arith.constant 5.000000e-01 : f32
    %add3A_1004 = vector.broadcast %add3A_1003 : f32 to vector<128x1xf32>
    %add3A_1005 = arith.addf %broadcast_in_dim3A_997, %add3A_1004 : vector<128x1xf32>
    %convert_element_type3A_1006 = arith.fptosi %add3A_1005 : vector<128x1xf32> to vector<128x1xi32>
    %add3A_1007 = arith.constant 5.000000e-01 : f32
    %add3A_1008 = vector.broadcast %add3A_1007 : f32 to vector<128x1xf32>
    %add3A_1009 = arith.addf %broadcast_in_dim3A_1002, %add3A_1008 : vector<128x1xf32>
    %convert_element_type3A_1010 = arith.fptosi %add3A_1009 : vector<128x1xf32> to vector<128x1xi32>
    %lt3A_1011 = arith.constant 77 : i32
    %lt3A_1012 = vector.broadcast %lt3A_1011 : i32 to vector<128x1xi32>
    %lt3A_1013 = arith.cmpi slt, %convert_element_type3A_1006, %lt3A_1012 : vector<128x1xi32>
    %lt3A_1014 = arith.constant 77 : i32
    %lt3A_1015 = vector.broadcast %lt3A_1014 : i32 to vector<128x1xi32>
    %lt3A_1016 = arith.cmpi slt, %convert_element_type3A_1010, %lt3A_1015 : vector<128x1xi32>
    %iota3A_1017 = tpu.iota {dimensions = array<i32: 0>} : vector<128x1xi32>
    %add3A_1018 = arith.constant 768 : i32
    %add3A_1019 = vector.broadcast %add3A_1018 : i32 to vector<128x1xi32>
    %add3A_1020 = arith.addi %add3A_1019, %iota3A_1017 : vector<128x1xi32>
    %jit3A_1021 = arith.constant 64 : i32
    %div3A_1022 = vector.broadcast %jit3A_1021 : i32 to vector<128x1xi32>
    %div3A_1023 = arith.divsi %add3A_1020, %div3A_1022 : vector<128x1xi32>
    %sign3A_1024 = arith.constant 0 : i32
    %sign3A_1025 = vector.broadcast %sign3A_1024 : i32 to vector<128x1xi32>
    %sign3A_1026 = arith.cmpi sgt, %add3A_1020, %sign3A_1025 : vector<128x1xi32>
    %sign3A_1027 = arith.extui %sign3A_1026 : vector<128x1xi1> to vector<128x1xi32>
    %sign3A_1028 = arith.constant 0 : i32
    %sign3A_1029 = vector.broadcast %sign3A_1028 : i32 to vector<128x1xi32>
    %sign3A_1030 = arith.cmpi slt, %add3A_1020, %sign3A_1029 : vector<128x1xi32>
    %sign3A_1031 = arith.extui %sign3A_1030 : vector<128x1xi1> to vector<128x1xi32>
    %sign3A_1032 = arith.subi %sign3A_1027, %sign3A_1031 : vector<128x1xi32>
    %sign3A_1033 = arith.constant 0 : i32
    %sign3A_1034 = arith.cmpi sgt, %jit3A_1021, %sign3A_1033 : i32
    %sign3A_1035 = arith.extui %sign3A_1034 : i1 to i32
    %sign3A_1036 = arith.constant 0 : i32
    %sign3A_1037 = arith.cmpi slt, %jit3A_1021, %sign3A_1036 : i32
    %sign3A_1038 = arith.extui %sign3A_1037 : i1 to i32
    %sign3A_1039 = arith.subi %sign3A_1035, %sign3A_1038 : i32
    %ne3A_1040 = vector.broadcast %sign3A_1039 : i32 to vector<128x1xi32>
    %ne3A_1041 = arith.cmpi ne, %sign3A_1032, %ne3A_1040 : vector<128x1xi32>
    %rem3A_1042 = vector.broadcast %jit3A_1021 : i32 to vector<128x1xi32>
    %rem3A_1043 = arith.remsi %add3A_1020, %rem3A_1042 : vector<128x1xi32>
    %ne3A_1044 = arith.constant 0 : i32
    %ne3A_1045 = vector.broadcast %ne3A_1044 : i32 to vector<128x1xi32>
    %ne3A_1046 = arith.cmpi ne, %rem3A_1043, %ne3A_1045 : vector<128x1xi32>
    %and3A_1047 = arith.andi %ne3A_1041, %ne3A_1046 : vector<128x1xi1>
    %sub3A_1048 = arith.constant 1 : i32
    %sub3A_1049 = vector.broadcast %sub3A_1048 : i32 to vector<128x1xi32>
    %sub3A_1050 = arith.subi %div3A_1023, %sub3A_1049 : vector<128x1xi32>
    %select_n3A_1051 = arith.select %and3A_1047, %sub3A_1050, %div3A_1023 : vector<128x1xi1>, vector<128x1xi32>
    %slice3A_1052 = vector.extract_strided_slice %broadcast_in_dim3A_14 {offsets = [768, 0], sizes = [128, 1], strides = [1, 1]} : vector<2048x1xi32> to vector<128x1xi32>
    %slice3A_1053 = vector.extract_strided_slice %broadcast_in_dim3A_30 {offsets = [768, 0], sizes = [128, 1], strides = [1, 1]} : vector<2048x1xi32> to vector<128x1xi32>
    %min3A_1054 = arith.constant 79 : i32
    %min3A_1055 = vector.broadcast %min3A_1054 : i32 to vector<128x1xi32>
    %min3A_1056 = arith.minsi %convert_element_type3A_1006, %min3A_1055 : vector<128x1xi32>
    %swap3A_1057 = arith.constant 768 : index
    %swap3A_1058 = arith.constant 0 : index
    %swap3A_1059 = vector.load %arg5[%swap3A_1057, %swap3A_1058] : memref<2048x1xi32, #tpu.memory_space<vmem>>, vector<128x1xi32>
    tpu.vector_store %arg5[%swap3A_1057, %swap3A_1058], %min3A_1056 {strides = array<i32>} : memref<2048x1xi32, #tpu.memory_space<vmem>>, vector<128x1xi32>,
    %min3A_1060 = arith.constant 79 : i32
    %min3A_1061 = vector.broadcast %min3A_1060 : i32 to vector<128x1xi32>
    %min3A_1062 = arith.minsi %convert_element_type3A_1010, %min3A_1061 : vector<128x1xi32>
    %swap3A_1063 = arith.constant 768 : index
    %swap3A_1064 = arith.constant 0 : index
    %swap3A_1065 = vector.load %arg6[%swap3A_1063, %swap3A_1064] : memref<2048x1xi32, #tpu.memory_space<vmem>>, vector<128x1xi32>
    tpu.vector_store %arg6[%swap3A_1063, %swap3A_1064], %min3A_1062 {strides = array<i32>} : memref<2048x1xi32, #tpu.memory_space<vmem>>, vector<128x1xi32>,
    %slice3A_1066 = vector.extract_strided_slice %div3A_35 {offsets = [768, 0], sizes = [128, 1], strides = [1, 1]} : vector<2048x1xf32> to vector<128x1xf32>
    %convert_element_type3A_1067 = arith.extui %lt3A_1013 : vector<128x1xi1> to vector<128x1xi32>
    %convert_element_type3A_1068 = arith.sitofp %convert_element_type3A_1067 : vector<128x1xi32> to vector<128x1xf32>
    %mul3A_1069 = arith.mulf %slice3A_1066, %convert_element_type3A_1068 : vector<128x1xf32>
    %swap3A_1070 = arith.constant 768 : index
    %swap3A_1071 = arith.constant 0 : index
    %swap3A_1072 = vector.load %arg7[%swap3A_1070, %swap3A_1071] : memref<2048x1xf32, #tpu.memory_space<vmem>>, vector<128x1xf32>
    tpu.vector_store %arg7[%swap3A_1070, %swap3A_1071], %mul3A_1069 {strides = array<i32>} : memref<2048x1xf32, #tpu.memory_space<vmem>>, vector<128x1xf32>,
    %slice3A_1073 = vector.extract_strided_slice %sub3A_38 {offsets = [768, 0], sizes = [128, 1], strides = [1, 1]} : vector<2048x1xf32> to vector<128x1xf32>
    %convert_element_type3A_1074 = arith.extui %lt3A_1016 : vector<128x1xi1> to vector<128x1xi32>
    %convert_element_type3A_1075 = arith.sitofp %convert_element_type3A_1074 : vector<128x1xi32> to vector<128x1xf32>
    %mul3A_1076 = arith.mulf %slice3A_1073, %convert_element_type3A_1075 : vector<128x1xf32>
    %swap3A_1077 = arith.constant 768 : index
    %swap3A_1078 = arith.constant 0 : index
    %swap3A_1079 = vector.load %arg8[%swap3A_1077, %swap3A_1078] : memref<2048x1xf32, #tpu.memory_space<vmem>>, vector<128x1xf32>
    tpu.vector_store %arg8[%swap3A_1077, %swap3A_1078], %mul3A_1076 {strides = array<i32>} : memref<2048x1xf32, #tpu.memory_space<vmem>>, vector<128x1xf32>,
    %convert_element_type3A_1080 = arith.extui %lt3A_1013 : vector<128x1xi1> to vector<128x1xi32>
    %convert_element_type3A_1081 = arith.sitofp %convert_element_type3A_1080 : vector<128x1xi32> to vector<128x1xf32>
    %swap3A_1082 = arith.constant 768 : index
    %swap3A_1083 = arith.constant 0 : index
    %swap3A_1084 = vector.load %arg9[%swap3A_1082, %swap3A_1083] : memref<2048x1xf32, #tpu.memory_space<vmem>>, vector<128x1xf32>
    tpu.vector_store %arg9[%swap3A_1082, %swap3A_1083], %convert_element_type3A_1081 {strides = array<i32>} : memref<2048x1xf32, #tpu.memory_space<vmem>>, vector<128x1xf32>,
    %convert_element_type3A_1085 = arith.extui %lt3A_1016 : vector<128x1xi1> to vector<128x1xi32>
    %convert_element_type3A_1086 = arith.sitofp %convert_element_type3A_1085 : vector<128x1xi32> to vector<128x1xf32>
    %swap3A_1087 = arith.constant 768 : index
    %swap3A_1088 = arith.constant 0 : index
    %swap3A_1089 = vector.load %arg10[%swap3A_1087, %swap3A_1088] : memref<2048x1xf32, #tpu.memory_space<vmem>>, vector<128x1xf32>
    tpu.vector_store %arg10[%swap3A_1087, %swap3A_1088], %convert_element_type3A_1086 {strides = array<i32>} : memref<2048x1xf32, #tpu.memory_space<vmem>>, vector<128x1xf32>,
    %mul3A_1090 = arith.constant 80 : i32
    %mul3A_1091 = vector.broadcast %mul3A_1090 : i32 to vector<128x1xi32>
    %mul3A_1092 = arith.muli %slice3A_1052, %mul3A_1091 : vector<128x1xi32>
    %add3A_1093 = arith.addi %mul3A_1092, %convert_element_type3A_1006 : vector<128x1xi32>
    %add3A_1094 = arith.constant 5120 : i32
    %add3A_1095 = vector.broadcast %add3A_1094 : i32 to vector<128x1xi32>
    %add3A_1096 = arith.addi %add3A_1095, %select_n3A_1051 : vector<128x1xi32>
    %select_n3A_1097 = arith.select %lt3A_1013, %add3A_1093, %add3A_1096 : vector<128x1xi1>, vector<128x1xi32>
    %swap3A_1098 = arith.constant 768 : index
    %swap3A_1099 = arith.constant 0 : index
    %swap3A_1100 = vector.load %arg11[%swap3A_1098, %swap3A_1099] : memref<2048x1xi32, #tpu.memory_space<vmem>>, vector<128x1xi32>
    tpu.vector_store %arg11[%swap3A_1098, %swap3A_1099], %select_n3A_1097 {strides = array<i32>} : memref<2048x1xi32, #tpu.memory_space<vmem>>, vector<128x1xi32>,
    %mul3A_1101 = arith.constant 80 : i32
    %mul3A_1102 = vector.broadcast %mul3A_1101 : i32 to vector<128x1xi32>
    %mul3A_1103 = arith.muli %slice3A_1053, %mul3A_1102 : vector<128x1xi32>
    %add3A_1104 = arith.addi %mul3A_1103, %convert_element_type3A_1010 : vector<128x1xi32>
    %add3A_1105 = arith.constant 5120 : i32
    %add3A_1106 = vector.broadcast %add3A_1105 : i32 to vector<128x1xi32>
    %add3A_1107 = arith.addi %add3A_1106, %select_n3A_1051 : vector<128x1xi32>
    %select_n3A_1108 = arith.select %lt3A_1016, %add3A_1104, %add3A_1107 : vector<128x1xi1>, vector<128x1xi32>
    %swap3A_1109 = arith.constant 768 : index
    %swap3A_1110 = arith.constant 0 : index
    %swap3A_1111 = vector.load %arg12[%swap3A_1109, %swap3A_1110] : memref<2048x1xi32, #tpu.memory_space<vmem>>, vector<128x1xi32>
    tpu.vector_store %arg12[%swap3A_1109, %swap3A_1110], %select_n3A_1108 {strides = array<i32>} : memref<2048x1xi32, #tpu.memory_space<vmem>>, vector<128x1xi32>,
    %slice3A_1112 = vector.extract_strided_slice %convert_element_type3A_41 {offsets = [896, 0], sizes = [128, 64], strides = [1, 1]} : vector<2048x64xf32> to vector<128x64xf32>
    %slice3A_1113 = vector.extract_strided_slice %convert_element_type3A_45 {offsets = [896, 0], sizes = [128, 64], strides = [1, 1]} : vector<2048x64xf32> to vector<128x64xf32>
    %get3A_1114 = arith.constant 896 : index
    %get3A_1115 = arith.constant 0 : index
    %get3A_1116 = vector.load %arg13[%get3A_1114, %get3A_1115] : memref<2048x64xf32, #tpu.memory_space<vmem>>, vector<128x64xf32>
    %add3A_1117 = arith.addf %slice3A_1112, %slice3A_1113 : vector<128x64xf32>
    %sub3A_1118 = arith.subf %get3A_1116, %add3A_1117 : vector<128x64xf32>
    %slice3A_1119 = vector.extract_strided_slice %dot_general3A_217 {offsets = [7, 0], sizes = [1, 64], strides = [1, 1]} : vector<16x64xf32> to vector<1x64xf32>
    %add3A_1120 = vector.broadcast %slice3A_1119 : vector<1x64xf32> to vector<128x64xf32>
    %add3A_1121 = arith.addf %sub3A_1118, %add3A_1120 : vector<128x64xf32>
    %mul3A_1122 = arith.mulf %slice3A_1112, %add3A_1121 : vector<128x64xf32>
    %reduce_sum3A_1123 = arith.constant dense<0.000000e+00> : vector<128xf32>
    %reduce_sum3A_1124 = vector.multi_reduction <add>, %mul3A_1122, %reduce_sum3A_1123 [1] : vector<128x64xf32> to vector<128xf32>
    %broadcast_in_dim3A_1125 = vector.shape_cast %reduce_sum3A_1124 : vector<128xf32> to vector<128x1xf32>
    %add3A_1126 = arith.addf %add3A_1121, %slice3A_1112 : vector<128x64xf32>
    %mul3A_1127 = arith.mulf %slice3A_1113, %add3A_1126 : vector<128x64xf32>
    %reduce_sum3A_1128 = arith.constant dense<0.000000e+00> : vector<128xf32>
    %reduce_sum3A_1129 = vector.multi_reduction <add>, %mul3A_1127, %reduce_sum3A_1128 [1] : vector<128x64xf32> to vector<128xf32>
    %broadcast_in_dim3A_1130 = vector.shape_cast %reduce_sum3A_1129 : vector<128xf32> to vector<128x1xf32>
    %add3A_1131 = arith.constant 5.000000e-01 : f32
    %add3A_1132 = vector.broadcast %add3A_1131 : f32 to vector<128x1xf32>
    %add3A_1133 = arith.addf %broadcast_in_dim3A_1125, %add3A_1132 : vector<128x1xf32>
    %convert_element_type3A_1134 = arith.fptosi %add3A_1133 : vector<128x1xf32> to vector<128x1xi32>
    %add3A_1135 = arith.constant 5.000000e-01 : f32
    %add3A_1136 = vector.broadcast %add3A_1135 : f32 to vector<128x1xf32>
    %add3A_1137 = arith.addf %broadcast_in_dim3A_1130, %add3A_1136 : vector<128x1xf32>
    %convert_element_type3A_1138 = arith.fptosi %add3A_1137 : vector<128x1xf32> to vector<128x1xi32>
    %lt3A_1139 = arith.constant 77 : i32
    %lt3A_1140 = vector.broadcast %lt3A_1139 : i32 to vector<128x1xi32>
    %lt3A_1141 = arith.cmpi slt, %convert_element_type3A_1134, %lt3A_1140 : vector<128x1xi32>
    %lt3A_1142 = arith.constant 77 : i32
    %lt3A_1143 = vector.broadcast %lt3A_1142 : i32 to vector<128x1xi32>
    %lt3A_1144 = arith.cmpi slt, %convert_element_type3A_1138, %lt3A_1143 : vector<128x1xi32>
    %iota3A_1145 = tpu.iota {dimensions = array<i32: 0>} : vector<128x1xi32>
    %add3A_1146 = arith.constant 896 : i32
    %add3A_1147 = vector.broadcast %add3A_1146 : i32 to vector<128x1xi32>
    %add3A_1148 = arith.addi %add3A_1147, %iota3A_1145 : vector<128x1xi32>
    %jit3A_1149 = arith.constant 64 : i32
    %div3A_1150 = vector.broadcast %jit3A_1149 : i32 to vector<128x1xi32>
    %div3A_1151 = arith.divsi %add3A_1148, %div3A_1150 : vector<128x1xi32>
    %sign3A_1152 = arith.constant 0 : i32
    %sign3A_1153 = vector.broadcast %sign3A_1152 : i32 to vector<128x1xi32>
    %sign3A_1154 = arith.cmpi sgt, %add3A_1148, %sign3A_1153 : vector<128x1xi32>
    %sign3A_1155 = arith.extui %sign3A_1154 : vector<128x1xi1> to vector<128x1xi32>
    %sign3A_1156 = arith.constant 0 : i32
    %sign3A_1157 = vector.broadcast %sign3A_1156 : i32 to vector<128x1xi32>
    %sign3A_1158 = arith.cmpi slt, %add3A_1148, %sign3A_1157 : vector<128x1xi32>
    %sign3A_1159 = arith.extui %sign3A_1158 : vector<128x1xi1> to vector<128x1xi32>
    %sign3A_1160 = arith.subi %sign3A_1155, %sign3A_1159 : vector<128x1xi32>
    %sign3A_1161 = arith.constant 0 : i32
    %sign3A_1162 = arith.cmpi sgt, %jit3A_1149, %sign3A_1161 : i32
    %sign3A_1163 = arith.extui %sign3A_1162 : i1 to i32
    %sign3A_1164 = arith.constant 0 : i32
    %sign3A_1165 = arith.cmpi slt, %jit3A_1149, %sign3A_1164 : i32
    %sign3A_1166 = arith.extui %sign3A_1165 : i1 to i32
    %sign3A_1167 = arith.subi %sign3A_1163, %sign3A_1166 : i32
    %ne3A_1168 = vector.broadcast %sign3A_1167 : i32 to vector<128x1xi32>
    %ne3A_1169 = arith.cmpi ne, %sign3A_1160, %ne3A_1168 : vector<128x1xi32>
    %rem3A_1170 = vector.broadcast %jit3A_1149 : i32 to vector<128x1xi32>
    %rem3A_1171 = arith.remsi %add3A_1148, %rem3A_1170 : vector<128x1xi32>
    %ne3A_1172 = arith.constant 0 : i32
    %ne3A_1173 = vector.broadcast %ne3A_1172 : i32 to vector<128x1xi32>
    %ne3A_1174 = arith.cmpi ne, %rem3A_1171, %ne3A_1173 : vector<128x1xi32>
    %and3A_1175 = arith.andi %ne3A_1169, %ne3A_1174 : vector<128x1xi1>
    %sub3A_1176 = arith.constant 1 : i32
    %sub3A_1177 = vector.broadcast %sub3A_1176 : i32 to vector<128x1xi32>
    %sub3A_1178 = arith.subi %div3A_1151, %sub3A_1177 : vector<128x1xi32>
    %select_n3A_1179 = arith.select %and3A_1175, %sub3A_1178, %div3A_1151 : vector<128x1xi1>, vector<128x1xi32>
    %slice3A_1180 = vector.extract_strided_slice %broadcast_in_dim3A_14 {offsets = [896, 0], sizes = [128, 1], strides = [1, 1]} : vector<2048x1xi32> to vector<128x1xi32>
    %slice3A_1181 = vector.extract_strided_slice %broadcast_in_dim3A_30 {offsets = [896, 0], sizes = [128, 1], strides = [1, 1]} : vector<2048x1xi32> to vector<128x1xi32>
    %min3A_1182 = arith.constant 79 : i32
    %min3A_1183 = vector.broadcast %min3A_1182 : i32 to vector<128x1xi32>
    %min3A_1184 = arith.minsi %convert_element_type3A_1134, %min3A_1183 : vector<128x1xi32>
    %swap3A_1185 = arith.constant 896 : index
    %swap3A_1186 = arith.constant 0 : index
    %swap3A_1187 = vector.load %arg5[%swap3A_1185, %swap3A_1186] : memref<2048x1xi32, #tpu.memory_space<vmem>>, vector<128x1xi32>
    tpu.vector_store %arg5[%swap3A_1185, %swap3A_1186], %min3A_1184 {strides = array<i32>} : memref<2048x1xi32, #tpu.memory_space<vmem>>, vector<128x1xi32>,
    %min3A_1188 = arith.constant 79 : i32
    %min3A_1189 = vector.broadcast %min3A_1188 : i32 to vector<128x1xi32>
    %min3A_1190 = arith.minsi %convert_element_type3A_1138, %min3A_1189 : vector<128x1xi32>
    %swap3A_1191 = arith.constant 896 : index
    %swap3A_1192 = arith.constant 0 : index
    %swap3A_1193 = vector.load %arg6[%swap3A_1191, %swap3A_1192] : memref<2048x1xi32, #tpu.memory_space<vmem>>, vector<128x1xi32>
    tpu.vector_store %arg6[%swap3A_1191, %swap3A_1192], %min3A_1190 {strides = array<i32>} : memref<2048x1xi32, #tpu.memory_space<vmem>>, vector<128x1xi32>,
    %slice3A_1194 = vector.extract_strided_slice %div3A_35 {offsets = [896, 0], sizes = [128, 1], strides = [1, 1]} : vector<2048x1xf32> to vector<128x1xf32>
    %convert_element_type3A_1195 = arith.extui %lt3A_1141 : vector<128x1xi1> to vector<128x1xi32>
    %convert_element_type3A_1196 = arith.sitofp %convert_element_type3A_1195 : vector<128x1xi32> to vector<128x1xf32>
    %mul3A_1197 = arith.mulf %slice3A_1194, %convert_element_type3A_1196 : vector<128x1xf32>
    %swap3A_1198 = arith.constant 896 : index
    %swap3A_1199 = arith.constant 0 : index
    %swap3A_1200 = vector.load %arg7[%swap3A_1198, %swap3A_1199] : memref<2048x1xf32, #tpu.memory_space<vmem>>, vector<128x1xf32>
    tpu.vector_store %arg7[%swap3A_1198, %swap3A_1199], %mul3A_1197 {strides = array<i32>} : memref<2048x1xf32, #tpu.memory_space<vmem>>, vector<128x1xf32>,
    %slice3A_1201 = vector.extract_strided_slice %sub3A_38 {offsets = [896, 0], sizes = [128, 1], strides = [1, 1]} : vector<2048x1xf32> to vector<128x1xf32>
    %convert_element_type3A_1202 = arith.extui %lt3A_1144 : vector<128x1xi1> to vector<128x1xi32>
    %convert_element_type3A_1203 = arith.sitofp %convert_element_type3A_1202 : vector<128x1xi32> to vector<128x1xf32>
    %mul3A_1204 = arith.mulf %slice3A_1201, %convert_element_type3A_1203 : vector<128x1xf32>
    %swap3A_1205 = arith.constant 896 : index
    %swap3A_1206 = arith.constant 0 : index
    %swap3A_1207 = vector.load %arg8[%swap3A_1205, %swap3A_1206] : memref<2048x1xf32, #tpu.memory_space<vmem>>, vector<128x1xf32>
    tpu.vector_store %arg8[%swap3A_1205, %swap3A_1206], %mul3A_1204 {strides = array<i32>} : memref<2048x1xf32, #tpu.memory_space<vmem>>, vector<128x1xf32>,
    %convert_element_type3A_1208 = arith.extui %lt3A_1141 : vector<128x1xi1> to vector<128x1xi32>
    %convert_element_type3A_1209 = arith.sitofp %convert_element_type3A_1208 : vector<128x1xi32> to vector<128x1xf32>
    %swap3A_1210 = arith.constant 896 : index
    %swap3A_1211 = arith.constant 0 : index
    %swap3A_1212 = vector.load %arg9[%swap3A_1210, %swap3A_1211] : memref<2048x1xf32, #tpu.memory_space<vmem>>, vector<128x1xf32>
    tpu.vector_store %arg9[%swap3A_1210, %swap3A_1211], %convert_element_type3A_1209 {strides = array<i32>} : memref<2048x1xf32, #tpu.memory_space<vmem>>, vector<128x1xf32>,
    %convert_element_type3A_1213 = arith.extui %lt3A_1144 : vector<128x1xi1> to vector<128x1xi32>
    %convert_element_type3A_1214 = arith.sitofp %convert_element_type3A_1213 : vector<128x1xi32> to vector<128x1xf32>
    %swap3A_1215 = arith.constant 896 : index
    %swap3A_1216 = arith.constant 0 : index
    %swap3A_1217 = vector.load %arg10[%swap3A_1215, %swap3A_1216] : memref<2048x1xf32, #tpu.memory_space<vmem>>, vector<128x1xf32>
    tpu.vector_store %arg10[%swap3A_1215, %swap3A_1216], %convert_element_type3A_1214 {strides = array<i32>} : memref<2048x1xf32, #tpu.memory_space<vmem>>, vector<128x1xf32>,
    %mul3A_1218 = arith.constant 80 : i32
    %mul3A_1219 = vector.broadcast %mul3A_1218 : i32 to vector<128x1xi32>
    %mul3A_1220 = arith.muli %slice3A_1180, %mul3A_1219 : vector<128x1xi32>
    %add3A_1221 = arith.addi %mul3A_1220, %convert_element_type3A_1134 : vector<128x1xi32>
    %add3A_1222 = arith.constant 5120 : i32
    %add3A_1223 = vector.broadcast %add3A_1222 : i32 to vector<128x1xi32>
    %add3A_1224 = arith.addi %add3A_1223, %select_n3A_1179 : vector<128x1xi32>
    %select_n3A_1225 = arith.select %lt3A_1141, %add3A_1221, %add3A_1224 : vector<128x1xi1>, vector<128x1xi32>
    %swap3A_1226 = arith.constant 896 : index
    %swap3A_1227 = arith.constant 0 : index
    %swap3A_1228 = vector.load %arg11[%swap3A_1226, %swap3A_1227] : memref<2048x1xi32, #tpu.memory_space<vmem>>, vector<128x1xi32>
    tpu.vector_store %arg11[%swap3A_1226, %swap3A_1227], %select_n3A_1225 {strides = array<i32>} : memref<2048x1xi32, #tpu.memory_space<vmem>>, vector<128x1xi32>,
    %mul3A_1229 = arith.constant 80 : i32
    %mul3A_1230 = vector.broadcast %mul3A_1229 : i32 to vector<128x1xi32>
    %mul3A_1231 = arith.muli %slice3A_1181, %mul3A_1230 : vector<128x1xi32>
    %add3A_1232 = arith.addi %mul3A_1231, %convert_element_type3A_1138 : vector<128x1xi32>
    %add3A_1233 = arith.constant 5120 : i32
    %add3A_1234 = vector.broadcast %add3A_1233 : i32 to vector<128x1xi32>
    %add3A_1235 = arith.addi %add3A_1234, %select_n3A_1179 : vector<128x1xi32>
    %select_n3A_1236 = arith.select %lt3A_1144, %add3A_1232, %add3A_1235 : vector<128x1xi1>, vector<128x1xi32>
    %swap3A_1237 = arith.constant 896 : index
    %swap3A_1238 = arith.constant 0 : index
    %swap3A_1239 = vector.load %arg12[%swap3A_1237, %swap3A_1238] : memref<2048x1xi32, #tpu.memory_space<vmem>>, vector<128x1xi32>
    tpu.vector_store %arg12[%swap3A_1237, %swap3A_1238], %select_n3A_1236 {strides = array<i32>} : memref<2048x1xi32, #tpu.memory_space<vmem>>, vector<128x1xi32>,
    %slice3A_1240 = vector.extract_strided_slice %convert_element_type3A_41 {offsets = [1024, 0], sizes = [128, 64], strides = [1, 1]} : vector<2048x64xf32> to vector<128x64xf32>
    %slice3A_1241 = vector.extract_strided_slice %convert_element_type3A_45 {offsets = [1024, 0], sizes = [128, 64], strides = [1, 1]} : vector<2048x64xf32> to vector<128x64xf32>
    %get3A_1242 = arith.constant 1024 : index
    %get3A_1243 = arith.constant 0 : index
    %get3A_1244 = vector.load %arg13[%get3A_1242, %get3A_1243] : memref<2048x64xf32, #tpu.memory_space<vmem>>, vector<128x64xf32>
    %add3A_1245 = arith.addf %slice3A_1240, %slice3A_1241 : vector<128x64xf32>
    %sub3A_1246 = arith.subf %get3A_1244, %add3A_1245 : vector<128x64xf32>
    %slice3A_1247 = vector.extract_strided_slice %dot_general3A_217 {offsets = [8, 0], sizes = [1, 64], strides = [1, 1]} : vector<16x64xf32> to vector<1x64xf32>
    %add3A_1248 = vector.broadcast %slice3A_1247 : vector<1x64xf32> to vector<128x64xf32>
    %add3A_1249 = arith.addf %sub3A_1246, %add3A_1248 : vector<128x64xf32>
    %mul3A_1250 = arith.mulf %slice3A_1240, %add3A_1249 : vector<128x64xf32>
    %reduce_sum3A_1251 = arith.constant dense<0.000000e+00> : vector<128xf32>
    %reduce_sum3A_1252 = vector.multi_reduction <add>, %mul3A_1250, %reduce_sum3A_1251 [1] : vector<128x64xf32> to vector<128xf32>
    %broadcast_in_dim3A_1253 = vector.shape_cast %reduce_sum3A_1252 : vector<128xf32> to vector<128x1xf32>
    %add3A_1254 = arith.addf %add3A_1249, %slice3A_1240 : vector<128x64xf32>
    %mul3A_1255 = arith.mulf %slice3A_1241, %add3A_1254 : vector<128x64xf32>
    %reduce_sum3A_1256 = arith.constant dense<0.000000e+00> : vector<128xf32>
    %reduce_sum3A_1257 = vector.multi_reduction <add>, %mul3A_1255, %reduce_sum3A_1256 [1] : vector<128x64xf32> to vector<128xf32>
    %broadcast_in_dim3A_1258 = vector.shape_cast %reduce_sum3A_1257 : vector<128xf32> to vector<128x1xf32>
    %add3A_1259 = arith.constant 5.000000e-01 : f32
    %add3A_1260 = vector.broadcast %add3A_1259 : f32 to vector<128x1xf32>
    %add3A_1261 = arith.addf %broadcast_in_dim3A_1253, %add3A_1260 : vector<128x1xf32>
    %convert_element_type3A_1262 = arith.fptosi %add3A_1261 : vector<128x1xf32> to vector<128x1xi32>
    %add3A_1263 = arith.constant 5.000000e-01 : f32
    %add3A_1264 = vector.broadcast %add3A_1263 : f32 to vector<128x1xf32>
    %add3A_1265 = arith.addf %broadcast_in_dim3A_1258, %add3A_1264 : vector<128x1xf32>
    %convert_element_type3A_1266 = arith.fptosi %add3A_1265 : vector<128x1xf32> to vector<128x1xi32>
    %lt3A_1267 = arith.constant 77 : i32
    %lt3A_1268 = vector.broadcast %lt3A_1267 : i32 to vector<128x1xi32>
    %lt3A_1269 = arith.cmpi slt, %convert_element_type3A_1262, %lt3A_1268 : vector<128x1xi32>
    %lt3A_1270 = arith.constant 77 : i32
    %lt3A_1271 = vector.broadcast %lt3A_1270 : i32 to vector<128x1xi32>
    %lt3A_1272 = arith.cmpi slt, %convert_element_type3A_1266, %lt3A_1271 : vector<128x1xi32>
    %iota3A_1273 = tpu.iota {dimensions = array<i32: 0>} : vector<128x1xi32>
    %add3A_1274 = arith.constant 1024 : i32
    %add3A_1275 = vector.broadcast %add3A_1274 : i32 to vector<128x1xi32>
    %add3A_1276 = arith.addi %add3A_1275, %iota3A_1273 : vector<128x1xi32>
    %jit3A_1277 = arith.constant 64 : i32
    %div3A_1278 = vector.broadcast %jit3A_1277 : i32 to vector<128x1xi32>
    %div3A_1279 = arith.divsi %add3A_1276, %div3A_1278 : vector<128x1xi32>
    %sign3A_1280 = arith.constant 0 : i32
    %sign3A_1281 = vector.broadcast %sign3A_1280 : i32 to vector<128x1xi32>
    %sign3A_1282 = arith.cmpi sgt, %add3A_1276, %sign3A_1281 : vector<128x1xi32>
    %sign3A_1283 = arith.extui %sign3A_1282 : vector<128x1xi1> to vector<128x1xi32>
    %sign3A_1284 = arith.constant 0 : i32
    %sign3A_1285 = vector.broadcast %sign3A_1284 : i32 to vector<128x1xi32>
    %sign3A_1286 = arith.cmpi slt, %add3A_1276, %sign3A_1285 : vector<128x1xi32>
    %sign3A_1287 = arith.extui %sign3A_1286 : vector<128x1xi1> to vector<128x1xi32>
    %sign3A_1288 = arith.subi %sign3A_1283, %sign3A_1287 : vector<128x1xi32>
    %sign3A_1289 = arith.constant 0 : i32
    %sign3A_1290 = arith.cmpi sgt, %jit3A_1277, %sign3A_1289 : i32
    %sign3A_1291 = arith.extui %sign3A_1290 : i1 to i32
    %sign3A_1292 = arith.constant 0 : i32
    %sign3A_1293 = arith.cmpi slt, %jit3A_1277, %sign3A_1292 : i32
    %sign3A_1294 = arith.extui %sign3A_1293 : i1 to i32
    %sign3A_1295 = arith.subi %sign3A_1291, %sign3A_1294 : i32
    %ne3A_1296 = vector.broadcast %sign3A_1295 : i32 to vector<128x1xi32>
    %ne3A_1297 = arith.cmpi ne, %sign3A_1288, %ne3A_1296 : vector<128x1xi32>
    %rem3A_1298 = vector.broadcast %jit3A_1277 : i32 to vector<128x1xi32>
    %rem3A_1299 = arith.remsi %add3A_1276, %rem3A_1298 : vector<128x1xi32>
    %ne3A_1300 = arith.constant 0 : i32
    %ne3A_1301 = vector.broadcast %ne3A_1300 : i32 to vector<128x1xi32>
    %ne3A_1302 = arith.cmpi ne, %rem3A_1299, %ne3A_1301 : vector<128x1xi32>
    %and3A_1303 = arith.andi %ne3A_1297, %ne3A_1302 : vector<128x1xi1>
    %sub3A_1304 = arith.constant 1 : i32
    %sub3A_1305 = vector.broadcast %sub3A_1304 : i32 to vector<128x1xi32>
    %sub3A_1306 = arith.subi %div3A_1279, %sub3A_1305 : vector<128x1xi32>
    %select_n3A_1307 = arith.select %and3A_1303, %sub3A_1306, %div3A_1279 : vector<128x1xi1>, vector<128x1xi32>
    %slice3A_1308 = vector.extract_strided_slice %broadcast_in_dim3A_14 {offsets = [1024, 0], sizes = [128, 1], strides = [1, 1]} : vector<2048x1xi32> to vector<128x1xi32>
    %slice3A_1309 = vector.extract_strided_slice %broadcast_in_dim3A_30 {offsets = [1024, 0], sizes = [128, 1], strides = [1, 1]} : vector<2048x1xi32> to vector<128x1xi32>
    %min3A_1310 = arith.constant 79 : i32
    %min3A_1311 = vector.broadcast %min3A_1310 : i32 to vector<128x1xi32>
    %min3A_1312 = arith.minsi %convert_element_type3A_1262, %min3A_1311 : vector<128x1xi32>
    %swap3A_1313 = arith.constant 1024 : index
    %swap3A_1314 = arith.constant 0 : index
    %swap3A_1315 = vector.load %arg5[%swap3A_1313, %swap3A_1314] : memref<2048x1xi32, #tpu.memory_space<vmem>>, vector<128x1xi32>
    tpu.vector_store %arg5[%swap3A_1313, %swap3A_1314], %min3A_1312 {strides = array<i32>} : memref<2048x1xi32, #tpu.memory_space<vmem>>, vector<128x1xi32>,
    %min3A_1316 = arith.constant 79 : i32
    %min3A_1317 = vector.broadcast %min3A_1316 : i32 to vector<128x1xi32>
    %min3A_1318 = arith.minsi %convert_element_type3A_1266, %min3A_1317 : vector<128x1xi32>
    %swap3A_1319 = arith.constant 1024 : index
    %swap3A_1320 = arith.constant 0 : index
    %swap3A_1321 = vector.load %arg6[%swap3A_1319, %swap3A_1320] : memref<2048x1xi32, #tpu.memory_space<vmem>>, vector<128x1xi32>
    tpu.vector_store %arg6[%swap3A_1319, %swap3A_1320], %min3A_1318 {strides = array<i32>} : memref<2048x1xi32, #tpu.memory_space<vmem>>, vector<128x1xi32>,
    %slice3A_1322 = vector.extract_strided_slice %div3A_35 {offsets = [1024, 0], sizes = [128, 1], strides = [1, 1]} : vector<2048x1xf32> to vector<128x1xf32>
    %convert_element_type3A_1323 = arith.extui %lt3A_1269 : vector<128x1xi1> to vector<128x1xi32>
    %convert_element_type3A_1324 = arith.sitofp %convert_element_type3A_1323 : vector<128x1xi32> to vector<128x1xf32>
    %mul3A_1325 = arith.mulf %slice3A_1322, %convert_element_type3A_1324 : vector<128x1xf32>
    %swap3A_1326 = arith.constant 1024 : index
    %swap3A_1327 = arith.constant 0 : index
    %swap3A_1328 = vector.load %arg7[%swap3A_1326, %swap3A_1327] : memref<2048x1xf32, #tpu.memory_space<vmem>>, vector<128x1xf32>
    tpu.vector_store %arg7[%swap3A_1326, %swap3A_1327], %mul3A_1325 {strides = array<i32>} : memref<2048x1xf32, #tpu.memory_space<vmem>>, vector<128x1xf32>,
    %slice3A_1329 = vector.extract_strided_slice %sub3A_38 {offsets = [1024, 0], sizes = [128, 1], strides = [1, 1]} : vector<2048x1xf32> to vector<128x1xf32>
    %convert_element_type3A_1330 = arith.extui %lt3A_1272 : vector<128x1xi1> to vector<128x1xi32>
    %convert_element_type3A_1331 = arith.sitofp %convert_element_type3A_1330 : vector<128x1xi32> to vector<128x1xf32>
    %mul3A_1332 = arith.mulf %slice3A_1329, %convert_element_type3A_1331 : vector<128x1xf32>
    %swap3A_1333 = arith.constant 1024 : index
    %swap3A_1334 = arith.constant 0 : index
    %swap3A_1335 = vector.load %arg8[%swap3A_1333, %swap3A_1334] : memref<2048x1xf32, #tpu.memory_space<vmem>>, vector<128x1xf32>
    tpu.vector_store %arg8[%swap3A_1333, %swap3A_1334], %mul3A_1332 {strides = array<i32>} : memref<2048x1xf32, #tpu.memory_space<vmem>>, vector<128x1xf32>,
    %convert_element_type3A_1336 = arith.extui %lt3A_1269 : vector<128x1xi1> to vector<128x1xi32>
    %convert_element_type3A_1337 = arith.sitofp %convert_element_type3A_1336 : vector<128x1xi32> to vector<128x1xf32>
    %swap3A_1338 = arith.constant 1024 : index
    %swap3A_1339 = arith.constant 0 : index
    %swap3A_1340 = vector.load %arg9[%swap3A_1338, %swap3A_1339] : memref<2048x1xf32, #tpu.memory_space<vmem>>, vector<128x1xf32>
    tpu.vector_store %arg9[%swap3A_1338, %swap3A_1339], %convert_element_type3A_1337 {strides = array<i32>} : memref<2048x1xf32, #tpu.memory_space<vmem>>, vector<128x1xf32>,
    %convert_element_type3A_1341 = arith.extui %lt3A_1272 : vector<128x1xi1> to vector<128x1xi32>
    %convert_element_type3A_1342 = arith.sitofp %convert_element_type3A_1341 : vector<128x1xi32> to vector<128x1xf32>
    %swap3A_1343 = arith.constant 1024 : index
    %swap3A_1344 = arith.constant 0 : index
    %swap3A_1345 = vector.load %arg10[%swap3A_1343, %swap3A_1344] : memref<2048x1xf32, #tpu.memory_space<vmem>>, vector<128x1xf32>
    tpu.vector_store %arg10[%swap3A_1343, %swap3A_1344], %convert_element_type3A_1342 {strides = array<i32>} : memref<2048x1xf32, #tpu.memory_space<vmem>>, vector<128x1xf32>,
    %mul3A_1346 = arith.constant 80 : i32
    %mul3A_1347 = vector.broadcast %mul3A_1346 : i32 to vector<128x1xi32>
    %mul3A_1348 = arith.muli %slice3A_1308, %mul3A_1347 : vector<128x1xi32>
    %add3A_1349 = arith.addi %mul3A_1348, %convert_element_type3A_1262 : vector<128x1xi32>
    %add3A_1350 = arith.constant 5120 : i32
    %add3A_1351 = vector.broadcast %add3A_1350 : i32 to vector<128x1xi32>
    %add3A_1352 = arith.addi %add3A_1351, %select_n3A_1307 : vector<128x1xi32>
    %select_n3A_1353 = arith.select %lt3A_1269, %add3A_1349, %add3A_1352 : vector<128x1xi1>, vector<128x1xi32>
    %swap3A_1354 = arith.constant 1024 : index
    %swap3A_1355 = arith.constant 0 : index
    %swap3A_1356 = vector.load %arg11[%swap3A_1354, %swap3A_1355] : memref<2048x1xi32, #tpu.memory_space<vmem>>, vector<128x1xi32>
    tpu.vector_store %arg11[%swap3A_1354, %swap3A_1355], %select_n3A_1353 {strides = array<i32>} : memref<2048x1xi32, #tpu.memory_space<vmem>>, vector<128x1xi32>,
    %mul3A_1357 = arith.constant 80 : i32
    %mul3A_1358 = vector.broadcast %mul3A_1357 : i32 to vector<128x1xi32>
    %mul3A_1359 = arith.muli %slice3A_1309, %mul3A_1358 : vector<128x1xi32>
    %add3A_1360 = arith.addi %mul3A_1359, %convert_element_type3A_1266 : vector<128x1xi32>
    %add3A_1361 = arith.constant 5120 : i32
    %add3A_1362 = vector.broadcast %add3A_1361 : i32 to vector<128x1xi32>
    %add3A_1363 = arith.addi %add3A_1362, %select_n3A_1307 : vector<128x1xi32>
    %select_n3A_1364 = arith.select %lt3A_1272, %add3A_1360, %add3A_1363 : vector<128x1xi1>, vector<128x1xi32>
    %swap3A_1365 = arith.constant 1024 : index
    %swap3A_1366 = arith.constant 0 : index
    %swap3A_1367 = vector.load %arg12[%swap3A_1365, %swap3A_1366] : memref<2048x1xi32, #tpu.memory_space<vmem>>, vector<128x1xi32>
    tpu.vector_store %arg12[%swap3A_1365, %swap3A_1366], %select_n3A_1364 {strides = array<i32>} : memref<2048x1xi32, #tpu.memory_space<vmem>>, vector<128x1xi32>,
    %slice3A_1368 = vector.extract_strided_slice %convert_element_type3A_41 {offsets = [1152, 0], sizes = [128, 64], strides = [1, 1]} : vector<2048x64xf32> to vector<128x64xf32>
    %slice3A_1369 = vector.extract_strided_slice %convert_element_type3A_45 {offsets = [1152, 0], sizes = [128, 64], strides = [1, 1]} : vector<2048x64xf32> to vector<128x64xf32>
    %get3A_1370 = arith.constant 1152 : index
    %get3A_1371 = arith.constant 0 : index
    %get3A_1372 = vector.load %arg13[%get3A_1370, %get3A_1371] : memref<2048x64xf32, #tpu.memory_space<vmem>>, vector<128x64xf32>
    %add3A_1373 = arith.addf %slice3A_1368, %slice3A_1369 : vector<128x64xf32>
    %sub3A_1374 = arith.subf %get3A_1372, %add3A_1373 : vector<128x64xf32>
    %slice3A_1375 = vector.extract_strided_slice %dot_general3A_217 {offsets = [9, 0], sizes = [1, 64], strides = [1, 1]} : vector<16x64xf32> to vector<1x64xf32>
    %add3A_1376 = vector.broadcast %slice3A_1375 : vector<1x64xf32> to vector<128x64xf32>
    %add3A_1377 = arith.addf %sub3A_1374, %add3A_1376 : vector<128x64xf32>
    %mul3A_1378 = arith.mulf %slice3A_1368, %add3A_1377 : vector<128x64xf32>
    %reduce_sum3A_1379 = arith.constant dense<0.000000e+00> : vector<128xf32>
    %reduce_sum3A_1380 = vector.multi_reduction <add>, %mul3A_1378, %reduce_sum3A_1379 [1] : vector<128x64xf32> to vector<128xf32>
    %broadcast_in_dim3A_1381 = vector.shape_cast %reduce_sum3A_1380 : vector<128xf32> to vector<128x1xf32>
    %add3A_1382 = arith.addf %add3A_1377, %slice3A_1368 : vector<128x64xf32>
    %mul3A_1383 = arith.mulf %slice3A_1369, %add3A_1382 : vector<128x64xf32>
    %reduce_sum3A_1384 = arith.constant dense<0.000000e+00> : vector<128xf32>
    %reduce_sum3A_1385 = vector.multi_reduction <add>, %mul3A_1383, %reduce_sum3A_1384 [1] : vector<128x64xf32> to vector<128xf32>
    %broadcast_in_dim3A_1386 = vector.shape_cast %reduce_sum3A_1385 : vector<128xf32> to vector<128x1xf32>
    %add3A_1387 = arith.constant 5.000000e-01 : f32
    %add3A_1388 = vector.broadcast %add3A_1387 : f32 to vector<128x1xf32>
    %add3A_1389 = arith.addf %broadcast_in_dim3A_1381, %add3A_1388 : vector<128x1xf32>
    %convert_element_type3A_1390 = arith.fptosi %add3A_1389 : vector<128x1xf32> to vector<128x1xi32>
    %add3A_1391 = arith.constant 5.000000e-01 : f32
    %add3A_1392 = vector.broadcast %add3A_1391 : f32 to vector<128x1xf32>
    %add3A_1393 = arith.addf %broadcast_in_dim3A_1386, %add3A_1392 : vector<128x1xf32>
    %convert_element_type3A_1394 = arith.fptosi %add3A_1393 : vector<128x1xf32> to vector<128x1xi32>
    %lt3A_1395 = arith.constant 77 : i32
    %lt3A_1396 = vector.broadcast %lt3A_1395 : i32 to vector<128x1xi32>
    %lt3A_1397 = arith.cmpi slt, %convert_element_type3A_1390, %lt3A_1396 : vector<128x1xi32>
    %lt3A_1398 = arith.constant 77 : i32
    %lt3A_1399 = vector.broadcast %lt3A_1398 : i32 to vector<128x1xi32>
    %lt3A_1400 = arith.cmpi slt, %convert_element_type3A_1394, %lt3A_1399 : vector<128x1xi32>
    %iota3A_1401 = tpu.iota {dimensions = array<i32: 0>} : vector<128x1xi32>
    %add3A_1402 = arith.constant 1152 : i32
    %add3A_1403 = vector.broadcast %add3A_1402 : i32 to vector<128x1xi32>
    %add3A_1404 = arith.addi %add3A_1403, %iota3A_1401 : vector<128x1xi32>
    %jit3A_1405 = arith.constant 64 : i32
    %div3A_1406 = vector.broadcast %jit3A_1405 : i32 to vector<128x1xi32>
    %div3A_1407 = arith.divsi %add3A_1404, %div3A_1406 : vector<128x1xi32>
    %sign3A_1408 = arith.constant 0 : i32
    %sign3A_1409 = vector.broadcast %sign3A_1408 : i32 to vector<128x1xi32>
    %sign3A_1410 = arith.cmpi sgt, %add3A_1404, %sign3A_1409 : vector<128x1xi32>
    %sign3A_1411 = arith.extui %sign3A_1410 : vector<128x1xi1> to vector<128x1xi32>
    %sign3A_1412 = arith.constant 0 : i32
    %sign3A_1413 = vector.broadcast %sign3A_1412 : i32 to vector<128x1xi32>
    %sign3A_1414 = arith.cmpi slt, %add3A_1404, %sign3A_1413 : vector<128x1xi32>
    %sign3A_1415 = arith.extui %sign3A_1414 : vector<128x1xi1> to vector<128x1xi32>
    %sign3A_1416 = arith.subi %sign3A_1411, %sign3A_1415 : vector<128x1xi32>
    %sign3A_1417 = arith.constant 0 : i32
    %sign3A_1418 = arith.cmpi sgt, %jit3A_1405, %sign3A_1417 : i32
    %sign3A_1419 = arith.extui %sign3A_1418 : i1 to i32
    %sign3A_1420 = arith.constant 0 : i32
    %sign3A_1421 = arith.cmpi slt, %jit3A_1405, %sign3A_1420 : i32
    %sign3A_1422 = arith.extui %sign3A_1421 : i1 to i32
    %sign3A_1423 = arith.subi %sign3A_1419, %sign3A_1422 : i32
    %ne3A_1424 = vector.broadcast %sign3A_1423 : i32 to vector<128x1xi32>
    %ne3A_1425 = arith.cmpi ne, %sign3A_1416, %ne3A_1424 : vector<128x1xi32>
    %rem3A_1426 = vector.broadcast %jit3A_1405 : i32 to vector<128x1xi32>
    %rem3A_1427 = arith.remsi %add3A_1404, %rem3A_1426 : vector<128x1xi32>
    %ne3A_1428 = arith.constant 0 : i32
    %ne3A_1429 = vector.broadcast %ne3A_1428 : i32 to vector<128x1xi32>
    %ne3A_1430 = arith.cmpi ne, %rem3A_1427, %ne3A_1429 : vector<128x1xi32>
    %and3A_1431 = arith.andi %ne3A_1425, %ne3A_1430 : vector<128x1xi1>
    %sub3A_1432 = arith.constant 1 : i32
    %sub3A_1433 = vector.broadcast %sub3A_1432 : i32 to vector<128x1xi32>
    %sub3A_1434 = arith.subi %div3A_1407, %sub3A_1433 : vector<128x1xi32>
    %select_n3A_1435 = arith.select %and3A_1431, %sub3A_1434, %div3A_1407 : vector<128x1xi1>, vector<128x1xi32>
    %slice3A_1436 = vector.extract_strided_slice %broadcast_in_dim3A_14 {offsets = [1152, 0], sizes = [128, 1], strides = [1, 1]} : vector<2048x1xi32> to vector<128x1xi32>
    %slice3A_1437 = vector.extract_strided_slice %broadcast_in_dim3A_30 {offsets = [1152, 0], sizes = [128, 1], strides = [1, 1]} : vector<2048x1xi32> to vector<128x1xi32>
    %min3A_1438 = arith.constant 79 : i32
    %min3A_1439 = vector.broadcast %min3A_1438 : i32 to vector<128x1xi32>
    %min3A_1440 = arith.minsi %convert_element_type3A_1390, %min3A_1439 : vector<128x1xi32>
    %swap3A_1441 = arith.constant 1152 : index
    %swap3A_1442 = arith.constant 0 : index
    %swap3A_1443 = vector.load %arg5[%swap3A_1441, %swap3A_1442] : memref<2048x1xi32, #tpu.memory_space<vmem>>, vector<128x1xi32>
    tpu.vector_store %arg5[%swap3A_1441, %swap3A_1442], %min3A_1440 {strides = array<i32>} : memref<2048x1xi32, #tpu.memory_space<vmem>>, vector<128x1xi32>,
    %min3A_1444 = arith.constant 79 : i32
    %min3A_1445 = vector.broadcast %min3A_1444 : i32 to vector<128x1xi32>
    %min3A_1446 = arith.minsi %convert_element_type3A_1394, %min3A_1445 : vector<128x1xi32>
    %swap3A_1447 = arith.constant 1152 : index
    %swap3A_1448 = arith.constant 0 : index
    %swap3A_1449 = vector.load %arg6[%swap3A_1447, %swap3A_1448] : memref<2048x1xi32, #tpu.memory_space<vmem>>, vector<128x1xi32>
    tpu.vector_store %arg6[%swap3A_1447, %swap3A_1448], %min3A_1446 {strides = array<i32>} : memref<2048x1xi32, #tpu.memory_space<vmem>>, vector<128x1xi32>,
    %slice3A_1450 = vector.extract_strided_slice %div3A_35 {offsets = [1152, 0], sizes = [128, 1], strides = [1, 1]} : vector<2048x1xf32> to vector<128x1xf32>
    %convert_element_type3A_1451 = arith.extui %lt3A_1397 : vector<128x1xi1> to vector<128x1xi32>
    %convert_element_type3A_1452 = arith.sitofp %convert_element_type3A_1451 : vector<128x1xi32> to vector<128x1xf32>
    %mul3A_1453 = arith.mulf %slice3A_1450, %convert_element_type3A_1452 : vector<128x1xf32>
    %swap3A_1454 = arith.constant 1152 : index
    %swap3A_1455 = arith.constant 0 : index
    %swap3A_1456 = vector.load %arg7[%swap3A_1454, %swap3A_1455] : memref<2048x1xf32, #tpu.memory_space<vmem>>, vector<128x1xf32>
    tpu.vector_store %arg7[%swap3A_1454, %swap3A_1455], %mul3A_1453 {strides = array<i32>} : memref<2048x1xf32, #tpu.memory_space<vmem>>, vector<128x1xf32>,
    %slice3A_1457 = vector.extract_strided_slice %sub3A_38 {offsets = [1152, 0], sizes = [128, 1], strides = [1, 1]} : vector<2048x1xf32> to vector<128x1xf32>
    %convert_element_type3A_1458 = arith.extui %lt3A_1400 : vector<128x1xi1> to vector<128x1xi32>
    %convert_element_type3A_1459 = arith.sitofp %convert_element_type3A_1458 : vector<128x1xi32> to vector<128x1xf32>
    %mul3A_1460 = arith.mulf %slice3A_1457, %convert_element_type3A_1459 : vector<128x1xf32>
    %swap3A_1461 = arith.constant 1152 : index
    %swap3A_1462 = arith.constant 0 : index
    %swap3A_1463 = vector.load %arg8[%swap3A_1461, %swap3A_1462] : memref<2048x1xf32, #tpu.memory_space<vmem>>, vector<128x1xf32>
    tpu.vector_store %arg8[%swap3A_1461, %swap3A_1462], %mul3A_1460 {strides = array<i32>} : memref<2048x1xf32, #tpu.memory_space<vmem>>, vector<128x1xf32>,
    %convert_element_type3A_1464 = arith.extui %lt3A_1397 : vector<128x1xi1> to vector<128x1xi32>
    %convert_element_type3A_1465 = arith.sitofp %convert_element_type3A_1464 : vector<128x1xi32> to vector<128x1xf32>
    %swap3A_1466 = arith.constant 1152 : index
    %swap3A_1467 = arith.constant 0 : index
    %swap3A_1468 = vector.load %arg9[%swap3A_1466, %swap3A_1467] : memref<2048x1xf32, #tpu.memory_space<vmem>>, vector<128x1xf32>
    tpu.vector_store %arg9[%swap3A_1466, %swap3A_1467], %convert_element_type3A_1465 {strides = array<i32>} : memref<2048x1xf32, #tpu.memory_space<vmem>>, vector<128x1xf32>,
    %convert_element_type3A_1469 = arith.extui %lt3A_1400 : vector<128x1xi1> to vector<128x1xi32>
    %convert_element_type3A_1470 = arith.sitofp %convert_element_type3A_1469 : vector<128x1xi32> to vector<128x1xf32>
    %swap3A_1471 = arith.constant 1152 : index
    %swap3A_1472 = arith.constant 0 : index
    %swap3A_1473 = vector.load %arg10[%swap3A_1471, %swap3A_1472] : memref<2048x1xf32, #tpu.memory_space<vmem>>, vector<128x1xf32>
    tpu.vector_store %arg10[%swap3A_1471, %swap3A_1472], %convert_element_type3A_1470 {strides = array<i32>} : memref<2048x1xf32, #tpu.memory_space<vmem>>, vector<128x1xf32>,
    %mul3A_1474 = arith.constant 80 : i32
    %mul3A_1475 = vector.broadcast %mul3A_1474 : i32 to vector<128x1xi32>
    %mul3A_1476 = arith.muli %slice3A_1436, %mul3A_1475 : vector<128x1xi32>
    %add3A_1477 = arith.addi %mul3A_1476, %convert_element_type3A_1390 : vector<128x1xi32>
    %add3A_1478 = arith.constant 5120 : i32
    %add3A_1479 = vector.broadcast %add3A_1478 : i32 to vector<128x1xi32>
    %add3A_1480 = arith.addi %add3A_1479, %select_n3A_1435 : vector<128x1xi32>
    %select_n3A_1481 = arith.select %lt3A_1397, %add3A_1477, %add3A_1480 : vector<128x1xi1>, vector<128x1xi32>
    %swap3A_1482 = arith.constant 1152 : index
    %swap3A_1483 = arith.constant 0 : index
    %swap3A_1484 = vector.load %arg11[%swap3A_1482, %swap3A_1483] : memref<2048x1xi32, #tpu.memory_space<vmem>>, vector<128x1xi32>
    tpu.vector_store %arg11[%swap3A_1482, %swap3A_1483], %select_n3A_1481 {strides = array<i32>} : memref<2048x1xi32, #tpu.memory_space<vmem>>, vector<128x1xi32>,
    %mul3A_1485 = arith.constant 80 : i32
    %mul3A_1486 = vector.broadcast %mul3A_1485 : i32 to vector<128x1xi32>
    %mul3A_1487 = arith.muli %slice3A_1437, %mul3A_1486 : vector<128x1xi32>
    %add3A_1488 = arith.addi %mul3A_1487, %convert_element_type3A_1394 : vector<128x1xi32>
    %add3A_1489 = arith.constant 5120 : i32
    %add3A_1490 = vector.broadcast %add3A_1489 : i32 to vector<128x1xi32>
    %add3A_1491 = arith.addi %add3A_1490, %select_n3A_1435 : vector<128x1xi32>
    %select_n3A_1492 = arith.select %lt3A_1400, %add3A_1488, %add3A_1491 : vector<128x1xi1>, vector<128x1xi32>
    %swap3A_1493 = arith.constant 1152 : index
    %swap3A_1494 = arith.constant 0 : index
    %swap3A_1495 = vector.load %arg12[%swap3A_1493, %swap3A_1494] : memref<2048x1xi32, #tpu.memory_space<vmem>>, vector<128x1xi32>
    tpu.vector_store %arg12[%swap3A_1493, %swap3A_1494], %select_n3A_1492 {strides = array<i32>} : memref<2048x1xi32, #tpu.memory_space<vmem>>, vector<128x1xi32>,
    %slice3A_1496 = vector.extract_strided_slice %convert_element_type3A_41 {offsets = [1280, 0], sizes = [128, 64], strides = [1, 1]} : vector<2048x64xf32> to vector<128x64xf32>
    %slice3A_1497 = vector.extract_strided_slice %convert_element_type3A_45 {offsets = [1280, 0], sizes = [128, 64], strides = [1, 1]} : vector<2048x64xf32> to vector<128x64xf32>
    %get3A_1498 = arith.constant 1280 : index
    %get3A_1499 = arith.constant 0 : index
    %get3A_1500 = vector.load %arg13[%get3A_1498, %get3A_1499] : memref<2048x64xf32, #tpu.memory_space<vmem>>, vector<128x64xf32>
    %add3A_1501 = arith.addf %slice3A_1496, %slice3A_1497 : vector<128x64xf32>
    %sub3A_1502 = arith.subf %get3A_1500, %add3A_1501 : vector<128x64xf32>
    %slice3A_1503 = vector.extract_strided_slice %dot_general3A_217 {offsets = [10, 0], sizes = [1, 64], strides = [1, 1]} : vector<16x64xf32> to vector<1x64xf32>
    %add3A_1504 = vector.broadcast %slice3A_1503 : vector<1x64xf32> to vector<128x64xf32>
    %add3A_1505 = arith.addf %sub3A_1502, %add3A_1504 : vector<128x64xf32>
    %mul3A_1506 = arith.mulf %slice3A_1496, %add3A_1505 : vector<128x64xf32>
    %reduce_sum3A_1507 = arith.constant dense<0.000000e+00> : vector<128xf32>
    %reduce_sum3A_1508 = vector.multi_reduction <add>, %mul3A_1506, %reduce_sum3A_1507 [1] : vector<128x64xf32> to vector<128xf32>
    %broadcast_in_dim3A_1509 = vector.shape_cast %reduce_sum3A_1508 : vector<128xf32> to vector<128x1xf32>
    %add3A_1510 = arith.addf %add3A_1505, %slice3A_1496 : vector<128x64xf32>
    %mul3A_1511 = arith.mulf %slice3A_1497, %add3A_1510 : vector<128x64xf32>
    %reduce_sum3A_1512 = arith.constant dense<0.000000e+00> : vector<128xf32>
    %reduce_sum3A_1513 = vector.multi_reduction <add>, %mul3A_1511, %reduce_sum3A_1512 [1] : vector<128x64xf32> to vector<128xf32>
    %broadcast_in_dim3A_1514 = vector.shape_cast %reduce_sum3A_1513 : vector<128xf32> to vector<128x1xf32>
    %add3A_1515 = arith.constant 5.000000e-01 : f32
    %add3A_1516 = vector.broadcast %add3A_1515 : f32 to vector<128x1xf32>
    %add3A_1517 = arith.addf %broadcast_in_dim3A_1509, %add3A_1516 : vector<128x1xf32>
    %convert_element_type3A_1518 = arith.fptosi %add3A_1517 : vector<128x1xf32> to vector<128x1xi32>
    %add3A_1519 = arith.constant 5.000000e-01 : f32
    %add3A_1520 = vector.broadcast %add3A_1519 : f32 to vector<128x1xf32>
    %add3A_1521 = arith.addf %broadcast_in_dim3A_1514, %add3A_1520 : vector<128x1xf32>
    %convert_element_type3A_1522 = arith.fptosi %add3A_1521 : vector<128x1xf32> to vector<128x1xi32>
    %lt3A_1523 = arith.constant 77 : i32
    %lt3A_1524 = vector.broadcast %lt3A_1523 : i32 to vector<128x1xi32>
    %lt3A_1525 = arith.cmpi slt, %convert_element_type3A_1518, %lt3A_1524 : vector<128x1xi32>
    %lt3A_1526 = arith.constant 77 : i32
    %lt3A_1527 = vector.broadcast %lt3A_1526 : i32 to vector<128x1xi32>
    %lt3A_1528 = arith.cmpi slt, %convert_element_type3A_1522, %lt3A_1527 : vector<128x1xi32>
    %iota3A_1529 = tpu.iota {dimensions = array<i32: 0>} : vector<128x1xi32>
    %add3A_1530 = arith.constant 1280 : i32
    %add3A_1531 = vector.broadcast %add3A_1530 : i32 to vector<128x1xi32>
    %add3A_1532 = arith.addi %add3A_1531, %iota3A_1529 : vector<128x1xi32>
    %jit3A_1533 = arith.constant 64 : i32
    %div3A_1534 = vector.broadcast %jit3A_1533 : i32 to vector<128x1xi32>
    %div3A_1535 = arith.divsi %add3A_1532, %div3A_1534 : vector<128x1xi32>
    %sign3A_1536 = arith.constant 0 : i32
    %sign3A_1537 = vector.broadcast %sign3A_1536 : i32 to vector<128x1xi32>
    %sign3A_1538 = arith.cmpi sgt, %add3A_1532, %sign3A_1537 : vector<128x1xi32>
    %sign3A_1539 = arith.extui %sign3A_1538 : vector<128x1xi1> to vector<128x1xi32>
    %sign3A_1540 = arith.constant 0 : i32
    %sign3A_1541 = vector.broadcast %sign3A_1540 : i32 to vector<128x1xi32>
    %sign3A_1542 = arith.cmpi slt, %add3A_1532, %sign3A_1541 : vector<128x1xi32>
    %sign3A_1543 = arith.extui %sign3A_1542 : vector<128x1xi1> to vector<128x1xi32>
    %sign3A_1544 = arith.subi %sign3A_1539, %sign3A_1543 : vector<128x1xi32>
    %sign3A_1545 = arith.constant 0 : i32
    %sign3A_1546 = arith.cmpi sgt, %jit3A_1533, %sign3A_1545 : i32
    %sign3A_1547 = arith.extui %sign3A_1546 : i1 to i32
    %sign3A_1548 = arith.constant 0 : i32
    %sign3A_1549 = arith.cmpi slt, %jit3A_1533, %sign3A_1548 : i32
    %sign3A_1550 = arith.extui %sign3A_1549 : i1 to i32
    %sign3A_1551 = arith.subi %sign3A_1547, %sign3A_1550 : i32
    %ne3A_1552 = vector.broadcast %sign3A_1551 : i32 to vector<128x1xi32>
    %ne3A_1553 = arith.cmpi ne, %sign3A_1544, %ne3A_1552 : vector<128x1xi32>
    %rem3A_1554 = vector.broadcast %jit3A_1533 : i32 to vector<128x1xi32>
    %rem3A_1555 = arith.remsi %add3A_1532, %rem3A_1554 : vector<128x1xi32>
    %ne3A_1556 = arith.constant 0 : i32
    %ne3A_1557 = vector.broadcast %ne3A_1556 : i32 to vector<128x1xi32>
    %ne3A_1558 = arith.cmpi ne, %rem3A_1555, %ne3A_1557 : vector<128x1xi32>
    %and3A_1559 = arith.andi %ne3A_1553, %ne3A_1558 : vector<128x1xi1>
    %sub3A_1560 = arith.constant 1 : i32
    %sub3A_1561 = vector.broadcast %sub3A_1560 : i32 to vector<128x1xi32>
    %sub3A_1562 = arith.subi %div3A_1535, %sub3A_1561 : vector<128x1xi32>
    %select_n3A_1563 = arith.select %and3A_1559, %sub3A_1562, %div3A_1535 : vector<128x1xi1>, vector<128x1xi32>
    %slice3A_1564 = vector.extract_strided_slice %broadcast_in_dim3A_14 {offsets = [1280, 0], sizes = [128, 1], strides = [1, 1]} : vector<2048x1xi32> to vector<128x1xi32>
    %slice3A_1565 = vector.extract_strided_slice %broadcast_in_dim3A_30 {offsets = [1280, 0], sizes = [128, 1], strides = [1, 1]} : vector<2048x1xi32> to vector<128x1xi32>
    %min3A_1566 = arith.constant 79 : i32
    %min3A_1567 = vector.broadcast %min3A_1566 : i32 to vector<128x1xi32>
    %min3A_1568 = arith.minsi %convert_element_type3A_1518, %min3A_1567 : vector<128x1xi32>
    %swap3A_1569 = arith.constant 1280 : index
    %swap3A_1570 = arith.constant 0 : index
    %swap3A_1571 = vector.load %arg5[%swap3A_1569, %swap3A_1570] : memref<2048x1xi32, #tpu.memory_space<vmem>>, vector<128x1xi32>
    tpu.vector_store %arg5[%swap3A_1569, %swap3A_1570], %min3A_1568 {strides = array<i32>} : memref<2048x1xi32, #tpu.memory_space<vmem>>, vector<128x1xi32>,
    %min3A_1572 = arith.constant 79 : i32
    %min3A_1573 = vector.broadcast %min3A_1572 : i32 to vector<128x1xi32>
    %min3A_1574 = arith.minsi %convert_element_type3A_1522, %min3A_1573 : vector<128x1xi32>
    %swap3A_1575 = arith.constant 1280 : index
    %swap3A_1576 = arith.constant 0 : index
    %swap3A_1577 = vector.load %arg6[%swap3A_1575, %swap3A_1576] : memref<2048x1xi32, #tpu.memory_space<vmem>>, vector<128x1xi32>
    tpu.vector_store %arg6[%swap3A_1575, %swap3A_1576], %min3A_1574 {strides = array<i32>} : memref<2048x1xi32, #tpu.memory_space<vmem>>, vector<128x1xi32>,
    %slice3A_1578 = vector.extract_strided_slice %div3A_35 {offsets = [1280, 0], sizes = [128, 1], strides = [1, 1]} : vector<2048x1xf32> to vector<128x1xf32>
    %convert_element_type3A_1579 = arith.extui %lt3A_1525 : vector<128x1xi1> to vector<128x1xi32>
    %convert_element_type3A_1580 = arith.sitofp %convert_element_type3A_1579 : vector<128x1xi32> to vector<128x1xf32>
    %mul3A_1581 = arith.mulf %slice3A_1578, %convert_element_type3A_1580 : vector<128x1xf32>
    %swap3A_1582 = arith.constant 1280 : index
    %swap3A_1583 = arith.constant 0 : index
    %swap3A_1584 = vector.load %arg7[%swap3A_1582, %swap3A_1583] : memref<2048x1xf32, #tpu.memory_space<vmem>>, vector<128x1xf32>
    tpu.vector_store %arg7[%swap3A_1582, %swap3A_1583], %mul3A_1581 {strides = array<i32>} : memref<2048x1xf32, #tpu.memory_space<vmem>>, vector<128x1xf32>,
    %slice3A_1585 = vector.extract_strided_slice %sub3A_38 {offsets = [1280, 0], sizes = [128, 1], strides = [1, 1]} : vector<2048x1xf32> to vector<128x1xf32>
    %convert_element_type3A_1586 = arith.extui %lt3A_1528 : vector<128x1xi1> to vector<128x1xi32>
    %convert_element_type3A_1587 = arith.sitofp %convert_element_type3A_1586 : vector<128x1xi32> to vector<128x1xf32>
    %mul3A_1588 = arith.mulf %slice3A_1585, %convert_element_type3A_1587 : vector<128x1xf32>
    %swap3A_1589 = arith.constant 1280 : index
    %swap3A_1590 = arith.constant 0 : index
    %swap3A_1591 = vector.load %arg8[%swap3A_1589, %swap3A_1590] : memref<2048x1xf32, #tpu.memory_space<vmem>>, vector<128x1xf32>
    tpu.vector_store %arg8[%swap3A_1589, %swap3A_1590], %mul3A_1588 {strides = array<i32>} : memref<2048x1xf32, #tpu.memory_space<vmem>>, vector<128x1xf32>,
    %convert_element_type3A_1592 = arith.extui %lt3A_1525 : vector<128x1xi1> to vector<128x1xi32>
    %convert_element_type3A_1593 = arith.sitofp %convert_element_type3A_1592 : vector<128x1xi32> to vector<128x1xf32>
    %swap3A_1594 = arith.constant 1280 : index
    %swap3A_1595 = arith.constant 0 : index
    %swap3A_1596 = vector.load %arg9[%swap3A_1594, %swap3A_1595] : memref<2048x1xf32, #tpu.memory_space<vmem>>, vector<128x1xf32>
    tpu.vector_store %arg9[%swap3A_1594, %swap3A_1595], %convert_element_type3A_1593 {strides = array<i32>} : memref<2048x1xf32, #tpu.memory_space<vmem>>, vector<128x1xf32>,
    %convert_element_type3A_1597 = arith.extui %lt3A_1528 : vector<128x1xi1> to vector<128x1xi32>
    %convert_element_type3A_1598 = arith.sitofp %convert_element_type3A_1597 : vector<128x1xi32> to vector<128x1xf32>
    %swap3A_1599 = arith.constant 1280 : index
    %swap3A_1600 = arith.constant 0 : index
    %swap3A_1601 = vector.load %arg10[%swap3A_1599, %swap3A_1600] : memref<2048x1xf32, #tpu.memory_space<vmem>>, vector<128x1xf32>
    tpu.vector_store %arg10[%swap3A_1599, %swap3A_1600], %convert_element_type3A_1598 {strides = array<i32>} : memref<2048x1xf32, #tpu.memory_space<vmem>>, vector<128x1xf32>,
    %mul3A_1602 = arith.constant 80 : i32
    %mul3A_1603 = vector.broadcast %mul3A_1602 : i32 to vector<128x1xi32>
    %mul3A_1604 = arith.muli %slice3A_1564, %mul3A_1603 : vector<128x1xi32>
    %add3A_1605 = arith.addi %mul3A_1604, %convert_element_type3A_1518 : vector<128x1xi32>
    %add3A_1606 = arith.constant 5120 : i32
    %add3A_1607 = vector.broadcast %add3A_1606 : i32 to vector<128x1xi32>
    %add3A_1608 = arith.addi %add3A_1607, %select_n3A_1563 : vector<128x1xi32>
    %select_n3A_1609 = arith.select %lt3A_1525, %add3A_1605, %add3A_1608 : vector<128x1xi1>, vector<128x1xi32>
    %swap3A_1610 = arith.constant 1280 : index
    %swap3A_1611 = arith.constant 0 : index
    %swap3A_1612 = vector.load %arg11[%swap3A_1610, %swap3A_1611] : memref<2048x1xi32, #tpu.memory_space<vmem>>, vector<128x1xi32>
    tpu.vector_store %arg11[%swap3A_1610, %swap3A_1611], %select_n3A_1609 {strides = array<i32>} : memref<2048x1xi32, #tpu.memory_space<vmem>>, vector<128x1xi32>,
    %mul3A_1613 = arith.constant 80 : i32
    %mul3A_1614 = vector.broadcast %mul3A_1613 : i32 to vector<128x1xi32>
    %mul3A_1615 = arith.muli %slice3A_1565, %mul3A_1614 : vector<128x1xi32>
    %add3A_1616 = arith.addi %mul3A_1615, %convert_element_type3A_1522 : vector<128x1xi32>
    %add3A_1617 = arith.constant 5120 : i32
    %add3A_1618 = vector.broadcast %add3A_1617 : i32 to vector<128x1xi32>
    %add3A_1619 = arith.addi %add3A_1618, %select_n3A_1563 : vector<128x1xi32>
    %select_n3A_1620 = arith.select %lt3A_1528, %add3A_1616, %add3A_1619 : vector<128x1xi1>, vector<128x1xi32>
    %swap3A_1621 = arith.constant 1280 : index
    %swap3A_1622 = arith.constant 0 : index
    %swap3A_1623 = vector.load %arg12[%swap3A_1621, %swap3A_1622] : memref<2048x1xi32, #tpu.memory_space<vmem>>, vector<128x1xi32>
    tpu.vector_store %arg12[%swap3A_1621, %swap3A_1622], %select_n3A_1620 {strides = array<i32>} : memref<2048x1xi32, #tpu.memory_space<vmem>>, vector<128x1xi32>,
    %slice3A_1624 = vector.extract_strided_slice %convert_element_type3A_41 {offsets = [1408, 0], sizes = [128, 64], strides = [1, 1]} : vector<2048x64xf32> to vector<128x64xf32>
    %slice3A_1625 = vector.extract_strided_slice %convert_element_type3A_45 {offsets = [1408, 0], sizes = [128, 64], strides = [1, 1]} : vector<2048x64xf32> to vector<128x64xf32>
    %get3A_1626 = arith.constant 1408 : index
    %get3A_1627 = arith.constant 0 : index
    %get3A_1628 = vector.load %arg13[%get3A_1626, %get3A_1627] : memref<2048x64xf32, #tpu.memory_space<vmem>>, vector<128x64xf32>
    %add3A_1629 = arith.addf %slice3A_1624, %slice3A_1625 : vector<128x64xf32>
    %sub3A_1630 = arith.subf %get3A_1628, %add3A_1629 : vector<128x64xf32>
    %slice3A_1631 = vector.extract_strided_slice %dot_general3A_217 {offsets = [11, 0], sizes = [1, 64], strides = [1, 1]} : vector<16x64xf32> to vector<1x64xf32>
    %add3A_1632 = vector.broadcast %slice3A_1631 : vector<1x64xf32> to vector<128x64xf32>
    %add3A_1633 = arith.addf %sub3A_1630, %add3A_1632 : vector<128x64xf32>
    %mul3A_1634 = arith.mulf %slice3A_1624, %add3A_1633 : vector<128x64xf32>
    %reduce_sum3A_1635 = arith.constant dense<0.000000e+00> : vector<128xf32>
    %reduce_sum3A_1636 = vector.multi_reduction <add>, %mul3A_1634, %reduce_sum3A_1635 [1] : vector<128x64xf32> to vector<128xf32>
    %broadcast_in_dim3A_1637 = vector.shape_cast %reduce_sum3A_1636 : vector<128xf32> to vector<128x1xf32>
    %add3A_1638 = arith.addf %add3A_1633, %slice3A_1624 : vector<128x64xf32>
    %mul3A_1639 = arith.mulf %slice3A_1625, %add3A_1638 : vector<128x64xf32>
    %reduce_sum3A_1640 = arith.constant dense<0.000000e+00> : vector<128xf32>
    %reduce_sum3A_1641 = vector.multi_reduction <add>, %mul3A_1639, %reduce_sum3A_1640 [1] : vector<128x64xf32> to vector<128xf32>
    %broadcast_in_dim3A_1642 = vector.shape_cast %reduce_sum3A_1641 : vector<128xf32> to vector<128x1xf32>
    %add3A_1643 = arith.constant 5.000000e-01 : f32
    %add3A_1644 = vector.broadcast %add3A_1643 : f32 to vector<128x1xf32>
    %add3A_1645 = arith.addf %broadcast_in_dim3A_1637, %add3A_1644 : vector<128x1xf32>
    %convert_element_type3A_1646 = arith.fptosi %add3A_1645 : vector<128x1xf32> to vector<128x1xi32>
    %add3A_1647 = arith.constant 5.000000e-01 : f32
    %add3A_1648 = vector.broadcast %add3A_1647 : f32 to vector<128x1xf32>
    %add3A_1649 = arith.addf %broadcast_in_dim3A_1642, %add3A_1648 : vector<128x1xf32>
    %convert_element_type3A_1650 = arith.fptosi %add3A_1649 : vector<128x1xf32> to vector<128x1xi32>
    %lt3A_1651 = arith.constant 77 : i32
    %lt3A_1652 = vector.broadcast %lt3A_1651 : i32 to vector<128x1xi32>
    %lt3A_1653 = arith.cmpi slt, %convert_element_type3A_1646, %lt3A_1652 : vector<128x1xi32>
    %lt3A_1654 = arith.constant 77 : i32
    %lt3A_1655 = vector.broadcast %lt3A_1654 : i32 to vector<128x1xi32>
    %lt3A_1656 = arith.cmpi slt, %convert_element_type3A_1650, %lt3A_1655 : vector<128x1xi32>
    %iota3A_1657 = tpu.iota {dimensions = array<i32: 0>} : vector<128x1xi32>
    %add3A_1658 = arith.constant 1408 : i32
    %add3A_1659 = vector.broadcast %add3A_1658 : i32 to vector<128x1xi32>
    %add3A_1660 = arith.addi %add3A_1659, %iota3A_1657 : vector<128x1xi32>
    %jit3A_1661 = arith.constant 64 : i32
    %div3A_1662 = vector.broadcast %jit3A_1661 : i32 to vector<128x1xi32>
    %div3A_1663 = arith.divsi %add3A_1660, %div3A_1662 : vector<128x1xi32>
    %sign3A_1664 = arith.constant 0 : i32
    %sign3A_1665 = vector.broadcast %sign3A_1664 : i32 to vector<128x1xi32>
    %sign3A_1666 = arith.cmpi sgt, %add3A_1660, %sign3A_1665 : vector<128x1xi32>
    %sign3A_1667 = arith.extui %sign3A_1666 : vector<128x1xi1> to vector<128x1xi32>
    %sign3A_1668 = arith.constant 0 : i32
    %sign3A_1669 = vector.broadcast %sign3A_1668 : i32 to vector<128x1xi32>
    %sign3A_1670 = arith.cmpi slt, %add3A_1660, %sign3A_1669 : vector<128x1xi32>
    %sign3A_1671 = arith.extui %sign3A_1670 : vector<128x1xi1> to vector<128x1xi32>
    %sign3A_1672 = arith.subi %sign3A_1667, %sign3A_1671 : vector<128x1xi32>
    %sign3A_1673 = arith.constant 0 : i32
    %sign3A_1674 = arith.cmpi sgt, %jit3A_1661, %sign3A_1673 : i32
    %sign3A_1675 = arith.extui %sign3A_1674 : i1 to i32
    %sign3A_1676 = arith.constant 0 : i32
    %sign3A_1677 = arith.cmpi slt, %jit3A_1661, %sign3A_1676 : i32
    %sign3A_1678 = arith.extui %sign3A_1677 : i1 to i32
    %sign3A_1679 = arith.subi %sign3A_1675, %sign3A_1678 : i32
    %ne3A_1680 = vector.broadcast %sign3A_1679 : i32 to vector<128x1xi32>
    %ne3A_1681 = arith.cmpi ne, %sign3A_1672, %ne3A_1680 : vector<128x1xi32>
    %rem3A_1682 = vector.broadcast %jit3A_1661 : i32 to vector<128x1xi32>
    %rem3A_1683 = arith.remsi %add3A_1660, %rem3A_1682 : vector<128x1xi32>
    %ne3A_1684 = arith.constant 0 : i32
    %ne3A_1685 = vector.broadcast %ne3A_1684 : i32 to vector<128x1xi32>
    %ne3A_1686 = arith.cmpi ne, %rem3A_1683, %ne3A_1685 : vector<128x1xi32>
    %and3A_1687 = arith.andi %ne3A_1681, %ne3A_1686 : vector<128x1xi1>
    %sub3A_1688 = arith.constant 1 : i32
    %sub3A_1689 = vector.broadcast %sub3A_1688 : i32 to vector<128x1xi32>
    %sub3A_1690 = arith.subi %div3A_1663, %sub3A_1689 : vector<128x1xi32>
    %select_n3A_1691 = arith.select %and3A_1687, %sub3A_1690, %div3A_1663 : vector<128x1xi1>, vector<128x1xi32>
    %slice3A_1692 = vector.extract_strided_slice %broadcast_in_dim3A_14 {offsets = [1408, 0], sizes = [128, 1], strides = [1, 1]} : vector<2048x1xi32> to vector<128x1xi32>
    %slice3A_1693 = vector.extract_strided_slice %broadcast_in_dim3A_30 {offsets = [1408, 0], sizes = [128, 1], strides = [1, 1]} : vector<2048x1xi32> to vector<128x1xi32>
    %min3A_1694 = arith.constant 79 : i32
    %min3A_1695 = vector.broadcast %min3A_1694 : i32 to vector<128x1xi32>
    %min3A_1696 = arith.minsi %convert_element_type3A_1646, %min3A_1695 : vector<128x1xi32>
    %swap3A_1697 = arith.constant 1408 : index
    %swap3A_1698 = arith.constant 0 : index
    %swap3A_1699 = vector.load %arg5[%swap3A_1697, %swap3A_1698] : memref<2048x1xi32, #tpu.memory_space<vmem>>, vector<128x1xi32>
    tpu.vector_store %arg5[%swap3A_1697, %swap3A_1698], %min3A_1696 {strides = array<i32>} : memref<2048x1xi32, #tpu.memory_space<vmem>>, vector<128x1xi32>,
    %min3A_1700 = arith.constant 79 : i32
    %min3A_1701 = vector.broadcast %min3A_1700 : i32 to vector<128x1xi32>
    %min3A_1702 = arith.minsi %convert_element_type3A_1650, %min3A_1701 : vector<128x1xi32>
    %swap3A_1703 = arith.constant 1408 : index
    %swap3A_1704 = arith.constant 0 : index
    %swap3A_1705 = vector.load %arg6[%swap3A_1703, %swap3A_1704] : memref<2048x1xi32, #tpu.memory_space<vmem>>, vector<128x1xi32>
    tpu.vector_store %arg6[%swap3A_1703, %swap3A_1704], %min3A_1702 {strides = array<i32>} : memref<2048x1xi32, #tpu.memory_space<vmem>>, vector<128x1xi32>,
    %slice3A_1706 = vector.extract_strided_slice %div3A_35 {offsets = [1408, 0], sizes = [128, 1], strides = [1, 1]} : vector<2048x1xf32> to vector<128x1xf32>
    %convert_element_type3A_1707 = arith.extui %lt3A_1653 : vector<128x1xi1> to vector<128x1xi32>
    %convert_element_type3A_1708 = arith.sitofp %convert_element_type3A_1707 : vector<128x1xi32> to vector<128x1xf32>
    %mul3A_1709 = arith.mulf %slice3A_1706, %convert_element_type3A_1708 : vector<128x1xf32>
    %swap3A_1710 = arith.constant 1408 : index
    %swap3A_1711 = arith.constant 0 : index
    %swap3A_1712 = vector.load %arg7[%swap3A_1710, %swap3A_1711] : memref<2048x1xf32, #tpu.memory_space<vmem>>, vector<128x1xf32>
    tpu.vector_store %arg7[%swap3A_1710, %swap3A_1711], %mul3A_1709 {strides = array<i32>} : memref<2048x1xf32, #tpu.memory_space<vmem>>, vector<128x1xf32>,
    %slice3A_1713 = vector.extract_strided_slice %sub3A_38 {offsets = [1408, 0], sizes = [128, 1], strides = [1, 1]} : vector<2048x1xf32> to vector<128x1xf32>
    %convert_element_type3A_1714 = arith.extui %lt3A_1656 : vector<128x1xi1> to vector<128x1xi32>
    %convert_element_type3A_1715 = arith.sitofp %convert_element_type3A_1714 : vector<128x1xi32> to vector<128x1xf32>
    %mul3A_1716 = arith.mulf %slice3A_1713, %convert_element_type3A_1715 : vector<128x1xf32>
    %swap3A_1717 = arith.constant 1408 : index
    %swap3A_1718 = arith.constant 0 : index
    %swap3A_1719 = vector.load %arg8[%swap3A_1717, %swap3A_1718] : memref<2048x1xf32, #tpu.memory_space<vmem>>, vector<128x1xf32>
    tpu.vector_store %arg8[%swap3A_1717, %swap3A_1718], %mul3A_1716 {strides = array<i32>} : memref<2048x1xf32, #tpu.memory_space<vmem>>, vector<128x1xf32>,
    %convert_element_type3A_1720 = arith.extui %lt3A_1653 : vector<128x1xi1> to vector<128x1xi32>
    %convert_element_type3A_1721 = arith.sitofp %convert_element_type3A_1720 : vector<128x1xi32> to vector<128x1xf32>
    %swap3A_1722 = arith.constant 1408 : index
    %swap3A_1723 = arith.constant 0 : index
    %swap3A_1724 = vector.load %arg9[%swap3A_1722, %swap3A_1723] : memref<2048x1xf32, #tpu.memory_space<vmem>>, vector<128x1xf32>
    tpu.vector_store %arg9[%swap3A_1722, %swap3A_1723], %convert_element_type3A_1721 {strides = array<i32>} : memref<2048x1xf32, #tpu.memory_space<vmem>>, vector<128x1xf32>,
    %convert_element_type3A_1725 = arith.extui %lt3A_1656 : vector<128x1xi1> to vector<128x1xi32>
    %convert_element_type3A_1726 = arith.sitofp %convert_element_type3A_1725 : vector<128x1xi32> to vector<128x1xf32>
    %swap3A_1727 = arith.constant 1408 : index
    %swap3A_1728 = arith.constant 0 : index
    %swap3A_1729 = vector.load %arg10[%swap3A_1727, %swap3A_1728] : memref<2048x1xf32, #tpu.memory_space<vmem>>, vector<128x1xf32>
    tpu.vector_store %arg10[%swap3A_1727, %swap3A_1728], %convert_element_type3A_1726 {strides = array<i32>} : memref<2048x1xf32, #tpu.memory_space<vmem>>, vector<128x1xf32>,
    %mul3A_1730 = arith.constant 80 : i32
    %mul3A_1731 = vector.broadcast %mul3A_1730 : i32 to vector<128x1xi32>
    %mul3A_1732 = arith.muli %slice3A_1692, %mul3A_1731 : vector<128x1xi32>
    %add3A_1733 = arith.addi %mul3A_1732, %convert_element_type3A_1646 : vector<128x1xi32>
    %add3A_1734 = arith.constant 5120 : i32
    %add3A_1735 = vector.broadcast %add3A_1734 : i32 to vector<128x1xi32>
    %add3A_1736 = arith.addi %add3A_1735, %select_n3A_1691 : vector<128x1xi32>
    %select_n3A_1737 = arith.select %lt3A_1653, %add3A_1733, %add3A_1736 : vector<128x1xi1>, vector<128x1xi32>
    %swap3A_1738 = arith.constant 1408 : index
    %swap3A_1739 = arith.constant 0 : index
    %swap3A_1740 = vector.load %arg11[%swap3A_1738, %swap3A_1739] : memref<2048x1xi32, #tpu.memory_space<vmem>>, vector<128x1xi32>
    tpu.vector_store %arg11[%swap3A_1738, %swap3A_1739], %select_n3A_1737 {strides = array<i32>} : memref<2048x1xi32, #tpu.memory_space<vmem>>, vector<128x1xi32>,
    %mul3A_1741 = arith.constant 80 : i32
    %mul3A_1742 = vector.broadcast %mul3A_1741 : i32 to vector<128x1xi32>
    %mul3A_1743 = arith.muli %slice3A_1693, %mul3A_1742 : vector<128x1xi32>
    %add3A_1744 = arith.addi %mul3A_1743, %convert_element_type3A_1650 : vector<128x1xi32>
    %add3A_1745 = arith.constant 5120 : i32
    %add3A_1746 = vector.broadcast %add3A_1745 : i32 to vector<128x1xi32>
    %add3A_1747 = arith.addi %add3A_1746, %select_n3A_1691 : vector<128x1xi32>
    %select_n3A_1748 = arith.select %lt3A_1656, %add3A_1744, %add3A_1747 : vector<128x1xi1>, vector<128x1xi32>
    %swap3A_1749 = arith.constant 1408 : index
    %swap3A_1750 = arith.constant 0 : index
    %swap3A_1751 = vector.load %arg12[%swap3A_1749, %swap3A_1750] : memref<2048x1xi32, #tpu.memory_space<vmem>>, vector<128x1xi32>
    tpu.vector_store %arg12[%swap3A_1749, %swap3A_1750], %select_n3A_1748 {strides = array<i32>} : memref<2048x1xi32, #tpu.memory_space<vmem>>, vector<128x1xi32>,
    %slice3A_1752 = vector.extract_strided_slice %convert_element_type3A_41 {offsets = [1536, 0], sizes = [128, 64], strides = [1, 1]} : vector<2048x64xf32> to vector<128x64xf32>
    %slice3A_1753 = vector.extract_strided_slice %convert_element_type3A_45 {offsets = [1536, 0], sizes = [128, 64], strides = [1, 1]} : vector<2048x64xf32> to vector<128x64xf32>
    %get3A_1754 = arith.constant 1536 : index
    %get3A_1755 = arith.constant 0 : index
    %get3A_1756 = vector.load %arg13[%get3A_1754, %get3A_1755] : memref<2048x64xf32, #tpu.memory_space<vmem>>, vector<128x64xf32>
    %add3A_1757 = arith.addf %slice3A_1752, %slice3A_1753 : vector<128x64xf32>
    %sub3A_1758 = arith.subf %get3A_1756, %add3A_1757 : vector<128x64xf32>
    %slice3A_1759 = vector.extract_strided_slice %dot_general3A_217 {offsets = [12, 0], sizes = [1, 64], strides = [1, 1]} : vector<16x64xf32> to vector<1x64xf32>
    %add3A_1760 = vector.broadcast %slice3A_1759 : vector<1x64xf32> to vector<128x64xf32>
    %add3A_1761 = arith.addf %sub3A_1758, %add3A_1760 : vector<128x64xf32>
    %mul3A_1762 = arith.mulf %slice3A_1752, %add3A_1761 : vector<128x64xf32>
    %reduce_sum3A_1763 = arith.constant dense<0.000000e+00> : vector<128xf32>
    %reduce_sum3A_1764 = vector.multi_reduction <add>, %mul3A_1762, %reduce_sum3A_1763 [1] : vector<128x64xf32> to vector<128xf32>
    %broadcast_in_dim3A_1765 = vector.shape_cast %reduce_sum3A_1764 : vector<128xf32> to vector<128x1xf32>
    %add3A_1766 = arith.addf %add3A_1761, %slice3A_1752 : vector<128x64xf32>
    %mul3A_1767 = arith.mulf %slice3A_1753, %add3A_1766 : vector<128x64xf32>
    %reduce_sum3A_1768 = arith.constant dense<0.000000e+00> : vector<128xf32>
    %reduce_sum3A_1769 = vector.multi_reduction <add>, %mul3A_1767, %reduce_sum3A_1768 [1] : vector<128x64xf32> to vector<128xf32>
    %broadcast_in_dim3A_1770 = vector.shape_cast %reduce_sum3A_1769 : vector<128xf32> to vector<128x1xf32>
    %add3A_1771 = arith.constant 5.000000e-01 : f32
    %add3A_1772 = vector.broadcast %add3A_1771 : f32 to vector<128x1xf32>
    %add3A_1773 = arith.addf %broadcast_in_dim3A_1765, %add3A_1772 : vector<128x1xf32>
    %convert_element_type3A_1774 = arith.fptosi %add3A_1773 : vector<128x1xf32> to vector<128x1xi32>
    %add3A_1775 = arith.constant 5.000000e-01 : f32
    %add3A_1776 = vector.broadcast %add3A_1775 : f32 to vector<128x1xf32>
    %add3A_1777 = arith.addf %broadcast_in_dim3A_1770, %add3A_1776 : vector<128x1xf32>
    %convert_element_type3A_1778 = arith.fptosi %add3A_1777 : vector<128x1xf32> to vector<128x1xi32>
    %lt3A_1779 = arith.constant 77 : i32
    %lt3A_1780 = vector.broadcast %lt3A_1779 : i32 to vector<128x1xi32>
    %lt3A_1781 = arith.cmpi slt, %convert_element_type3A_1774, %lt3A_1780 : vector<128x1xi32>
    %lt3A_1782 = arith.constant 77 : i32
    %lt3A_1783 = vector.broadcast %lt3A_1782 : i32 to vector<128x1xi32>
    %lt3A_1784 = arith.cmpi slt, %convert_element_type3A_1778, %lt3A_1783 : vector<128x1xi32>
    %iota3A_1785 = tpu.iota {dimensions = array<i32: 0>} : vector<128x1xi32>
    %add3A_1786 = arith.constant 1536 : i32
    %add3A_1787 = vector.broadcast %add3A_1786 : i32 to vector<128x1xi32>
    %add3A_1788 = arith.addi %add3A_1787, %iota3A_1785 : vector<128x1xi32>
    %jit3A_1789 = arith.constant 64 : i32
    %div3A_1790 = vector.broadcast %jit3A_1789 : i32 to vector<128x1xi32>
    %div3A_1791 = arith.divsi %add3A_1788, %div3A_1790 : vector<128x1xi32>
    %sign3A_1792 = arith.constant 0 : i32
    %sign3A_1793 = vector.broadcast %sign3A_1792 : i32 to vector<128x1xi32>
    %sign3A_1794 = arith.cmpi sgt, %add3A_1788, %sign3A_1793 : vector<128x1xi32>
    %sign3A_1795 = arith.extui %sign3A_1794 : vector<128x1xi1> to vector<128x1xi32>
    %sign3A_1796 = arith.constant 0 : i32
    %sign3A_1797 = vector.broadcast %sign3A_1796 : i32 to vector<128x1xi32>
    %sign3A_1798 = arith.cmpi slt, %add3A_1788, %sign3A_1797 : vector<128x1xi32>
    %sign3A_1799 = arith.extui %sign3A_1798 : vector<128x1xi1> to vector<128x1xi32>
    %sign3A_1800 = arith.subi %sign3A_1795, %sign3A_1799 : vector<128x1xi32>
    %sign3A_1801 = arith.constant 0 : i32
    %sign3A_1802 = arith.cmpi sgt, %jit3A_1789, %sign3A_1801 : i32
    %sign3A_1803 = arith.extui %sign3A_1802 : i1 to i32
    %sign3A_1804 = arith.constant 0 : i32
    %sign3A_1805 = arith.cmpi slt, %jit3A_1789, %sign3A_1804 : i32
    %sign3A_1806 = arith.extui %sign3A_1805 : i1 to i32
    %sign3A_1807 = arith.subi %sign3A_1803, %sign3A_1806 : i32
    %ne3A_1808 = vector.broadcast %sign3A_1807 : i32 to vector<128x1xi32>
    %ne3A_1809 = arith.cmpi ne, %sign3A_1800, %ne3A_1808 : vector<128x1xi32>
    %rem3A_1810 = vector.broadcast %jit3A_1789 : i32 to vector<128x1xi32>
    %rem3A_1811 = arith.remsi %add3A_1788, %rem3A_1810 : vector<128x1xi32>
    %ne3A_1812 = arith.constant 0 : i32
    %ne3A_1813 = vector.broadcast %ne3A_1812 : i32 to vector<128x1xi32>
    %ne3A_1814 = arith.cmpi ne, %rem3A_1811, %ne3A_1813 : vector<128x1xi32>
    %and3A_1815 = arith.andi %ne3A_1809, %ne3A_1814 : vector<128x1xi1>
    %sub3A_1816 = arith.constant 1 : i32
    %sub3A_1817 = vector.broadcast %sub3A_1816 : i32 to vector<128x1xi32>
    %sub3A_1818 = arith.subi %div3A_1791, %sub3A_1817 : vector<128x1xi32>
    %select_n3A_1819 = arith.select %and3A_1815, %sub3A_1818, %div3A_1791 : vector<128x1xi1>, vector<128x1xi32>
    %slice3A_1820 = vector.extract_strided_slice %broadcast_in_dim3A_14 {offsets = [1536, 0], sizes = [128, 1], strides = [1, 1]} : vector<2048x1xi32> to vector<128x1xi32>
    %slice3A_1821 = vector.extract_strided_slice %broadcast_in_dim3A_30 {offsets = [1536, 0], sizes = [128, 1], strides = [1, 1]} : vector<2048x1xi32> to vector<128x1xi32>
    %min3A_1822 = arith.constant 79 : i32
    %min3A_1823 = vector.broadcast %min3A_1822 : i32 to vector<128x1xi32>
    %min3A_1824 = arith.minsi %convert_element_type3A_1774, %min3A_1823 : vector<128x1xi32>
    %swap3A_1825 = arith.constant 1536 : index
    %swap3A_1826 = arith.constant 0 : index
    %swap3A_1827 = vector.load %arg5[%swap3A_1825, %swap3A_1826] : memref<2048x1xi32, #tpu.memory_space<vmem>>, vector<128x1xi32>
    tpu.vector_store %arg5[%swap3A_1825, %swap3A_1826], %min3A_1824 {strides = array<i32>} : memref<2048x1xi32, #tpu.memory_space<vmem>>, vector<128x1xi32>,
    %min3A_1828 = arith.constant 79 : i32
    %min3A_1829 = vector.broadcast %min3A_1828 : i32 to vector<128x1xi32>
    %min3A_1830 = arith.minsi %convert_element_type3A_1778, %min3A_1829 : vector<128x1xi32>
    %swap3A_1831 = arith.constant 1536 : index
    %swap3A_1832 = arith.constant 0 : index
    %swap3A_1833 = vector.load %arg6[%swap3A_1831, %swap3A_1832] : memref<2048x1xi32, #tpu.memory_space<vmem>>, vector<128x1xi32>
    tpu.vector_store %arg6[%swap3A_1831, %swap3A_1832], %min3A_1830 {strides = array<i32>} : memref<2048x1xi32, #tpu.memory_space<vmem>>, vector<128x1xi32>,
    %slice3A_1834 = vector.extract_strided_slice %div3A_35 {offsets = [1536, 0], sizes = [128, 1], strides = [1, 1]} : vector<2048x1xf32> to vector<128x1xf32>
    %convert_element_type3A_1835 = arith.extui %lt3A_1781 : vector<128x1xi1> to vector<128x1xi32>
    %convert_element_type3A_1836 = arith.sitofp %convert_element_type3A_1835 : vector<128x1xi32> to vector<128x1xf32>
    %mul3A_1837 = arith.mulf %slice3A_1834, %convert_element_type3A_1836 : vector<128x1xf32>
    %swap3A_1838 = arith.constant 1536 : index
    %swap3A_1839 = arith.constant 0 : index
    %swap3A_1840 = vector.load %arg7[%swap3A_1838, %swap3A_1839] : memref<2048x1xf32, #tpu.memory_space<vmem>>, vector<128x1xf32>
    tpu.vector_store %arg7[%swap3A_1838, %swap3A_1839], %mul3A_1837 {strides = array<i32>} : memref<2048x1xf32, #tpu.memory_space<vmem>>, vector<128x1xf32>,
    %slice3A_1841 = vector.extract_strided_slice %sub3A_38 {offsets = [1536, 0], sizes = [128, 1], strides = [1, 1]} : vector<2048x1xf32> to vector<128x1xf32>
    %convert_element_type3A_1842 = arith.extui %lt3A_1784 : vector<128x1xi1> to vector<128x1xi32>
    %convert_element_type3A_1843 = arith.sitofp %convert_element_type3A_1842 : vector<128x1xi32> to vector<128x1xf32>
    %mul3A_1844 = arith.mulf %slice3A_1841, %convert_element_type3A_1843 : vector<128x1xf32>
    %swap3A_1845 = arith.constant 1536 : index
    %swap3A_1846 = arith.constant 0 : index
    %swap3A_1847 = vector.load %arg8[%swap3A_1845, %swap3A_1846] : memref<2048x1xf32, #tpu.memory_space<vmem>>, vector<128x1xf32>
    tpu.vector_store %arg8[%swap3A_1845, %swap3A_1846], %mul3A_1844 {strides = array<i32>} : memref<2048x1xf32, #tpu.memory_space<vmem>>, vector<128x1xf32>,
    %convert_element_type3A_1848 = arith.extui %lt3A_1781 : vector<128x1xi1> to vector<128x1xi32>
    %convert_element_type3A_1849 = arith.sitofp %convert_element_type3A_1848 : vector<128x1xi32> to vector<128x1xf32>
    %swap3A_1850 = arith.constant 1536 : index
    %swap3A_1851 = arith.constant 0 : index
    %swap3A_1852 = vector.load %arg9[%swap3A_1850, %swap3A_1851] : memref<2048x1xf32, #tpu.memory_space<vmem>>, vector<128x1xf32>
    tpu.vector_store %arg9[%swap3A_1850, %swap3A_1851], %convert_element_type3A_1849 {strides = array<i32>} : memref<2048x1xf32, #tpu.memory_space<vmem>>, vector<128x1xf32>,
    %convert_element_type3A_1853 = arith.extui %lt3A_1784 : vector<128x1xi1> to vector<128x1xi32>
    %convert_element_type3A_1854 = arith.sitofp %convert_element_type3A_1853 : vector<128x1xi32> to vector<128x1xf32>
    %swap3A_1855 = arith.constant 1536 : index
    %swap3A_1856 = arith.constant 0 : index
    %swap3A_1857 = vector.load %arg10[%swap3A_1855, %swap3A_1856] : memref<2048x1xf32, #tpu.memory_space<vmem>>, vector<128x1xf32>
    tpu.vector_store %arg10[%swap3A_1855, %swap3A_1856], %convert_element_type3A_1854 {strides = array<i32>} : memref<2048x1xf32, #tpu.memory_space<vmem>>, vector<128x1xf32>,
    %mul3A_1858 = arith.constant 80 : i32
    %mul3A_1859 = vector.broadcast %mul3A_1858 : i32 to vector<128x1xi32>
    %mul3A_1860 = arith.muli %slice3A_1820, %mul3A_1859 : vector<128x1xi32>
    %add3A_1861 = arith.addi %mul3A_1860, %convert_element_type3A_1774 : vector<128x1xi32>
    %add3A_1862 = arith.constant 5120 : i32
    %add3A_1863 = vector.broadcast %add3A_1862 : i32 to vector<128x1xi32>
    %add3A_1864 = arith.addi %add3A_1863, %select_n3A_1819 : vector<128x1xi32>
    %select_n3A_1865 = arith.select %lt3A_1781, %add3A_1861, %add3A_1864 : vector<128x1xi1>, vector<128x1xi32>
    %swap3A_1866 = arith.constant 1536 : index
    %swap3A_1867 = arith.constant 0 : index
    %swap3A_1868 = vector.load %arg11[%swap3A_1866, %swap3A_1867] : memref<2048x1xi32, #tpu.memory_space<vmem>>, vector<128x1xi32>
    tpu.vector_store %arg11[%swap3A_1866, %swap3A_1867], %select_n3A_1865 {strides = array<i32>} : memref<2048x1xi32, #tpu.memory_space<vmem>>, vector<128x1xi32>,
    %mul3A_1869 = arith.constant 80 : i32
    %mul3A_1870 = vector.broadcast %mul3A_1869 : i32 to vector<128x1xi32>
    %mul3A_1871 = arith.muli %slice3A_1821, %mul3A_1870 : vector<128x1xi32>
    %add3A_1872 = arith.addi %mul3A_1871, %convert_element_type3A_1778 : vector<128x1xi32>
    %add3A_1873 = arith.constant 5120 : i32
    %add3A_1874 = vector.broadcast %add3A_1873 : i32 to vector<128x1xi32>
    %add3A_1875 = arith.addi %add3A_1874, %select_n3A_1819 : vector<128x1xi32>
    %select_n3A_1876 = arith.select %lt3A_1784, %add3A_1872, %add3A_1875 : vector<128x1xi1>, vector<128x1xi32>
    %swap3A_1877 = arith.constant 1536 : index
    %swap3A_1878 = arith.constant 0 : index
    %swap3A_1879 = vector.load %arg12[%swap3A_1877, %swap3A_1878] : memref<2048x1xi32, #tpu.memory_space<vmem>>, vector<128x1xi32>
    tpu.vector_store %arg12[%swap3A_1877, %swap3A_1878], %select_n3A_1876 {strides = array<i32>} : memref<2048x1xi32, #tpu.memory_space<vmem>>, vector<128x1xi32>,
    %slice3A_1880 = vector.extract_strided_slice %convert_element_type3A_41 {offsets = [1664, 0], sizes = [128, 64], strides = [1, 1]} : vector<2048x64xf32> to vector<128x64xf32>
    %slice3A_1881 = vector.extract_strided_slice %convert_element_type3A_45 {offsets = [1664, 0], sizes = [128, 64], strides = [1, 1]} : vector<2048x64xf32> to vector<128x64xf32>
    %get3A_1882 = arith.constant 1664 : index
    %get3A_1883 = arith.constant 0 : index
    %get3A_1884 = vector.load %arg13[%get3A_1882, %get3A_1883] : memref<2048x64xf32, #tpu.memory_space<vmem>>, vector<128x64xf32>
    %add3A_1885 = arith.addf %slice3A_1880, %slice3A_1881 : vector<128x64xf32>
    %sub3A_1886 = arith.subf %get3A_1884, %add3A_1885 : vector<128x64xf32>
    %slice3A_1887 = vector.extract_strided_slice %dot_general3A_217 {offsets = [13, 0], sizes = [1, 64], strides = [1, 1]} : vector<16x64xf32> to vector<1x64xf32>
    %add3A_1888 = vector.broadcast %slice3A_1887 : vector<1x64xf32> to vector<128x64xf32>
    %add3A_1889 = arith.addf %sub3A_1886, %add3A_1888 : vector<128x64xf32>
    %mul3A_1890 = arith.mulf %slice3A_1880, %add3A_1889 : vector<128x64xf32>
    %reduce_sum3A_1891 = arith.constant dense<0.000000e+00> : vector<128xf32>
    %reduce_sum3A_1892 = vector.multi_reduction <add>, %mul3A_1890, %reduce_sum3A_1891 [1] : vector<128x64xf32> to vector<128xf32>
    %broadcast_in_dim3A_1893 = vector.shape_cast %reduce_sum3A_1892 : vector<128xf32> to vector<128x1xf32>
    %add3A_1894 = arith.addf %add3A_1889, %slice3A_1880 : vector<128x64xf32>
    %mul3A_1895 = arith.mulf %slice3A_1881, %add3A_1894 : vector<128x64xf32>
    %reduce_sum3A_1896 = arith.constant dense<0.000000e+00> : vector<128xf32>
    %reduce_sum3A_1897 = vector.multi_reduction <add>, %mul3A_1895, %reduce_sum3A_1896 [1] : vector<128x64xf32> to vector<128xf32>
    %broadcast_in_dim3A_1898 = vector.shape_cast %reduce_sum3A_1897 : vector<128xf32> to vector<128x1xf32>
    %add3A_1899 = arith.constant 5.000000e-01 : f32
    %add3A_1900 = vector.broadcast %add3A_1899 : f32 to vector<128x1xf32>
    %add3A_1901 = arith.addf %broadcast_in_dim3A_1893, %add3A_1900 : vector<128x1xf32>
    %convert_element_type3A_1902 = arith.fptosi %add3A_1901 : vector<128x1xf32> to vector<128x1xi32>
    %add3A_1903 = arith.constant 5.000000e-01 : f32
    %add3A_1904 = vector.broadcast %add3A_1903 : f32 to vector<128x1xf32>
    %add3A_1905 = arith.addf %broadcast_in_dim3A_1898, %add3A_1904 : vector<128x1xf32>
    %convert_element_type3A_1906 = arith.fptosi %add3A_1905 : vector<128x1xf32> to vector<128x1xi32>
    %lt3A_1907 = arith.constant 77 : i32
    %lt3A_1908 = vector.broadcast %lt3A_1907 : i32 to vector<128x1xi32>
    %lt3A_1909 = arith.cmpi slt, %convert_element_type3A_1902, %lt3A_1908 : vector<128x1xi32>
    %lt3A_1910 = arith.constant 77 : i32
    %lt3A_1911 = vector.broadcast %lt3A_1910 : i32 to vector<128x1xi32>
    %lt3A_1912 = arith.cmpi slt, %convert_element_type3A_1906, %lt3A_1911 : vector<128x1xi32>
    %iota3A_1913 = tpu.iota {dimensions = array<i32: 0>} : vector<128x1xi32>
    %add3A_1914 = arith.constant 1664 : i32
    %add3A_1915 = vector.broadcast %add3A_1914 : i32 to vector<128x1xi32>
    %add3A_1916 = arith.addi %add3A_1915, %iota3A_1913 : vector<128x1xi32>
    %jit3A_1917 = arith.constant 64 : i32
    %div3A_1918 = vector.broadcast %jit3A_1917 : i32 to vector<128x1xi32>
    %div3A_1919 = arith.divsi %add3A_1916, %div3A_1918 : vector<128x1xi32>
    %sign3A_1920 = arith.constant 0 : i32
    %sign3A_1921 = vector.broadcast %sign3A_1920 : i32 to vector<128x1xi32>
    %sign3A_1922 = arith.cmpi sgt, %add3A_1916, %sign3A_1921 : vector<128x1xi32>
    %sign3A_1923 = arith.extui %sign3A_1922 : vector<128x1xi1> to vector<128x1xi32>
    %sign3A_1924 = arith.constant 0 : i32
    %sign3A_1925 = vector.broadcast %sign3A_1924 : i32 to vector<128x1xi32>
    %sign3A_1926 = arith.cmpi slt, %add3A_1916, %sign3A_1925 : vector<128x1xi32>
    %sign3A_1927 = arith.extui %sign3A_1926 : vector<128x1xi1> to vector<128x1xi32>
    %sign3A_1928 = arith.subi %sign3A_1923, %sign3A_1927 : vector<128x1xi32>
    %sign3A_1929 = arith.constant 0 : i32
    %sign3A_1930 = arith.cmpi sgt, %jit3A_1917, %sign3A_1929 : i32
    %sign3A_1931 = arith.extui %sign3A_1930 : i1 to i32
    %sign3A_1932 = arith.constant 0 : i32
    %sign3A_1933 = arith.cmpi slt, %jit3A_1917, %sign3A_1932 : i32
    %sign3A_1934 = arith.extui %sign3A_1933 : i1 to i32
    %sign3A_1935 = arith.subi %sign3A_1931, %sign3A_1934 : i32
    %ne3A_1936 = vector.broadcast %sign3A_1935 : i32 to vector<128x1xi32>
    %ne3A_1937 = arith.cmpi ne, %sign3A_1928, %ne3A_1936 : vector<128x1xi32>
    %rem3A_1938 = vector.broadcast %jit3A_1917 : i32 to vector<128x1xi32>
    %rem3A_1939 = arith.remsi %add3A_1916, %rem3A_1938 : vector<128x1xi32>
    %ne3A_1940 = arith.constant 0 : i32
    %ne3A_1941 = vector.broadcast %ne3A_1940 : i32 to vector<128x1xi32>
    %ne3A_1942 = arith.cmpi ne, %rem3A_1939, %ne3A_1941 : vector<128x1xi32>
    %and3A_1943 = arith.andi %ne3A_1937, %ne3A_1942 : vector<128x1xi1>
    %sub3A_1944 = arith.constant 1 : i32
    %sub3A_1945 = vector.broadcast %sub3A_1944 : i32 to vector<128x1xi32>
    %sub3A_1946 = arith.subi %div3A_1919, %sub3A_1945 : vector<128x1xi32>
    %select_n3A_1947 = arith.select %and3A_1943, %sub3A_1946, %div3A_1919 : vector<128x1xi1>, vector<128x1xi32>
    %slice3A_1948 = vector.extract_strided_slice %broadcast_in_dim3A_14 {offsets = [1664, 0], sizes = [128, 1], strides = [1, 1]} : vector<2048x1xi32> to vector<128x1xi32>
    %slice3A_1949 = vector.extract_strided_slice %broadcast_in_dim3A_30 {offsets = [1664, 0], sizes = [128, 1], strides = [1, 1]} : vector<2048x1xi32> to vector<128x1xi32>
    %min3A_1950 = arith.constant 79 : i32
    %min3A_1951 = vector.broadcast %min3A_1950 : i32 to vector<128x1xi32>
    %min3A_1952 = arith.minsi %convert_element_type3A_1902, %min3A_1951 : vector<128x1xi32>
    %swap3A_1953 = arith.constant 1664 : index
    %swap3A_1954 = arith.constant 0 : index
    %swap3A_1955 = vector.load %arg5[%swap3A_1953, %swap3A_1954] : memref<2048x1xi32, #tpu.memory_space<vmem>>, vector<128x1xi32>
    tpu.vector_store %arg5[%swap3A_1953, %swap3A_1954], %min3A_1952 {strides = array<i32>} : memref<2048x1xi32, #tpu.memory_space<vmem>>, vector<128x1xi32>,
    %min3A_1956 = arith.constant 79 : i32
    %min3A_1957 = vector.broadcast %min3A_1956 : i32 to vector<128x1xi32>
    %min3A_1958 = arith.minsi %convert_element_type3A_1906, %min3A_1957 : vector<128x1xi32>
    %swap3A_1959 = arith.constant 1664 : index
    %swap3A_1960 = arith.constant 0 : index
    %swap3A_1961 = vector.load %arg6[%swap3A_1959, %swap3A_1960] : memref<2048x1xi32, #tpu.memory_space<vmem>>, vector<128x1xi32>
    tpu.vector_store %arg6[%swap3A_1959, %swap3A_1960], %min3A_1958 {strides = array<i32>} : memref<2048x1xi32, #tpu.memory_space<vmem>>, vector<128x1xi32>,
    %slice3A_1962 = vector.extract_strided_slice %div3A_35 {offsets = [1664, 0], sizes = [128, 1], strides = [1, 1]} : vector<2048x1xf32> to vector<128x1xf32>
    %convert_element_type3A_1963 = arith.extui %lt3A_1909 : vector<128x1xi1> to vector<128x1xi32>
    %convert_element_type3A_1964 = arith.sitofp %convert_element_type3A_1963 : vector<128x1xi32> to vector<128x1xf32>
    %mul3A_1965 = arith.mulf %slice3A_1962, %convert_element_type3A_1964 : vector<128x1xf32>
    %swap3A_1966 = arith.constant 1664 : index
    %swap3A_1967 = arith.constant 0 : index
    %swap3A_1968 = vector.load %arg7[%swap3A_1966, %swap3A_1967] : memref<2048x1xf32, #tpu.memory_space<vmem>>, vector<128x1xf32>
    tpu.vector_store %arg7[%swap3A_1966, %swap3A_1967], %mul3A_1965 {strides = array<i32>} : memref<2048x1xf32, #tpu.memory_space<vmem>>, vector<128x1xf32>,
    %slice3A_1969 = vector.extract_strided_slice %sub3A_38 {offsets = [1664, 0], sizes = [128, 1], strides = [1, 1]} : vector<2048x1xf32> to vector<128x1xf32>
    %convert_element_type3A_1970 = arith.extui %lt3A_1912 : vector<128x1xi1> to vector<128x1xi32>
    %convert_element_type3A_1971 = arith.sitofp %convert_element_type3A_1970 : vector<128x1xi32> to vector<128x1xf32>
    %mul3A_1972 = arith.mulf %slice3A_1969, %convert_element_type3A_1971 : vector<128x1xf32>
    %swap3A_1973 = arith.constant 1664 : index
    %swap3A_1974 = arith.constant 0 : index
    %swap3A_1975 = vector.load %arg8[%swap3A_1973, %swap3A_1974] : memref<2048x1xf32, #tpu.memory_space<vmem>>, vector<128x1xf32>
    tpu.vector_store %arg8[%swap3A_1973, %swap3A_1974], %mul3A_1972 {strides = array<i32>} : memref<2048x1xf32, #tpu.memory_space<vmem>>, vector<128x1xf32>,
    %convert_element_type3A_1976 = arith.extui %lt3A_1909 : vector<128x1xi1> to vector<128x1xi32>
    %convert_element_type3A_1977 = arith.sitofp %convert_element_type3A_1976 : vector<128x1xi32> to vector<128x1xf32>
    %swap3A_1978 = arith.constant 1664 : index
    %swap3A_1979 = arith.constant 0 : index
    %swap3A_1980 = vector.load %arg9[%swap3A_1978, %swap3A_1979] : memref<2048x1xf32, #tpu.memory_space<vmem>>, vector<128x1xf32>
    tpu.vector_store %arg9[%swap3A_1978, %swap3A_1979], %convert_element_type3A_1977 {strides = array<i32>} : memref<2048x1xf32, #tpu.memory_space<vmem>>, vector<128x1xf32>,
    %convert_element_type3A_1981 = arith.extui %lt3A_1912 : vector<128x1xi1> to vector<128x1xi32>
    %convert_element_type3A_1982 = arith.sitofp %convert_element_type3A_1981 : vector<128x1xi32> to vector<128x1xf32>
    %swap3A_1983 = arith.constant 1664 : index
    %swap3A_1984 = arith.constant 0 : index
    %swap3A_1985 = vector.load %arg10[%swap3A_1983, %swap3A_1984] : memref<2048x1xf32, #tpu.memory_space<vmem>>, vector<128x1xf32>
    tpu.vector_store %arg10[%swap3A_1983, %swap3A_1984], %convert_element_type3A_1982 {strides = array<i32>} : memref<2048x1xf32, #tpu.memory_space<vmem>>, vector<128x1xf32>,
    %mul3A_1986 = arith.constant 80 : i32
    %mul3A_1987 = vector.broadcast %mul3A_1986 : i32 to vector<128x1xi32>
    %mul3A_1988 = arith.muli %slice3A_1948, %mul3A_1987 : vector<128x1xi32>
    %add3A_1989 = arith.addi %mul3A_1988, %convert_element_type3A_1902 : vector<128x1xi32>
    %add3A_1990 = arith.constant 5120 : i32
    %add3A_1991 = vector.broadcast %add3A_1990 : i32 to vector<128x1xi32>
    %add3A_1992 = arith.addi %add3A_1991, %select_n3A_1947 : vector<128x1xi32>
    %select_n3A_1993 = arith.select %lt3A_1909, %add3A_1989, %add3A_1992 : vector<128x1xi1>, vector<128x1xi32>
    %swap3A_1994 = arith.constant 1664 : index
    %swap3A_1995 = arith.constant 0 : index
    %swap3A_1996 = vector.load %arg11[%swap3A_1994, %swap3A_1995] : memref<2048x1xi32, #tpu.memory_space<vmem>>, vector<128x1xi32>
    tpu.vector_store %arg11[%swap3A_1994, %swap3A_1995], %select_n3A_1993 {strides = array<i32>} : memref<2048x1xi32, #tpu.memory_space<vmem>>, vector<128x1xi32>,
    %mul3A_1997 = arith.constant 80 : i32
    %mul3A_1998 = vector.broadcast %mul3A_1997 : i32 to vector<128x1xi32>
    %mul3A_1999 = arith.muli %slice3A_1949, %mul3A_1998 : vector<128x1xi32>
    %add3A_2000 = arith.addi %mul3A_1999, %convert_element_type3A_1906 : vector<128x1xi32>
    %add3A_2001 = arith.constant 5120 : i32
    %add3A_2002 = vector.broadcast %add3A_2001 : i32 to vector<128x1xi32>
    %add3A_2003 = arith.addi %add3A_2002, %select_n3A_1947 : vector<128x1xi32>
    %select_n3A_2004 = arith.select %lt3A_1912, %add3A_2000, %add3A_2003 : vector<128x1xi1>, vector<128x1xi32>
    %swap3A_2005 = arith.constant 1664 : index
    %swap3A_2006 = arith.constant 0 : index
    %swap3A_2007 = vector.load %arg12[%swap3A_2005, %swap3A_2006] : memref<2048x1xi32, #tpu.memory_space<vmem>>, vector<128x1xi32>
    tpu.vector_store %arg12[%swap3A_2005, %swap3A_2006], %select_n3A_2004 {strides = array<i32>} : memref<2048x1xi32, #tpu.memory_space<vmem>>, vector<128x1xi32>,
    %slice3A_2008 = vector.extract_strided_slice %convert_element_type3A_41 {offsets = [1792, 0], sizes = [128, 64], strides = [1, 1]} : vector<2048x64xf32> to vector<128x64xf32>
    %slice3A_2009 = vector.extract_strided_slice %convert_element_type3A_45 {offsets = [1792, 0], sizes = [128, 64], strides = [1, 1]} : vector<2048x64xf32> to vector<128x64xf32>
    %get3A_2010 = arith.constant 1792 : index
    %get3A_2011 = arith.constant 0 : index
    %get3A_2012 = vector.load %arg13[%get3A_2010, %get3A_2011] : memref<2048x64xf32, #tpu.memory_space<vmem>>, vector<128x64xf32>
    %add3A_2013 = arith.addf %slice3A_2008, %slice3A_2009 : vector<128x64xf32>
    %sub3A_2014 = arith.subf %get3A_2012, %add3A_2013 : vector<128x64xf32>
    %slice3A_2015 = vector.extract_strided_slice %dot_general3A_217 {offsets = [14, 0], sizes = [1, 64], strides = [1, 1]} : vector<16x64xf32> to vector<1x64xf32>
    %add3A_2016 = vector.broadcast %slice3A_2015 : vector<1x64xf32> to vector<128x64xf32>
    %add3A_2017 = arith.addf %sub3A_2014, %add3A_2016 : vector<128x64xf32>
    %mul3A_2018 = arith.mulf %slice3A_2008, %add3A_2017 : vector<128x64xf32>
    %reduce_sum3A_2019 = arith.constant dense<0.000000e+00> : vector<128xf32>
    %reduce_sum3A_2020 = vector.multi_reduction <add>, %mul3A_2018, %reduce_sum3A_2019 [1] : vector<128x64xf32> to vector<128xf32>
    %broadcast_in_dim3A_2021 = vector.shape_cast %reduce_sum3A_2020 : vector<128xf32> to vector<128x1xf32>
    %add3A_2022 = arith.addf %add3A_2017, %slice3A_2008 : vector<128x64xf32>
    %mul3A_2023 = arith.mulf %slice3A_2009, %add3A_2022 : vector<128x64xf32>
    %reduce_sum3A_2024 = arith.constant dense<0.000000e+00> : vector<128xf32>
    %reduce_sum3A_2025 = vector.multi_reduction <add>, %mul3A_2023, %reduce_sum3A_2024 [1] : vector<128x64xf32> to vector<128xf32>
    %broadcast_in_dim3A_2026 = vector.shape_cast %reduce_sum3A_2025 : vector<128xf32> to vector<128x1xf32>
    %add3A_2027 = arith.constant 5.000000e-01 : f32
    %add3A_2028 = vector.broadcast %add3A_2027 : f32 to vector<128x1xf32>
    %add3A_2029 = arith.addf %broadcast_in_dim3A_2021, %add3A_2028 : vector<128x1xf32>
    %convert_element_type3A_2030 = arith.fptosi %add3A_2029 : vector<128x1xf32> to vector<128x1xi32>
    %add3A_2031 = arith.constant 5.000000e-01 : f32
    %add3A_2032 = vector.broadcast %add3A_2031 : f32 to vector<128x1xf32>
    %add3A_2033 = arith.addf %broadcast_in_dim3A_2026, %add3A_2032 : vector<128x1xf32>
    %convert_element_type3A_2034 = arith.fptosi %add3A_2033 : vector<128x1xf32> to vector<128x1xi32>
    %lt3A_2035 = arith.constant 77 : i32
    %lt3A_2036 = vector.broadcast %lt3A_2035 : i32 to vector<128x1xi32>
    %lt3A_2037 = arith.cmpi slt, %convert_element_type3A_2030, %lt3A_2036 : vector<128x1xi32>
    %lt3A_2038 = arith.constant 77 : i32
    %lt3A_2039 = vector.broadcast %lt3A_2038 : i32 to vector<128x1xi32>
    %lt3A_2040 = arith.cmpi slt, %convert_element_type3A_2034, %lt3A_2039 : vector<128x1xi32>
    %iota3A_2041 = tpu.iota {dimensions = array<i32: 0>} : vector<128x1xi32>
    %add3A_2042 = arith.constant 1792 : i32
    %add3A_2043 = vector.broadcast %add3A_2042 : i32 to vector<128x1xi32>
    %add3A_2044 = arith.addi %add3A_2043, %iota3A_2041 : vector<128x1xi32>
    %jit3A_2045 = arith.constant 64 : i32
    %div3A_2046 = vector.broadcast %jit3A_2045 : i32 to vector<128x1xi32>
    %div3A_2047 = arith.divsi %add3A_2044, %div3A_2046 : vector<128x1xi32>
    %sign3A_2048 = arith.constant 0 : i32
    %sign3A_2049 = vector.broadcast %sign3A_2048 : i32 to vector<128x1xi32>
    %sign3A_2050 = arith.cmpi sgt, %add3A_2044, %sign3A_2049 : vector<128x1xi32>
    %sign3A_2051 = arith.extui %sign3A_2050 : vector<128x1xi1> to vector<128x1xi32>
    %sign3A_2052 = arith.constant 0 : i32
    %sign3A_2053 = vector.broadcast %sign3A_2052 : i32 to vector<128x1xi32>
    %sign3A_2054 = arith.cmpi slt, %add3A_2044, %sign3A_2053 : vector<128x1xi32>
    %sign3A_2055 = arith.extui %sign3A_2054 : vector<128x1xi1> to vector<128x1xi32>
    %sign3A_2056 = arith.subi %sign3A_2051, %sign3A_2055 : vector<128x1xi32>
    %sign3A_2057 = arith.constant 0 : i32
    %sign3A_2058 = arith.cmpi sgt, %jit3A_2045, %sign3A_2057 : i32
    %sign3A_2059 = arith.extui %sign3A_2058 : i1 to i32
    %sign3A_2060 = arith.constant 0 : i32
    %sign3A_2061 = arith.cmpi slt, %jit3A_2045, %sign3A_2060 : i32
    %sign3A_2062 = arith.extui %sign3A_2061 : i1 to i32
    %sign3A_2063 = arith.subi %sign3A_2059, %sign3A_2062 : i32
    %ne3A_2064 = vector.broadcast %sign3A_2063 : i32 to vector<128x1xi32>
    %ne3A_2065 = arith.cmpi ne, %sign3A_2056, %ne3A_2064 : vector<128x1xi32>
    %rem3A_2066 = vector.broadcast %jit3A_2045 : i32 to vector<128x1xi32>
    %rem3A_2067 = arith.remsi %add3A_2044, %rem3A_2066 : vector<128x1xi32>
    %ne3A_2068 = arith.constant 0 : i32
    %ne3A_2069 = vector.broadcast %ne3A_2068 : i32 to vector<128x1xi32>
    %ne3A_2070 = arith.cmpi ne, %rem3A_2067, %ne3A_2069 : vector<128x1xi32>
    %and3A_2071 = arith.andi %ne3A_2065, %ne3A_2070 : vector<128x1xi1>
    %sub3A_2072 = arith.constant 1 : i32
    %sub3A_2073 = vector.broadcast %sub3A_2072 : i32 to vector<128x1xi32>
    %sub3A_2074 = arith.subi %div3A_2047, %sub3A_2073 : vector<128x1xi32>
    %select_n3A_2075 = arith.select %and3A_2071, %sub3A_2074, %div3A_2047 : vector<128x1xi1>, vector<128x1xi32>
    %slice3A_2076 = vector.extract_strided_slice %broadcast_in_dim3A_14 {offsets = [1792, 0], sizes = [128, 1], strides = [1, 1]} : vector<2048x1xi32> to vector<128x1xi32>
    %slice3A_2077 = vector.extract_strided_slice %broadcast_in_dim3A_30 {offsets = [1792, 0], sizes = [128, 1], strides = [1, 1]} : vector<2048x1xi32> to vector<128x1xi32>
    %min3A_2078 = arith.constant 79 : i32
    %min3A_2079 = vector.broadcast %min3A_2078 : i32 to vector<128x1xi32>
    %min3A_2080 = arith.minsi %convert_element_type3A_2030, %min3A_2079 : vector<128x1xi32>
    %swap3A_2081 = arith.constant 1792 : index
    %swap3A_2082 = arith.constant 0 : index
    %swap3A_2083 = vector.load %arg5[%swap3A_2081, %swap3A_2082] : memref<2048x1xi32, #tpu.memory_space<vmem>>, vector<128x1xi32>
    tpu.vector_store %arg5[%swap3A_2081, %swap3A_2082], %min3A_2080 {strides = array<i32>} : memref<2048x1xi32, #tpu.memory_space<vmem>>, vector<128x1xi32>,
    %min3A_2084 = arith.constant 79 : i32
    %min3A_2085 = vector.broadcast %min3A_2084 : i32 to vector<128x1xi32>
    %min3A_2086 = arith.minsi %convert_element_type3A_2034, %min3A_2085 : vector<128x1xi32>
    %swap3A_2087 = arith.constant 1792 : index
    %swap3A_2088 = arith.constant 0 : index
    %swap3A_2089 = vector.load %arg6[%swap3A_2087, %swap3A_2088] : memref<2048x1xi32, #tpu.memory_space<vmem>>, vector<128x1xi32>
    tpu.vector_store %arg6[%swap3A_2087, %swap3A_2088], %min3A_2086 {strides = array<i32>} : memref<2048x1xi32, #tpu.memory_space<vmem>>, vector<128x1xi32>,
    %slice3A_2090 = vector.extract_strided_slice %div3A_35 {offsets = [1792, 0], sizes = [128, 1], strides = [1, 1]} : vector<2048x1xf32> to vector<128x1xf32>
    %convert_element_type3A_2091 = arith.extui %lt3A_2037 : vector<128x1xi1> to vector<128x1xi32>
    %convert_element_type3A_2092 = arith.sitofp %convert_element_type3A_2091 : vector<128x1xi32> to vector<128x1xf32>
    %mul3A_2093 = arith.mulf %slice3A_2090, %convert_element_type3A_2092 : vector<128x1xf32>
    %swap3A_2094 = arith.constant 1792 : index
    %swap3A_2095 = arith.constant 0 : index
    %swap3A_2096 = vector.load %arg7[%swap3A_2094, %swap3A_2095] : memref<2048x1xf32, #tpu.memory_space<vmem>>, vector<128x1xf32>
    tpu.vector_store %arg7[%swap3A_2094, %swap3A_2095], %mul3A_2093 {strides = array<i32>} : memref<2048x1xf32, #tpu.memory_space<vmem>>, vector<128x1xf32>,
    %slice3A_2097 = vector.extract_strided_slice %sub3A_38 {offsets = [1792, 0], sizes = [128, 1], strides = [1, 1]} : vector<2048x1xf32> to vector<128x1xf32>
    %convert_element_type3A_2098 = arith.extui %lt3A_2040 : vector<128x1xi1> to vector<128x1xi32>
    %convert_element_type3A_2099 = arith.sitofp %convert_element_type3A_2098 : vector<128x1xi32> to vector<128x1xf32>
    %mul3A_2100 = arith.mulf %slice3A_2097, %convert_element_type3A_2099 : vector<128x1xf32>
    %swap3A_2101 = arith.constant 1792 : index
    %swap3A_2102 = arith.constant 0 : index
    %swap3A_2103 = vector.load %arg8[%swap3A_2101, %swap3A_2102] : memref<2048x1xf32, #tpu.memory_space<vmem>>, vector<128x1xf32>
    tpu.vector_store %arg8[%swap3A_2101, %swap3A_2102], %mul3A_2100 {strides = array<i32>} : memref<2048x1xf32, #tpu.memory_space<vmem>>, vector<128x1xf32>,
    %convert_element_type3A_2104 = arith.extui %lt3A_2037 : vector<128x1xi1> to vector<128x1xi32>
    %convert_element_type3A_2105 = arith.sitofp %convert_element_type3A_2104 : vector<128x1xi32> to vector<128x1xf32>
    %swap3A_2106 = arith.constant 1792 : index
    %swap3A_2107 = arith.constant 0 : index
    %swap3A_2108 = vector.load %arg9[%swap3A_2106, %swap3A_2107] : memref<2048x1xf32, #tpu.memory_space<vmem>>, vector<128x1xf32>
    tpu.vector_store %arg9[%swap3A_2106, %swap3A_2107], %convert_element_type3A_2105 {strides = array<i32>} : memref<2048x1xf32, #tpu.memory_space<vmem>>, vector<128x1xf32>,
    %convert_element_type3A_2109 = arith.extui %lt3A_2040 : vector<128x1xi1> to vector<128x1xi32>
    %convert_element_type3A_2110 = arith.sitofp %convert_element_type3A_2109 : vector<128x1xi32> to vector<128x1xf32>
    %swap3A_2111 = arith.constant 1792 : index
    %swap3A_2112 = arith.constant 0 : index
    %swap3A_2113 = vector.load %arg10[%swap3A_2111, %swap3A_2112] : memref<2048x1xf32, #tpu.memory_space<vmem>>, vector<128x1xf32>
    tpu.vector_store %arg10[%swap3A_2111, %swap3A_2112], %convert_element_type3A_2110 {strides = array<i32>} : memref<2048x1xf32, #tpu.memory_space<vmem>>, vector<128x1xf32>,
    %mul3A_2114 = arith.constant 80 : i32
    %mul3A_2115 = vector.broadcast %mul3A_2114 : i32 to vector<128x1xi32>
    %mul3A_2116 = arith.muli %slice3A_2076, %mul3A_2115 : vector<128x1xi32>
    %add3A_2117 = arith.addi %mul3A_2116, %convert_element_type3A_2030 : vector<128x1xi32>
    %add3A_2118 = arith.constant 5120 : i32
    %add3A_2119 = vector.broadcast %add3A_2118 : i32 to vector<128x1xi32>
    %add3A_2120 = arith.addi %add3A_2119, %select_n3A_2075 : vector<128x1xi32>
    %select_n3A_2121 = arith.select %lt3A_2037, %add3A_2117, %add3A_2120 : vector<128x1xi1>, vector<128x1xi32>
    %swap3A_2122 = arith.constant 1792 : index
    %swap3A_2123 = arith.constant 0 : index
    %swap3A_2124 = vector.load %arg11[%swap3A_2122, %swap3A_2123] : memref<2048x1xi32, #tpu.memory_space<vmem>>, vector<128x1xi32>
    tpu.vector_store %arg11[%swap3A_2122, %swap3A_2123], %select_n3A_2121 {strides = array<i32>} : memref<2048x1xi32, #tpu.memory_space<vmem>>, vector<128x1xi32>,
    %mul3A_2125 = arith.constant 80 : i32
    %mul3A_2126 = vector.broadcast %mul3A_2125 : i32 to vector<128x1xi32>
    %mul3A_2127 = arith.muli %slice3A_2077, %mul3A_2126 : vector<128x1xi32>
    %add3A_2128 = arith.addi %mul3A_2127, %convert_element_type3A_2034 : vector<128x1xi32>
    %add3A_2129 = arith.constant 5120 : i32
    %add3A_2130 = vector.broadcast %add3A_2129 : i32 to vector<128x1xi32>
    %add3A_2131 = arith.addi %add3A_2130, %select_n3A_2075 : vector<128x1xi32>
    %select_n3A_2132 = arith.select %lt3A_2040, %add3A_2128, %add3A_2131 : vector<128x1xi1>, vector<128x1xi32>
    %swap3A_2133 = arith.constant 1792 : index
    %swap3A_2134 = arith.constant 0 : index
    %swap3A_2135 = vector.load %arg12[%swap3A_2133, %swap3A_2134] : memref<2048x1xi32, #tpu.memory_space<vmem>>, vector<128x1xi32>
    tpu.vector_store %arg12[%swap3A_2133, %swap3A_2134], %select_n3A_2132 {strides = array<i32>} : memref<2048x1xi32, #tpu.memory_space<vmem>>, vector<128x1xi32>,
    %slice3A_2136 = vector.extract_strided_slice %convert_element_type3A_41 {offsets = [1920, 0], sizes = [128, 64], strides = [1, 1]} : vector<2048x64xf32> to vector<128x64xf32>
    %slice3A_2137 = vector.extract_strided_slice %convert_element_type3A_45 {offsets = [1920, 0], sizes = [128, 64], strides = [1, 1]} : vector<2048x64xf32> to vector<128x64xf32>
    %get3A_2138 = arith.constant 1920 : index
    %get3A_2139 = arith.constant 0 : index
    %get3A_2140 = vector.load %arg13[%get3A_2138, %get3A_2139] : memref<2048x64xf32, #tpu.memory_space<vmem>>, vector<128x64xf32>
    %add3A_2141 = arith.addf %slice3A_2136, %slice3A_2137 : vector<128x64xf32>
    %sub3A_2142 = arith.subf %get3A_2140, %add3A_2141 : vector<128x64xf32>
    %slice3A_2143 = vector.extract_strided_slice %dot_general3A_217 {offsets = [15, 0], sizes = [1, 64], strides = [1, 1]} : vector<16x64xf32> to vector<1x64xf32>
    %add3A_2144 = vector.broadcast %slice3A_2143 : vector<1x64xf32> to vector<128x64xf32>
    %add3A_2145 = arith.addf %sub3A_2142, %add3A_2144 : vector<128x64xf32>
    %mul3A_2146 = arith.mulf %slice3A_2136, %add3A_2145 : vector<128x64xf32>
    %reduce_sum3A_2147 = arith.constant dense<0.000000e+00> : vector<128xf32>
    %reduce_sum3A_2148 = vector.multi_reduction <add>, %mul3A_2146, %reduce_sum3A_2147 [1] : vector<128x64xf32> to vector<128xf32>
    %broadcast_in_dim3A_2149 = vector.shape_cast %reduce_sum3A_2148 : vector<128xf32> to vector<128x1xf32>
    %add3A_2150 = arith.addf %add3A_2145, %slice3A_2136 : vector<128x64xf32>
    %mul3A_2151 = arith.mulf %slice3A_2137, %add3A_2150 : vector<128x64xf32>
    %reduce_sum3A_2152 = arith.constant dense<0.000000e+00> : vector<128xf32>
    %reduce_sum3A_2153 = vector.multi_reduction <add>, %mul3A_2151, %reduce_sum3A_2152 [1] : vector<128x64xf32> to vector<128xf32>
    %broadcast_in_dim3A_2154 = vector.shape_cast %reduce_sum3A_2153 : vector<128xf32> to vector<128x1xf32>
    %add3A_2155 = arith.constant 5.000000e-01 : f32
    %add3A_2156 = vector.broadcast %add3A_2155 : f32 to vector<128x1xf32>
    %add3A_2157 = arith.addf %broadcast_in_dim3A_2149, %add3A_2156 : vector<128x1xf32>
    %convert_element_type3A_2158 = arith.fptosi %add3A_2157 : vector<128x1xf32> to vector<128x1xi32>
    %add3A_2159 = arith.constant 5.000000e-01 : f32
    %add3A_2160 = vector.broadcast %add3A_2159 : f32 to vector<128x1xf32>
    %add3A_2161 = arith.addf %broadcast_in_dim3A_2154, %add3A_2160 : vector<128x1xf32>
    %convert_element_type3A_2162 = arith.fptosi %add3A_2161 : vector<128x1xf32> to vector<128x1xi32>
    %lt3A_2163 = arith.constant 77 : i32
    %lt3A_2164 = vector.broadcast %lt3A_2163 : i32 to vector<128x1xi32>
    %lt3A_2165 = arith.cmpi slt, %convert_element_type3A_2158, %lt3A_2164 : vector<128x1xi32>
    %lt3A_2166 = arith.constant 77 : i32
    %lt3A_2167 = vector.broadcast %lt3A_2166 : i32 to vector<128x1xi32>
    %lt3A_2168 = arith.cmpi slt, %convert_element_type3A_2162, %lt3A_2167 : vector<128x1xi32>
    %iota3A_2169 = tpu.iota {dimensions = array<i32: 0>} : vector<128x1xi32>
    %add3A_2170 = arith.constant 1920 : i32
    %add3A_2171 = vector.broadcast %add3A_2170 : i32 to vector<128x1xi32>
    %add3A_2172 = arith.addi %add3A_2171, %iota3A_2169 : vector<128x1xi32>
    %jit3A_2173 = arith.constant 64 : i32
    %div3A_2174 = vector.broadcast %jit3A_2173 : i32 to vector<128x1xi32>
    %div3A_2175 = arith.divsi %add3A_2172, %div3A_2174 : vector<128x1xi32>
    %sign3A_2176 = arith.constant 0 : i32
    %sign3A_2177 = vector.broadcast %sign3A_2176 : i32 to vector<128x1xi32>
    %sign3A_2178 = arith.cmpi sgt, %add3A_2172, %sign3A_2177 : vector<128x1xi32>
    %sign3A_2179 = arith.extui %sign3A_2178 : vector<128x1xi1> to vector<128x1xi32>
    %sign3A_2180 = arith.constant 0 : i32
    %sign3A_2181 = vector.broadcast %sign3A_2180 : i32 to vector<128x1xi32>
    %sign3A_2182 = arith.cmpi slt, %add3A_2172, %sign3A_2181 : vector<128x1xi32>
    %sign3A_2183 = arith.extui %sign3A_2182 : vector<128x1xi1> to vector<128x1xi32>
    %sign3A_2184 = arith.subi %sign3A_2179, %sign3A_2183 : vector<128x1xi32>
    %sign3A_2185 = arith.constant 0 : i32
    %sign3A_2186 = arith.cmpi sgt, %jit3A_2173, %sign3A_2185 : i32
    %sign3A_2187 = arith.extui %sign3A_2186 : i1 to i32
    %sign3A_2188 = arith.constant 0 : i32
    %sign3A_2189 = arith.cmpi slt, %jit3A_2173, %sign3A_2188 : i32
    %sign3A_2190 = arith.extui %sign3A_2189 : i1 to i32
    %sign3A_2191 = arith.subi %sign3A_2187, %sign3A_2190 : i32
    %ne3A_2192 = vector.broadcast %sign3A_2191 : i32 to vector<128x1xi32>
    %ne3A_2193 = arith.cmpi ne, %sign3A_2184, %ne3A_2192 : vector<128x1xi32>
    %rem3A_2194 = vector.broadcast %jit3A_2173 : i32 to vector<128x1xi32>
    %rem3A_2195 = arith.remsi %add3A_2172, %rem3A_2194 : vector<128x1xi32>
    %ne3A_2196 = arith.constant 0 : i32
    %ne3A_2197 = vector.broadcast %ne3A_2196 : i32 to vector<128x1xi32>
    %ne3A_2198 = arith.cmpi ne, %rem3A_2195, %ne3A_2197 : vector<128x1xi32>
    %and3A_2199 = arith.andi %ne3A_2193, %ne3A_2198 : vector<128x1xi1>
    %sub3A_2200 = arith.constant 1 : i32
    %sub3A_2201 = vector.broadcast %sub3A_2200 : i32 to vector<128x1xi32>
    %sub3A_2202 = arith.subi %div3A_2175, %sub3A_2201 : vector<128x1xi32>
    %select_n3A_2203 = arith.select %and3A_2199, %sub3A_2202, %div3A_2175 : vector<128x1xi1>, vector<128x1xi32>
    %slice3A_2204 = vector.extract_strided_slice %broadcast_in_dim3A_14 {offsets = [1920, 0], sizes = [128, 1], strides = [1, 1]} : vector<2048x1xi32> to vector<128x1xi32>
    %slice3A_2205 = vector.extract_strided_slice %broadcast_in_dim3A_30 {offsets = [1920, 0], sizes = [128, 1], strides = [1, 1]} : vector<2048x1xi32> to vector<128x1xi32>
    %min3A_2206 = arith.constant 79 : i32
    %min3A_2207 = vector.broadcast %min3A_2206 : i32 to vector<128x1xi32>
    %min3A_2208 = arith.minsi %convert_element_type3A_2158, %min3A_2207 : vector<128x1xi32>
    %swap3A_2209 = arith.constant 1920 : index
    %swap3A_2210 = arith.constant 0 : index
    %swap3A_2211 = vector.load %arg5[%swap3A_2209, %swap3A_2210] : memref<2048x1xi32, #tpu.memory_space<vmem>>, vector<128x1xi32>
    tpu.vector_store %arg5[%swap3A_2209, %swap3A_2210], %min3A_2208 {strides = array<i32>} : memref<2048x1xi32, #tpu.memory_space<vmem>>, vector<128x1xi32>,
    %min3A_2212 = arith.constant 79 : i32
    %min3A_2213 = vector.broadcast %min3A_2212 : i32 to vector<128x1xi32>
    %min3A_2214 = arith.minsi %convert_element_type3A_2162, %min3A_2213 : vector<128x1xi32>
    %swap3A_2215 = arith.constant 1920 : index
    %swap3A_2216 = arith.constant 0 : index
    %swap3A_2217 = vector.load %arg6[%swap3A_2215, %swap3A_2216] : memref<2048x1xi32, #tpu.memory_space<vmem>>, vector<128x1xi32>
    tpu.vector_store %arg6[%swap3A_2215, %swap3A_2216], %min3A_2214 {strides = array<i32>} : memref<2048x1xi32, #tpu.memory_space<vmem>>, vector<128x1xi32>,
    %slice3A_2218 = vector.extract_strided_slice %div3A_35 {offsets = [1920, 0], sizes = [128, 1], strides = [1, 1]} : vector<2048x1xf32> to vector<128x1xf32>
    %convert_element_type3A_2219 = arith.extui %lt3A_2165 : vector<128x1xi1> to vector<128x1xi32>
    %convert_element_type3A_2220 = arith.sitofp %convert_element_type3A_2219 : vector<128x1xi32> to vector<128x1xf32>
    %mul3A_2221 = arith.mulf %slice3A_2218, %convert_element_type3A_2220 : vector<128x1xf32>
    %swap3A_2222 = arith.constant 1920 : index
    %swap3A_2223 = arith.constant 0 : index
    %swap3A_2224 = vector.load %arg7[%swap3A_2222, %swap3A_2223] : memref<2048x1xf32, #tpu.memory_space<vmem>>, vector<128x1xf32>
    tpu.vector_store %arg7[%swap3A_2222, %swap3A_2223], %mul3A_2221 {strides = array<i32>} : memref<2048x1xf32, #tpu.memory_space<vmem>>, vector<128x1xf32>,
    %slice3A_2225 = vector.extract_strided_slice %sub3A_38 {offsets = [1920, 0], sizes = [128, 1], strides = [1, 1]} : vector<2048x1xf32> to vector<128x1xf32>
    %convert_element_type3A_2226 = arith.extui %lt3A_2168 : vector<128x1xi1> to vector<128x1xi32>
    %convert_element_type3A_2227 = arith.sitofp %convert_element_type3A_2226 : vector<128x1xi32> to vector<128x1xf32>
    %mul3A_2228 = arith.mulf %slice3A_2225, %convert_element_type3A_2227 : vector<128x1xf32>
    %swap3A_2229 = arith.constant 1920 : index
    %swap3A_2230 = arith.constant 0 : index
    %swap3A_2231 = vector.load %arg8[%swap3A_2229, %swap3A_2230] : memref<2048x1xf32, #tpu.memory_space<vmem>>, vector<128x1xf32>
    tpu.vector_store %arg8[%swap3A_2229, %swap3A_2230], %mul3A_2228 {strides = array<i32>} : memref<2048x1xf32, #tpu.memory_space<vmem>>, vector<128x1xf32>,
    %convert_element_type3A_2232 = arith.extui %lt3A_2165 : vector<128x1xi1> to vector<128x1xi32>
    %convert_element_type3A_2233 = arith.sitofp %convert_element_type3A_2232 : vector<128x1xi32> to vector<128x1xf32>
    %swap3A_2234 = arith.constant 1920 : index
    %swap3A_2235 = arith.constant 0 : index
    %swap3A_2236 = vector.load %arg9[%swap3A_2234, %swap3A_2235] : memref<2048x1xf32, #tpu.memory_space<vmem>>, vector<128x1xf32>
    tpu.vector_store %arg9[%swap3A_2234, %swap3A_2235], %convert_element_type3A_2233 {strides = array<i32>} : memref<2048x1xf32, #tpu.memory_space<vmem>>, vector<128x1xf32>,
    %convert_element_type3A_2237 = arith.extui %lt3A_2168 : vector<128x1xi1> to vector<128x1xi32>
    %convert_element_type3A_2238 = arith.sitofp %convert_element_type3A_2237 : vector<128x1xi32> to vector<128x1xf32>
    %swap3A_2239 = arith.constant 1920 : index
    %swap3A_2240 = arith.constant 0 : index
    %swap3A_2241 = vector.load %arg10[%swap3A_2239, %swap3A_2240] : memref<2048x1xf32, #tpu.memory_space<vmem>>, vector<128x1xf32>
    tpu.vector_store %arg10[%swap3A_2239, %swap3A_2240], %convert_element_type3A_2238 {strides = array<i32>} : memref<2048x1xf32, #tpu.memory_space<vmem>>, vector<128x1xf32>,
    %mul3A_2242 = arith.constant 80 : i32
    %mul3A_2243 = vector.broadcast %mul3A_2242 : i32 to vector<128x1xi32>
    %mul3A_2244 = arith.muli %slice3A_2204, %mul3A_2243 : vector<128x1xi32>
    %add3A_2245 = arith.addi %mul3A_2244, %convert_element_type3A_2158 : vector<128x1xi32>
    %add3A_2246 = arith.constant 5120 : i32
    %add3A_2247 = vector.broadcast %add3A_2246 : i32 to vector<128x1xi32>
    %add3A_2248 = arith.addi %add3A_2247, %select_n3A_2203 : vector<128x1xi32>
    %select_n3A_2249 = arith.select %lt3A_2165, %add3A_2245, %add3A_2248 : vector<128x1xi1>, vector<128x1xi32>
    %swap3A_2250 = arith.constant 1920 : index
    %swap3A_2251 = arith.constant 0 : index
    %swap3A_2252 = vector.load %arg11[%swap3A_2250, %swap3A_2251] : memref<2048x1xi32, #tpu.memory_space<vmem>>, vector<128x1xi32>
    tpu.vector_store %arg11[%swap3A_2250, %swap3A_2251], %select_n3A_2249 {strides = array<i32>} : memref<2048x1xi32, #tpu.memory_space<vmem>>, vector<128x1xi32>,
    %mul3A_2253 = arith.constant 80 : i32
    %mul3A_2254 = vector.broadcast %mul3A_2253 : i32 to vector<128x1xi32>
    %mul3A_2255 = arith.muli %slice3A_2205, %mul3A_2254 : vector<128x1xi32>
    %add3A_2256 = arith.addi %mul3A_2255, %convert_element_type3A_2162 : vector<128x1xi32>
    %add3A_2257 = arith.constant 5120 : i32
    %add3A_2258 = vector.broadcast %add3A_2257 : i32 to vector<128x1xi32>
    %add3A_2259 = arith.addi %add3A_2258, %select_n3A_2203 : vector<128x1xi32>
    %select_n3A_2260 = arith.select %lt3A_2168, %add3A_2256, %add3A_2259 : vector<128x1xi1>, vector<128x1xi32>
    %swap3A_2261 = arith.constant 1920 : index
    %swap3A_2262 = arith.constant 0 : index
    %swap3A_2263 = vector.load %arg12[%swap3A_2261, %swap3A_2262] : memref<2048x1xi32, #tpu.memory_space<vmem>>, vector<128x1xi32>
    tpu.vector_store %arg12[%swap3A_2261, %swap3A_2262], %select_n3A_2260 {strides = array<i32>} : memref<2048x1xi32, #tpu.memory_space<vmem>>, vector<128x1xi32>,
    return
  }
}

module attributes {stable_mosaic.version = 14 : i64} {
  func.func @_ffn_body(%arg0: i32, %arg1: i32, %arg2: memref<80x384xf32, #tpu.memory_space<vmem>>, %arg3: memref<1x384x3072xf32, #tpu.memory_space<vmem>>, %arg4: memref<1x1x3072xf32, #tpu.memory_space<vmem>>, %arg5: memref<1x1536x768xf32, #tpu.memory_space<vmem>>, %arg6: memref<1x1x768xf32, #tpu.memory_space<vmem>>, %arg7: memref<1x80x1xf32, #tpu.memory_space<vmem>>, %arg8: memref<80x3072xf32, #tpu.memory_space<vmem>>, %arg9: memref<3072x1xf32, #tpu.memory_space<vmem>>) attributes {dimension_semantics = [#tpu.dimension_semantics<arbitrary>, #tpu.dimension_semantics<arbitrary>], iteration_bounds = array<i64: 64, 2>, scalar_prefetch = 0 : i64, scratch_operands = 2 : i64, tpu.core_type = #tpu.core_type<tc>, window_params = [{transform_indices = @transform_0, window_bounds = array<i64: 80, 384>}, {transform_indices = @transform_1, window_bounds = array<i64: 1, 384, 3072>}, {transform_indices = @transform_2, window_bounds = array<i64: 1, 1, 3072>}, {transform_indices = @transform_3, window_bounds = array<i64: 1, 1536, 768>}, {transform_indices = @transform_4, window_bounds = array<i64: 1, 1, 768>}, {transform_indices = @transform_5, window_bounds = array<i64: 1, 80, 1>}]} {
    %get3A = arith.constant 0 : index
    %get3A_0 = arith.constant 0 : index
    %get3A_1 = vector.load %arg2[%get3A, %get3A_0] : memref<80x384xf32, #tpu.memory_space<vmem>>, vector<80x384xf32>
    %get3A_2 = arith.constant 0 : index
    %get3A_3 = arith.constant 0 : index
    %get3A_4 = arith.constant 0 : index
    %get3A_5 = vector.load %arg3[%get3A_2, %get3A_3, %get3A_4] : memref<1x384x3072xf32, #tpu.memory_space<vmem>>, vector<1x384x3072xf32>
    %get3A_6 = vector.shape_cast %get3A_5 : vector<1x384x3072xf32> to vector<384x3072xf32>
    %dot_general3A = arith.constant dense<0.000000e+00> : vector<80x3072xf32>
    %dot_general3A_7 = tpu.matmul %get3A_1, %get3A_6, %dot_general3A {dimension_numbers = #tpu.dot_dimension_numbers<[1], [0], [0], [1], [0, 0, 1, 1], [], []>, transpose_lhs_hint = false} : vector<80x384xf32>, vector<384x3072xf32>, vector<80x3072xf32> -> vector<80x3072xf32>
    %get3A_8 = arith.constant 0 : index
    %get3A_9 = arith.constant 0 : index
    %get3A_10 = arith.constant 0 : index
    %get3A_11 = vector.load %arg5[%get3A_8, %get3A_9, %get3A_10] : memref<1x1536x768xf32, #tpu.memory_space<vmem>>, vector<1x1536x768xf32>
    %get3A_12 = vector.shape_cast %get3A_11 : vector<1x1536x768xf32> to vector<1536x768xf32>
    %reduce_sum3A = arith.constant dense<0.000000e+00> : vector<1536xf32>
    %reduce_sum3A_13 = vector.multi_reduction <add>, %get3A_12, %reduce_sum3A [1] : vector<1536x768xf32> to vector<1536xf32>
    %broadcast_in_dim3A = vector.shape_cast %reduce_sum3A_13 : vector<1536xf32> to vector<1536x1xf32>
    %mul3A = arith.constant 1536 : i32
    %mul3A_14 = arith.muli %arg1, %mul3A : i32
    %swap3A = arith.index_cast %mul3A_14 : i32 to index
    %swap3A_15 = arith.constant 0 : index
    %swap3A_16 = vector.load %arg9[%swap3A, %swap3A_15] : memref<3072x1xf32, #tpu.memory_space<vmem>>, vector<1536x1xf32>
    tpu.vector_store %arg9[%swap3A, %swap3A_15], %broadcast_in_dim3A {strides = array<i32>} : memref<3072x1xf32, #tpu.memory_space<vmem>>, vector<1536x1xf32>,
    %eq3A = arith.constant 0 : i32
    %eq3A_17 = arith.cmpi eq, %arg1, %eq3A : i32
    %convert_element_type3A = arith.extui %eq3A_17 : i1 to i32
    %cond3A = arith.constant 0 : i32
    %cond3A_18 = arith.cmpi ne, %convert_element_type3A, %cond3A : i32
    scf.if %cond3A_18 {
      %swap3A_24 = arith.constant 0 : index
      %swap3A_25 = arith.constant 0 : index
      %swap3A_26 = vector.load %arg8[%swap3A_24, %swap3A_25] : memref<80x3072xf32, #tpu.memory_space<vmem>>, vector<80x3072xf32>
      tpu.vector_store %arg8[%swap3A_24, %swap3A_25], %dot_general3A_7 {strides = array<i32>} : memref<80x3072xf32, #tpu.memory_space<vmem>>, vector<80x3072xf32>,
    } else {
    }
    %eq3A_19 = arith.constant 1 : i32
    %eq3A_20 = arith.cmpi eq, %arg1, %eq3A_19 : i32
    %convert_element_type3A_21 = arith.extui %eq3A_20 : i1 to i32
    %cond3A_22 = arith.constant 0 : i32
    %cond3A_23 = arith.cmpi ne, %convert_element_type3A_21, %cond3A_22 : i32
    scf.if %cond3A_23 {
      %get3A_24 = arith.constant 0 : index
      %get3A_25 = arith.constant 0 : index
      %get3A_26 = vector.load %arg8[%get3A_24, %get3A_25] : memref<80x3072xf32, #tpu.memory_space<vmem>>, vector<80x3072xf32>
      %add3A = arith.addf %get3A_26, %dot_general3A_7 : vector<80x3072xf32>
      %get3A_27 = arith.constant 0 : index
      %get3A_28 = arith.constant 0 : index
      %get3A_29 = arith.constant 0 : index
      %get3A_30 = vector.load %arg4[%get3A_27, %get3A_28, %get3A_29] : memref<1x1x3072xf32, #tpu.memory_space<vmem>>, vector<1x1x3072xf32>
      %get3A_31 = vector.shape_cast %get3A_30 : vector<1x1x3072xf32> to vector<1x3072xf32>
      %add3A_32 = vector.broadcast %get3A_31 : vector<1x3072xf32> to vector<80x3072xf32>
      %add3A_33 = arith.addf %add3A, %add3A_32 : vector<80x3072xf32>
      %max3A = arith.constant 0.000000e+00 : f32
      %max3A_34 = vector.broadcast %max3A : f32 to vector<80x3072xf32>
      %max3A_35 = arith.maximumf %add3A_33, %max3A_34 : vector<80x3072xf32>
      %get3A_36 = arith.constant 0 : index
      %get3A_37 = arith.constant 0 : index
      %get3A_38 = vector.load %arg9[%get3A_36, %get3A_37] : memref<3072x1xf32, #tpu.memory_space<vmem>>, vector<3072x1xf32>
      %dot_general3A_39 = arith.constant dense<0.000000e+00> : vector<80x1xf32>
      %dot_general3A_40 = tpu.matmul %max3A_35, %get3A_38, %dot_general3A_39 {dimension_numbers = #tpu.dot_dimension_numbers<[1], [0], [0], [1], [0, 0, 1, 1], [], []>, transpose_lhs_hint = false} : vector<80x3072xf32>, vector<3072x1xf32>, vector<80x1xf32> -> vector<80x1xf32>
      %get3A_41 = arith.constant 0 : index
      %get3A_42 = arith.constant 0 : index
      %get3A_43 = arith.constant 0 : index
      %get3A_44 = vector.load %arg6[%get3A_41, %get3A_42, %get3A_43] : memref<1x1x768xf32, #tpu.memory_space<vmem>>, vector<1x1x768xf32>
      %reduce_sum3A_45 = vector.shape_cast %get3A_44 : vector<1x1x768xf32> to vector<1x1x1x768xf32>
      %reduce_sum3A_46 = arith.constant dense<0.000000e+00> : vector<1xf32>
      %reduce_sum3A_47 = vector.multi_reduction <add>, %reduce_sum3A_45, %reduce_sum3A_46 [1, 2, 3] : vector<1x1x1x768xf32> to vector<1xf32>
      %reduce_sum3A_48 = vector.shape_cast %reduce_sum3A_47 : vector<1xf32> to vector<1x1x1x1xf32>
      %reduce_sum3A_49 = vector.extract %reduce_sum3A_48[0, 0, 0, 0] : f32 from vector<1x1x1x1xf32>
      %add3A_50 = vector.broadcast %reduce_sum3A_49 : f32 to vector<80x1xf32>
      %add3A_51 = arith.addf %dot_general3A_40, %add3A_50 : vector<80x1xf32>
      %abs3A = math.absf %add3A_51 : vector<80x1xf32>
      %lt3A = arith.constant 1.000000e+30 : f32
      %lt3A_52 = vector.broadcast %lt3A : f32 to vector<80x1xf32>
      %lt3A_53 = arith.cmpf olt, %abs3A, %lt3A_52 : vector<80x1xf32>
      %eq3A_54 = arith.cmpf oeq, %add3A_51, %add3A_51 : vector<80x1xf32>
      %and3A = arith.andi %lt3A_53, %eq3A_54 : vector<80x1xi1>
      %jit3A = arith.constant 0.000000e+00 : f32
      %broadcast_in_dim3A_55 = vector.broadcast %jit3A : f32 to vector<80x1xf32>
      %select_n3A = arith.select %and3A, %add3A_51, %broadcast_in_dim3A_55 : vector<80x1xi1>, vector<80x1xf32>
      %swap3A_56 = arith.constant 0 : index
      %swap3A_57 = arith.constant 0 : index
      %swap3A_58 = arith.constant 0 : index
      %swap3A_59 = vector.load %arg7[%swap3A_56, %swap3A_57, %swap3A_58] : memref<1x80x1xf32, #tpu.memory_space<vmem>>, vector<1x80x1xf32>
      %swap3A_60 = vector.shape_cast %swap3A_59 : vector<1x80x1xf32> to vector<80x1xf32>
      %swap3A_61 = vector.shape_cast %select_n3A : vector<80x1xf32> to vector<1x80x1xf32>
      tpu.vector_store %arg7[%swap3A_56, %swap3A_57, %swap3A_58], %swap3A_61 {strides = array<i32>} : memref<1x80x1xf32, #tpu.memory_space<vmem>>, vector<1x80x1xf32>,
    } else {
    }
    return
  }
  func.func @transform_0(%arg0: i32, %arg1: i32) -> (i32, i32) {
    %c0_i32 = arith.constant 0 : i32
    return %arg0, %arg1 : i32, i32
  }
  func.func @transform_1(%arg0: i32, %arg1: i32) -> (i32, i32, i32) {
    %c0_i32 = arith.constant 0 : i32
    %c0_i32_0 = arith.constant 0 : i32
    return %arg0, %arg1, %c0_i32 : i32, i32, i32
  }
  func.func @transform_2(%arg0: i32, %arg1: i32) -> (i32, i32, i32) {
    %c0_i32 = arith.constant 0 : i32
    %c0_i32_0 = arith.constant 0 : i32
    %c0_i32_1 = arith.constant 0 : i32
    return %arg0, %c0_i32, %c0_i32_0 : i32, i32, i32
  }
  func.func @transform_3(%arg0: i32, %arg1: i32) -> (i32, i32, i32) {
    %c0_i32 = arith.constant 0 : i32
    %c0_i32_0 = arith.constant 0 : i32
    return %arg0, %arg1, %c0_i32 : i32, i32, i32
  }
  func.func @transform_4(%arg0: i32, %arg1: i32) -> (i32, i32, i32) {
    %c0_i32 = arith.constant 0 : i32
    %c0_i32_0 = arith.constant 0 : i32
    %c0_i32_1 = arith.constant 0 : i32
    return %arg0, %c0_i32, %c0_i32_0 : i32, i32, i32
  }
  func.func @transform_5(%arg0: i32, %arg1: i32) -> (i32, i32, i32) {
    %c0_i32 = arith.constant 0 : i32
    %c0_i32_0 = arith.constant 0 : i32
    %c0_i32_1 = arith.constant 0 : i32
    return %arg0, %c0_i32, %c0_i32_0 : i32, i32, i32
  }
}

module attributes {stable_mosaic.version = 14 : i64} {
  func.func @_combine_body(%arg0: memref<64x80xf32, #tpu.memory_space<vmem>>, %arg1: memref<2048x1xi32, #tpu.memory_space<vmem>>, %arg2: memref<2048x1xi32, #tpu.memory_space<vmem>>, %arg3: memref<2048x1xi32, #tpu.memory_space<vmem>>, %arg4: memref<2048x1xi32, #tpu.memory_space<vmem>>, %arg5: memref<2048x1xf32, #tpu.memory_space<vmem>>, %arg6: memref<2048x1xf32, #tpu.memory_space<vmem>>, %arg7: memref<2048x1xf32, #tpu.memory_space<vmem>>, %arg8: memref<2048x1xf32, #tpu.memory_space<vmem>>, %arg9: memref<2048x1xf32, #tpu.memory_space<vmem>>) attributes {dimension_semantics = [], scalar_prefetch = 0 : i64, scratch_operands = 0 : i64, tpu.core_type = #tpu.core_type<tc>} {
    %get3A = arith.constant 0 : index
    %get3A_0 = arith.constant 0 : index
    %get3A_1 = vector.load %arg0[%get3A, %get3A_0] : memref<64x80xf32, #tpu.memory_space<vmem>>, vector<64x80xf32>
    %iota3A = tpu.iota {dimensions = array<i32: 1>} : vector<2048x64xi32>
    %iota3A_2 = tpu.iota {dimensions = array<i32: 1>} : vector<2048x80xi32>
    %get3A_3 = arith.constant 0 : index
    %get3A_4 = arith.constant 0 : index
    %get3A_5 = vector.load %arg1[%get3A_3, %get3A_4] : memref<2048x1xi32, #tpu.memory_space<vmem>>, vector<2048x1xi32>
    %eq3A = vector.broadcast %get3A_5 : vector<2048x1xi32> to vector<2048x64xi32>
    %eq3A_6 = arith.cmpi eq, %iota3A, %eq3A : vector<2048x64xi32>
    %convert_element_type3A = arith.extui %eq3A_6 : vector<2048x64xi1> to vector<2048x64xi32>
    %convert_element_type3A_7 = arith.sitofp %convert_element_type3A : vector<2048x64xi32> to vector<2048x64xf32>
    %dot_general3A = arith.constant dense<0.000000e+00> : vector<2048x80xf32>
    %dot_general3A_8 = tpu.matmul %convert_element_type3A_7, %get3A_1, %dot_general3A {dimension_numbers = #tpu.dot_dimension_numbers<[1], [0], [0], [1], [0, 0, 1, 1], [], []>, precision = #tpu.contract_precision<fp32>, transpose_lhs_hint = false} : vector<2048x64xf32>, vector<64x80xf32>, vector<2048x80xf32> -> vector<2048x80xf32>
    %get3A_9 = arith.constant 0 : index
    %get3A_10 = arith.constant 0 : index
    %get3A_11 = vector.load %arg3[%get3A_9, %get3A_10] : memref<2048x1xi32, #tpu.memory_space<vmem>>, vector<2048x1xi32>
    %eq3A_12 = vector.broadcast %get3A_11 : vector<2048x1xi32> to vector<2048x80xi32>
    %eq3A_13 = arith.cmpi eq, %iota3A_2, %eq3A_12 : vector<2048x80xi32>
    %convert_element_type3A_14 = arith.extui %eq3A_13 : vector<2048x80xi1> to vector<2048x80xi32>
    %convert_element_type3A_15 = arith.sitofp %convert_element_type3A_14 : vector<2048x80xi32> to vector<2048x80xf32>
    %mul3A = arith.mulf %dot_general3A_8, %convert_element_type3A_15 : vector<2048x80xf32>
    %reduce_sum3A = arith.constant dense<0.000000e+00> : vector<2048xf32>
    %reduce_sum3A_16 = vector.multi_reduction <add>, %mul3A, %reduce_sum3A [1] : vector<2048x80xf32> to vector<2048xf32>
    %broadcast_in_dim3A = vector.shape_cast %reduce_sum3A_16 : vector<2048xf32> to vector<2048x1xf32>
    %get3A_17 = arith.constant 0 : index
    %get3A_18 = arith.constant 0 : index
    %get3A_19 = vector.load %arg7[%get3A_17, %get3A_18] : memref<2048x1xf32, #tpu.memory_space<vmem>>, vector<2048x1xf32>
    %gt3A = arith.constant 5.000000e-01 : f32
    %gt3A_20 = vector.broadcast %gt3A : f32 to vector<2048x1xf32>
    %gt3A_21 = arith.cmpf ogt, %get3A_19, %gt3A_20 : vector<2048x1xf32>
    %jit3A = arith.constant 0.000000e+00 : f32
    %broadcast_in_dim3A_22 = vector.broadcast %jit3A : f32 to vector<2048x1xf32>
    %select_n3A = arith.select %gt3A_21, %broadcast_in_dim3A, %broadcast_in_dim3A_22 : vector<2048x1xi1>, vector<2048x1xf32>
    %get3A_23 = arith.constant 0 : index
    %get3A_24 = arith.constant 0 : index
    %get3A_25 = vector.load %arg2[%get3A_23, %get3A_24] : memref<2048x1xi32, #tpu.memory_space<vmem>>, vector<2048x1xi32>
    %eq3A_26 = vector.broadcast %get3A_25 : vector<2048x1xi32> to vector<2048x64xi32>
    %eq3A_27 = arith.cmpi eq, %iota3A, %eq3A_26 : vector<2048x64xi32>
    %convert_element_type3A_28 = arith.extui %eq3A_27 : vector<2048x64xi1> to vector<2048x64xi32>
    %convert_element_type3A_29 = arith.sitofp %convert_element_type3A_28 : vector<2048x64xi32> to vector<2048x64xf32>
    %dot_general3A_30 = arith.constant dense<0.000000e+00> : vector<2048x80xf32>
    %dot_general3A_31 = tpu.matmul %convert_element_type3A_29, %get3A_1, %dot_general3A_30 {dimension_numbers = #tpu.dot_dimension_numbers<[1], [0], [0], [1], [0, 0, 1, 1], [], []>, precision = #tpu.contract_precision<fp32>, transpose_lhs_hint = false} : vector<2048x64xf32>, vector<64x80xf32>, vector<2048x80xf32> -> vector<2048x80xf32>
    %get3A_32 = arith.constant 0 : index
    %get3A_33 = arith.constant 0 : index
    %get3A_34 = vector.load %arg4[%get3A_32, %get3A_33] : memref<2048x1xi32, #tpu.memory_space<vmem>>, vector<2048x1xi32>
    %eq3A_35 = vector.broadcast %get3A_34 : vector<2048x1xi32> to vector<2048x80xi32>
    %eq3A_36 = arith.cmpi eq, %iota3A_2, %eq3A_35 : vector<2048x80xi32>
    %convert_element_type3A_37 = arith.extui %eq3A_36 : vector<2048x80xi1> to vector<2048x80xi32>
    %convert_element_type3A_38 = arith.sitofp %convert_element_type3A_37 : vector<2048x80xi32> to vector<2048x80xf32>
    %mul3A_39 = arith.mulf %dot_general3A_31, %convert_element_type3A_38 : vector<2048x80xf32>
    %reduce_sum3A_40 = arith.constant dense<0.000000e+00> : vector<2048xf32>
    %reduce_sum3A_41 = vector.multi_reduction <add>, %mul3A_39, %reduce_sum3A_40 [1] : vector<2048x80xf32> to vector<2048xf32>
    %broadcast_in_dim3A_42 = vector.shape_cast %reduce_sum3A_41 : vector<2048xf32> to vector<2048x1xf32>
    %get3A_43 = arith.constant 0 : index
    %get3A_44 = arith.constant 0 : index
    %get3A_45 = vector.load %arg8[%get3A_43, %get3A_44] : memref<2048x1xf32, #tpu.memory_space<vmem>>, vector<2048x1xf32>
    %gt3A_46 = arith.constant 5.000000e-01 : f32
    %gt3A_47 = vector.broadcast %gt3A_46 : f32 to vector<2048x1xf32>
    %gt3A_48 = arith.cmpf ogt, %get3A_45, %gt3A_47 : vector<2048x1xf32>
    %jit3A_49 = arith.constant 0.000000e+00 : f32
    %broadcast_in_dim3A_50 = vector.broadcast %jit3A_49 : f32 to vector<2048x1xf32>
    %select_n3A_51 = arith.select %gt3A_48, %broadcast_in_dim3A_42, %broadcast_in_dim3A_50 : vector<2048x1xi1>, vector<2048x1xf32>
    %get3A_52 = arith.constant 0 : index
    %get3A_53 = arith.constant 0 : index
    %get3A_54 = vector.load %arg5[%get3A_52, %get3A_53] : memref<2048x1xf32, #tpu.memory_space<vmem>>, vector<2048x1xf32>
    %mul3A_55 = arith.mulf %get3A_54, %select_n3A : vector<2048x1xf32>
    %get3A_56 = arith.constant 0 : index
    %get3A_57 = arith.constant 0 : index
    %get3A_58 = vector.load %arg6[%get3A_56, %get3A_57] : memref<2048x1xf32, #tpu.memory_space<vmem>>, vector<2048x1xf32>
    %mul3A_59 = arith.mulf %get3A_58, %select_n3A_51 : vector<2048x1xf32>
    %add3A = arith.addf %mul3A_55, %mul3A_59 : vector<2048x1xf32>
    %reduce_max3A = arith.constant dense<0xFF800000> : vector<1xf32>
    %reduce_max3A_60 = vector.multi_reduction <maximumf>, %add3A, %reduce_max3A [0] : vector<2048x1xf32> to vector<1xf32>
    %broadcast_in_dim3A_61 = vector.shape_cast %reduce_max3A_60 : vector<1xf32> to vector<1x1xf32>
    %sub3A = vector.broadcast %broadcast_in_dim3A_61 : vector<1x1xf32> to vector<2048x1xf32>
    %sub3A_62 = arith.subf %add3A, %sub3A : vector<2048x1xf32>
    %exp3A = math.exp %sub3A_62 : vector<2048x1xf32>
    %reduce_sum3A_63 = arith.constant dense<0.000000e+00> : vector<1xf32>
    %reduce_sum3A_64 = vector.multi_reduction <add>, %exp3A, %reduce_sum3A_63 [0] : vector<2048x1xf32> to vector<1xf32>
    %broadcast_in_dim3A_65 = vector.shape_cast %reduce_sum3A_64 : vector<1xf32> to vector<1x1xf32>
    %log3A = math.log %broadcast_in_dim3A_65 : vector<1x1xf32>
    %sub3A_66 = vector.broadcast %log3A : vector<1x1xf32> to vector<2048x1xf32>
    %sub3A_67 = arith.subf %sub3A_62, %sub3A_66 : vector<2048x1xf32>
    %swap3A = arith.constant 0 : index
    %swap3A_68 = arith.constant 0 : index
    %swap3A_69 = vector.load %arg9[%swap3A, %swap3A_68] : memref<2048x1xf32, #tpu.memory_space<vmem>>, vector<2048x1xf32>
    tpu.vector_store %arg9[%swap3A, %swap3A_68], %sub3A_67 {strides = array<i32>} : memref<2048x1xf32, #tpu.memory_space<vmem>>, vector<2048x1xf32>,
    return
  }
}

</mosaic_0001>

<sc_bundles>
// kernel: kernel.6.cloned.1.call-start
scs
__scs_entry_jumppad:
0x0: {  	(pc) =	sbr.rel $0x88, $3  }
0x1: {  	(tag) =	ssettag $0x0;
	lr =	simm.s32 $0x1  }
0x2: {  	[smem:$0x3F9A] =	sst lr;
	_ =	strace $0xD0000000  }
0x3: {  	_ = 	snop  }
0x4: {  	_ = 	snop  }
0x5: {  	_ = 	snop  }
0x6: {  	_ = 	snop  }
0x7: {  	_ = 	snop  }
__scs_overlays_trampoline_lowered:
0x8: {  	[smem:$0x3FA9] =	sst s0  }
0x9: {  	[smem:$0x3FAA] =	sst s1  }
0xa: {  	[smem:$0x3FAB] =	sst s2  }
0xb: {  	[smem:$0x3FAC] =	sst s3  }
0xc: {  	[smem:$0x3FAD] =	sst s4  }
0xd: {  	[smem:$0x3FAE] =	sst s5  }
0xe: {  	[smem:$0x3FAF] =	sst s6  }
0xf: {  	[smem:$0x3FB0] =	sst s7  }
0x10: {  	[smem:$0x3FB1] =	sst s8  }
0x11: {  	[smem:$0x3FB2] =	sst s9;
	s0 =	simm.s32 @!p0 $0x0  }
0x12: {  	s1 =	sld [smem:$0x3F98];
	s0 =	simm.s32 @p0 $0x1  }
0x13: {  	[smem:$0x3FB3] =	sst s0;
	s0 =	simm.s32 @!p1 $0x0  }
0x14: {  	s2 =	sld [smem:$0x3F97];
	s0 =	simm.s32 @p1 $0x1  }
0x15: {  	[smem:$0x3FB4] =	sst s0;
	s0 =	simm.s32 @!p2 $0x0  }
0x16: {  	s3 =	sld [smem:$0x3FDB];
	s0 =	simm.s32 @p2 $0x1  }
0x17: {  	s4 =	simm.s32 $0x1BF5;
	[smem:$0x3FB6] =	sst s0  }
0x18: {  	s0 =	sld [smem:$0x3F99];
	_ =	swait.ge [sflag:s4], $0x0  }
0x19: {  	s7 =	sld [smem:$0x3F9A]  }
0x1a: {  	s8 =	sadd.s32 $0xFFFFE003, lr  }
0x1b: {  	s9 =	sadd.s32 $0xFFFFFEF7, lr;
	s5 =	simm.s32 $0xFFFFFFFF;
	p2 =	slt.u32 s8, $0xFFFFF086  }
0x1c: {  	p1 =	slt.u32 s9, $0xF7A;
	s5 =	simm.s32 @!p2 $0x0  }
0x1d: {  	s5 =	simm.s32 @p1 $0x1;
	p0 =	seq.s32 s7, s2  }
0x1e: {  	s7 =	smul.u32 @!p0 $0xF7A, s2;
	p2 =	seq.s32 @!p0 s5, $0x0  }
0x1f: {  	s9 =	smul.u32 $0xF7A, s1;
	s8 =	simm.s32 @!p0 $0x1BF5;
	p2 =	por !p2, p0  }
0x20: {  	[sflag:s8] =	ssyncset.s32 @!p0 $0xFFFFF086;
	s6 =	sadd.s32 @!p0 s3, s7;
	s7 =	simm.s32 @!p0 $0x108  }
0x21: {  	s3 =	sadd.s32 s3, s9;
	s6 =	sadd.s32 @!p0 $0x88, s6;
	s7 =	simm.s32 @p2 $0x1082  }
0x22: {  	[simem:s7], [sflag:s8] =	dma.local @!p0 [hbm:s6], $0xF7A  }
0x23: {  	s9 =	sor.u32 $0xD0000000, s2;
	s6 =	simm.s32 $0x108;
	_ =	swait.ge @!p0 [sflag:s8], $0x0  }
0x24: {  	s3 =	sadd.s32 $0x88, s3;
	s6 =	simm.s32 @!p1 $0x1082;
	[sflag:s4] =	ssyncset.s32 $0xFFFFF086  }
0x25: {  	[simem:s6], [sflag:s4] =	dma.local [hbm:s3], $0xF7A  }
0x26: {  	[smem:$0x3F9A] =	sst s1;
	(tag) =	ssettag s2;
	_ =	strace s9  }
0x27: {  	s1 =	sld [smem:$0x3FAA]  }
0x28: {  	s2 =	sld [smem:$0x3FAB]  }
0x29: {  	s4 =	sld [smem:$0x3FAD]  }
0x2a: {  	p0 =	seq.s32 s5, $0x0;
	s5 =	sld [smem:$0x3FAE]  }
0x2b: {  	s6 =	sld [smem:$0x3FAF]  }
0x2c: {  	s7 =	sld [smem:$0x3FB0]  }
0x2d: {  	s3 =	simm.s32 $0x108;
	s8 =	sld [smem:$0x3FB1]  }
0x2e: {  	s3 =	simm.s32 @!p0 $0x1082;
	s9 =	sld [smem:$0x3FB2]  }
0x2f: {  	lr =	sadd.s32 s0, s3;
	s0 =	sld [smem:$0x3FA9]  }
0x30: {  	s3 =	sld [smem:$0x3FAC]  }
0x31: {  	[smem:$0x3FB5] =	sst s10  }
0x32: {  	s10 =	sld [smem:$0x3FB3];
	_ =	sdelay $0x3  }
0x33: {  	p0 =	seq.s32 s10, $0x1;
	s10 =	sld [smem:$0x3FB5];
	_ =	sdelay $0x3  }
0x34: {  	[smem:$0x3FB5] =	sst s10  }
0x35: {  	s10 =	sld [smem:$0x3FB4];
	_ =	sdelay $0x3  }
0x36: {  	p1 =	seq.s32 s10, $0x1;
	s10 =	sld [smem:$0x3FB5];
	_ =	sdelay $0x3  }
0x37: {  	[smem:$0x3FB5] =	sst s10  }
0x38: {  	s10 =	sld [smem:$0x3FB6]  }
0x39: {  	_ = 	snop;
	(pc) =	sbr.ind lr, $3  }
0x3a: {  	_ = 	snop  }
0x3b: {  	_ = 	snop  }
0x3c: {  	p2 =	seq.s32 s10, $0x1;
	s10 =	sld [smem:$0x3FB5]  }
0x3d: {  	_ =	shalt  }
0x3e: {  	_ =	shalt  }
0x3f: {  	_ =	shalt  }
0x40: {  	_ =	shalt  }
0x41: {  	_ =	shalt  }
0x42: {  	_ =	shalt  }
0x43: {  	_ =	shalt  }
0x44: {  	_ =	shalt  }
0x45: {  	_ =	shalt  }
0x46: {  	_ =	shalt  }
0x47: {  	_ =	shalt  }
0x48: {  	_ =	shalt  }
0x49: {  	_ =	shalt  }
0x4a: {  	_ =	shalt  }
0x4b: {  	_ =	shalt  }
0x4c: {  	_ =	shalt  }
0x4d: {  	_ =	shalt  }
0x4e: {  	_ =	shalt  }
0x4f: {  	_ =	shalt  }
0x50: {  	_ =	shalt  }
0x51: {  	_ =	shalt  }
0x52: {  	_ =	shalt  }
0x53: {  	_ =	shalt  }
0x54: {  	_ =	shalt  }
0x55: {  	_ =	shalt  }
0x56: {  	_ =	shalt  }
0x57: {  	_ =	shalt  }
0x58: {  	_ =	shalt  }
0x59: {  	_ =	shalt  }
0x5a: {  	_ =	shalt  }
0x5b: {  	_ =	shalt  }
0x5c: {  	_ =	shalt  }
0x5d: {  	_ =	shalt  }
0x5e: {  	_ =	shalt  }
0x5f: {  	_ =	shalt  }
0x60: {  	_ =	shalt  }
0x61: {  	_ =	shalt  }
0x62: {  	_ =	shalt  }
0x63: {  	_ =	shalt  }
0x64: {  	_ =	shalt  }
0x65: {  	_ =	shalt  }
0x66: {  	_ =	shalt  }
0x67: {  	_ =	shalt  }
0x68: {  	_ =	shalt  }
0x69: {  	_ =	shalt  }
0x6a: {  	_ =	shalt  }
0x6b: {  	_ =	shalt  }
0x6c: {  	_ =	shalt  }
0x6d: {  	_ =	shalt  }
0x6e: {  	_ =	shalt  }
0x6f: {  	_ =	shalt  }
0x70: {  	_ =	shalt  }
0x71: {  	_ =	shalt  }
0x72: {  	_ =	shalt  }
0x73: {  	_ =	shalt  }
0x74: {  	_ =	shalt  }
0x75: {  	_ =	shalt  }
0x76: {  	_ =	shalt  }
0x77: {  	_ =	shalt  }
0x78: {  	_ =	shalt  }
0x79: {  	_ =	shalt  }
0x7a: {  	_ =	shalt  }
0x7b: {  	_ =	shalt  }
0x7c: {  	_ =	shalt  }
0x7d: {  	_ =	shalt  }
0x7e: {  	_ =	shalt  }
0x7f: {  	_ =	shalt  }
0x80: {  	_ =	shalt  }
0x81: {  	_ =	shalt  }
0x82: {  	_ =	shalt  }
0x83: {  	_ =	shalt  }
0x84: {  	_ =	shalt  }
0x85: {  	_ =	shalt  }
0x86: {  	_ =	shalt  }
0x87: {  	_ =	shalt  }
.Lfunc_end0:
.L_simem_size_0:
called_computation_lowered:
.L_overlay_start_0:
0x88: {  	s2 =	sld [smem:$0x3FD9]  }
0x89: {  	s3 =	sld [smem:$0x3FFE];
	_ =	sdelay $0x1  }
0x8a: {  	s1 =	srdreg.scid  }
0x8b: {  	s0 =	sand.u32 $0x1, s1  }
0x8c: {  	s17 =	sshll.u32 s0, $0xA;
	s2 =	sadd.s32 s3, s2  }
0x8d: {  	s2 =	sadd.s32 s2, s17  }
0x8e: {  	[smem:$0x3FC1] =	sst s2  }
0x8f: {  	_ = 	snop  }
0x90: {  	s2 =	sld [smem:$0x3FC9]  }
0x91: {  	s18 =	sld [smem:$0x3FD0];
	(tm) =	ssettm $0x1  }
0x92: {  	s4 =	sld [smem:$0x3FFB];
	_ =	sdelay $0x3  }
0x93: {  	_ =	strace s4  }
0x94: {  	s4 =	sld [smem:$0x3FFC];
	_ =	sdelay $0x3  }
0x95: {  	_ =	strace s4  }
0x96: {  	s4 =	sld [smem:$0x3FFD];
	_ =	sdelay $0x3  }
0x97: {  	_ =	strace s4  }
0x98: {  	_ =	strace $0x8FFFFFFF  }
0x99: {  	s19 =	sld [smem:$0x3FDB];
	_ =	sdelay $0x1  }
0x9a: {  	s5 =	simm.s32 $_scs_section_size  }
0x9b: {  	s6 =	simm.s32 $_size__tile_overlayer_lowered;
	s7 =	simm.s32 $_tile_overlayer_lowered  }
0x9c: {  	s22 =	simm.s32 $0x1BFF;
	s21 =	sshll.u32 s7, $0x1;
	s4 =	sadd.s32 s5, s19  }
0x9d: {  	s8 =	simm.s32 $0x0;
	s20 =	sshll.u32 s6, $0x1;
	s6 =	sadd.s32 s21, s4  }
0x9e: {  	[timem:s8], [sflag:s22] =	dma.local [hbm:s6], s20  }
0x9f: {  	_ =	swait.ge [sflag:s22], s20  }
0xa0: {  	s5 =	ssub.s32 $0x0, s20;
	[sflag:s22] =	ssyncset.done $0x0  }
0xa1: {  	[sflag:s22] =	ssyncadd.s32 s5;
	_ =	sdelay $0x1  }
0xa2: {  	s23 =	simm.s32 $0x1B8B  }
0xa3: {  	_ =	swait.ge [sflag:s23], $0x1  }
0xa4: {  	[sflag:s23] =	ssyncset.done $0x0  }
0xa5: {  	s25 =	simm.s32 $0x1B8E;
	s24 =	sld [smem:$0x3FFE];
	[sflag:s23] =	ssyncadd.s32 $0xFFFFFFFF  }
0xa6: {  	s26 =	simm.s32 $execute0_lowered;
	[smem:$0x3FD2] =	sst s25  }
0xa7: {  	s6 =	sshll.u32 s26, $0x1;
	_ =	strace $0x80000046;
	[dreg:$0x1] =	wrdreg $0xFFFFFFFF  }
0xa8: {  	s28 =	simm.s32 $_size_execute0_lowered;
	s4 =	sadd.s32 s4, s6;
	[dreg:$0x0] =	wrdreg $0x0  }
0xa9: {  	s6 =	sshll.u32 s28, $0x1;
	[dreg:$0x2] =	wrdreg s4  }
0xaa: {  	[dreg:$0x3] =	wrdreg s6  }
0xab: {  	[dreg:$0x4] =	wrdreg $0xC0  }
0xac: {  	_ =	task [dreg:s8], $0x5FFFF  }
0xad: {  	[dreg:$0x1] =	wrdreg $0xFFFFFFFF  }
0xae: {  	[dreg:$0x0] =	wrdreg $0x60  }
0xaf: {  	[dreg:$0x2] =	wrdreg s2  }
0xb0: {  	[dreg:$0x3] =	wrdreg s18  }
0xb1: {  	[dreg:$0x4] =	wrdreg s24  }
0xb2: {  	[dreg:$0x5] =	wrdreg $0x9  }
0xb3: {  	_ =	task.clear_ibuf [dreg:s8], $0x6FFFF;
	_ =	strace $0x90000046  }
0xb4: {  	s29 =	simm.s32 $0x9;
	_ =	strace $0x80000048  }
0xb5: {  	_ =	swait.ge [sflag:s29], $0x1  }
0xb6: {  	[sflag:s29] =	ssyncadd.s32 $0xFFFFFFFF  }
0xb7: {  	_ =	strace $0x90000048  }
0xb8: {  	_ =	sfence  }
0xb9: {  	s30 =	sld [smem:$0x0];
	_ =	sdelay $0x2  }
0xba: {  	s31 =	sshll.u32 s1, $0xD;
	s1 =	sshrl.u32 s1, $0x2  }
0xbb: {  	s3 =	sand.u32 $0x4000, s31;
	s1 =	sadd.s32 s1, s30  }
0xbc: {  	s0 =	sor.u32 s3, s0;
	s1 =	sshll.u32 s1, $0x11  }
0xbd: {  	s0 =	sor.u32 s1, s0  }
0xbe: {  	s0 =	sadd.s32 $0x8F2B, s0  }
0xbf: {  	[sflag:s0] =	ssyncadd.remote.s32 $0x1  }
0xc0: {  	_ =	sfence.sel $0xFFFF  }
0xc1: {  	[dreg:$0x0] =	wrdreg $0xFFFFFFFF;
	(pc) =	sbr.abs _section_cstart, $3  }
0xc2: {  	[dreg:$0x1] =	wrdreg $0xFFFFFFFF  }
0xc3: {  	_ =	task.clear_ibuf [dreg:s8], $0x2FFFF;
	_ =	strace $0x9FFFFFFF  }
0xc4: {  	(tm) =	ssettm $0x7FFFFFFF  }
0xc5: {  	_ =	shalt  }
tec
execute0_lowered:
.L_overlay_start_1:
0x0: {  	(tag) =	ssettag $0x1  }
0x1: {  	s0 =	rddreg [dreg:$0x0];
	s1 =	srdreg.scid  }
0x2: {  	s4 =	rddreg [dreg:$0x1];
	s2 =	stileid.u32  }
0x3: {  	s5 =	rddreg [dreg:$0x2];
	s26 =	simm.s32 $0x80;
	s9 =	simm.s32 $0x1  }
0x4: {  	s10 =	simm.s32 $0x100;
	s13 =	simm.s32 $0x1900;
	s14 =	simm.s32 $0x2100  }
0x5: {  	s15 =	simm.s32 $0x2900;
	s16 =	simm.s32 $0x3100;
	s17 =	simm.s32 $0x3900  }
0x6: {  	s18 =	simm.s32 $0x4100;
	s19 =	simm.s32 $0x4900;
	s20 =	simm.s32 $0x5100  }
0x7: {  	s21 =	simm.s32 $0x5900;
	s22 =	simm.s32 $0x6100;
	s28 =	simm.s32 $0x8900  }
0x8: {  	s29 =	simm.s32 $0x9100;
	s30 =	simm.s32 $0x9900;
	s31 =	simm.s32 $0xA100  }
0x9: {  	s1 =	sand.u32 $0x1, s1;
	s3 =	sshll.u32 s2, $0x4;
	s2 =	simm.s32 $0x0  }
0xa: {  	s6 =	sshll.u32 s1, $0x3;
	[smem:$0x7FF] =	sst s2;
	s1 =	ssub.s32 $0x2, s1  }
0xb: {  	s6 =	sor.u32 s6, s3;
	_ =	strace $0x80000047;
	s3 =	sadd.s32 $0x41C00, s5  }
0xc: {  	s23 =	sshrl.u32 s1, $0x1;
	[dreg:$0x7] =	wrdreg s26;
	s26 =	simm.s32 $0x8100  }
0xd: {  	s7 =	smul.u32 $0x300, s6;
	s8 =	sadd.s32 s6, s5;
	s24 =	sadd.s32 s4, s6  }
0xe: {  	s1 =	ssub.s32 s1, s23;
	s4 =	sadd.s32 $0x41D00, s5;
	s5 =	sadd.s32 $0x41E00, s5  }
0xf: {  	s23 =	simm.s32 $0x6900;
	[dreg:$0x5] =	wrdreg s24;
	s25 =	sadd.s32 $0x41A00, s8  }
0x10: {  	v2 =	vlaneseq.u32;
	s6 =	smax.u32 s1, $0x1;
	s8 =	simm.s32 $0x3;
	s24 =	simm.s32 $0x7100  }
0x11: {  	vm0 =	vmmov $0xffff;
	v1 =	vshrl.u32 v2, $0x3;
	s1 =	simm.s32 $0xA900;
	s0 =	sadd.s32 s0, s7;
	[dreg:$0x6] =	wrdreg s25  }
0x12: {  	v0 =	vand.u32 $0x7, v2;
	v2 =	vor.u32 $0x8, v2;
	v1 =	vmul.u32 $0x8, v1;
	s25 =	simm.s32 $0x7900;
	s7 =	simm.s32 $0xB900;
	[dreg:$0x4] =	wrdreg s0  }
.LBB2_1:
0x13: {  	s11 =	rddreg [dreg:$0x4]  }
0x14: {  	[tilespmem:s10], [sflag:$0x1] =	stream.linear.gather [hbm4b:s11+s2], $0xC000, $0x38;
	[tilespmem:$0xC100] =	vst v63  }
0x15: {  	s12 =	rddreg [dreg:$0x5]  }
0x16: {  	[tilespmem:s2], [sflag:$0x3] =	stream.linear.gather [hbm4b:s12+s2], $0x40, $0x38;
	[tilespmem:$0xC100] =	vst v63  }
0x17: {  	_ =	swait.ge [sflag:s8], $0x40  }
0x18: {  	s12 =	rddreg [dreg:$0x6];
	[sflag:s8] =	ssyncset.done $0x0  }
0x19: {  	s0 =	rddreg [dreg:$0x7];
	[sflag:s8] =	ssyncadd.s32 $0xFFFFFFC0  }
0x1a: {  	[tilespmem:s0], [sflag:$0x3] =	stream.linear.gather [hbm4b:s12+s2], $0x40, $0x38;
	[tilespmem:$0xC100] =	vst v63  }
0x1b: {  	_ =	swait.ge [sflag:s8], $0x40  }
0x1c: {  	[sflag:s8] =	ssyncset.done $0x0  }
0x1d: {  	[sflag:s8] =	ssyncadd.s32 $0xFFFFFFC0  }
0x1e: {  	_ =	swait.ge [sflag:s9], $0xC000  }
0x1f: {  	[sflag:s9] =	ssyncset.done $0x0  }
0x20: {  	[sflag:s9] =	ssyncadd.s32 $0xFFFF4000  }
0x21: {  	v3 =	vld [tilespmem:$0x0];
	_ =	sdelay $0x4  }
0x22: {  	v4 =	vshrl.u32 v3, $0x3  }
0x23: {  	v4 =	vmul.u32 $0x30, v4  }
0x24: {  	v3 =	vand.u32 $0x7, v3  }
0x25: {  	v3 =	vor.u32 v3, v4  }
0x26: {  	v4 =	vperm.xlane v3, v0;
	_ =	sdelay $0x1  }
0x27: {  	v4 =	vadd.s32 v1, v4;
	_ =	sdelay $0x3  }
0x28: {  	v3 =	vperm.xlane v3, v2  }
0x29: {  	[hbm4b:s3+s2] =	stream.indirect_vreg.scatter [tilespmem:s10], [sflag:$0x1], $0x80, v4, vm0, $0xb8;
	[tilespmem:$0xC100] =	vst v63  }
0x2a: {  	s11 =	simm.s32 $0x900;
	v3 =	vadd.s32 v1, v3  }
0x2b: {  	[hbm4b:s4+s2] =	stream.indirect_vreg.scatter [tilespmem:s11], [sflag:$0x1], $0x80, v4, vm0, $0xb8;
	[tilespmem:$0xC100] =	vst v63  }
0x2c: {  	s12 =	simm.s32 $0x1100  }
0x2d: {  	[hbm4b:s5+s2] =	stream.indirect_vreg.scatter [tilespmem:s12], [sflag:$0x1], $0x80, v4, vm0, $0xb8;
	[tilespmem:$0xC100] =	vst v63  }
0x2e: {  	_ = 	snop  }
0x2f: {  	[hbm4b:s3+s2] =	stream.indirect_vreg.scatter [tilespmem:s13], [sflag:$0x1], $0x80, v3, vm0, $0xb8;
	[tilespmem:$0xC100] =	vst v63  }
0x30: {  	_ = 	snop  }
0x31: {  	[hbm4b:s4+s2] =	stream.indirect_vreg.scatter [tilespmem:s14], [sflag:$0x1], $0x80, v3, vm0, $0xb8;
	[tilespmem:$0xC100] =	vst v63  }
0x32: {  	_ = 	snop  }
0x33: {  	[hbm4b:s5+s2] =	stream.indirect_vreg.scatter [tilespmem:s15], [sflag:$0x1], $0x80, v3, vm0, $0xb8;
	[tilespmem:$0xC100] =	vst v63  }
0x34: {  	v3 =	vld [tilespmem:$0x10];
	_ =	sdelay $0x4  }
0x35: {  	v57 =	vshrl.u32 v3, $0x3  }
0x36: {  	v4 =	vmul.u32 $0x30, v57  }
0x37: {  	v3 =	vand.u32 $0x7, v3  }
0x38: {  	v3 =	vor.u32 v3, v4  }
0x39: {  	v4 =	vperm.xlane v3, v0;
	_ =	sdelay $0x1  }
0x3a: {  	v4 =	vadd.s32 v1, v4;
	_ =	sdelay $0x3  }
0x3b: {  	v3 =	vperm.xlane v3, v2  }
0x3c: {  	[hbm4b:s3+s2] =	stream.indirect_vreg.scatter [tilespmem:s16], [sflag:$0x1], $0x80, v4, vm0, $0xb8;
	[tilespmem:$0xC100] =	vst v63  }
0x3d: {  	v3 =	vadd.s32 v1, v3  }
0x3e: {  	[hbm4b:s4+s2] =	stream.indirect_vreg.scatter [tilespmem:s17], [sflag:$0x1], $0x80, v4, vm0, $0xb8;
	[tilespmem:$0xC100] =	vst v63  }
0x3f: {  	_ = 	snop  }
0x40: {  	[hbm4b:s5+s2] =	stream.indirect_vreg.scatter [tilespmem:s18], [sflag:$0x1], $0x80, v4, vm0, $0xb8;
	[tilespmem:$0xC100] =	vst v63  }
0x41: {  	_ = 	snop  }
0x42: {  	[hbm4b:s3+s2] =	stream.indirect_vreg.scatter [tilespmem:s19], [sflag:$0x1], $0x80, v3, vm0, $0xb8;
	[tilespmem:$0xC100] =	vst v63  }
0x43: {  	_ = 	snop  }
0x44: {  	[hbm4b:s4+s2] =	stream.indirect_vreg.scatter [tilespmem:s20], [sflag:$0x1], $0x80, v3, vm0, $0xb8;
	[tilespmem:$0xC100] =	vst v63  }
0x45: {  	_ = 	snop  }
0x46: {  	[hbm4b:s5+s2] =	stream.indirect_vreg.scatter [tilespmem:s21], [sflag:$0x1], $0x80, v3, vm0, $0xb8;
	[tilespmem:$0xC100] =	vst v63  }
0x47: {  	v3 =	vld [tilespmem:$0x20];
	_ =	sdelay $0x4  }
0x48: {  	v58 =	vshrl.u32 v3, $0x3  }
0x49: {  	v4 =	vmul.u32 $0x30, v58  }
0x4a: {  	v3 =	vand.u32 $0x7, v3  }
0x4b: {  	v3 =	vor.u32 v3, v4  }
0x4c: {  	v4 =	vperm.xlane v3, v0;
	_ =	sdelay $0x1  }
0x4d: {  	v4 =	vadd.s32 v1, v4;
	_ =	sdelay $0x3  }
0x4e: {  	v3 =	vperm.xlane v3, v2  }
0x4f: {  	[hbm4b:s3+s2] =	stream.indirect_vreg.scatter [tilespmem:s22], [sflag:$0x1], $0x80, v4, vm0, $0xb8;
	[tilespmem:$0xC100] =	vst v63  }
0x50: {  	v3 =	vadd.s32 v1, v3  }
0x51: {  	[hbm4b:s4+s2] =	stream.indirect_vreg.scatter [tilespmem:s23], [sflag:$0x1], $0x80, v4, vm0, $0xb8;
	[tilespmem:$0xC100] =	vst v63  }
0x52: {  	_ = 	snop  }
0x53: {  	[hbm4b:s5+s2] =	stream.indirect_vreg.scatter [tilespmem:s24], [sflag:$0x1], $0x80, v4, vm0, $0xb8;
	[tilespmem:$0xC100] =	vst v63  }
0x54: {  	_ = 	snop  }
0x55: {  	[hbm4b:s3+s2] =	stream.indirect_vreg.scatter [tilespmem:s25], [sflag:$0x1], $0x80, v3, vm0, $0xb8;
	[tilespmem:$0xC100] =	vst v63  }
0x56: {  	_ = 	snop  }
0x57: {  	[hbm4b:s4+s2] =	stream.indirect_vreg.scatter [tilespmem:s26], [sflag:$0x1], $0x80, v3, vm0, $0xb8;
	[tilespmem:$0xC100] =	vst v63  }
0x58: {  	_ = 	snop  }
0x59: {  	[hbm4b:s5+s2] =	stream.indirect_vreg.scatter [tilespmem:s28], [sflag:$0x1], $0x80, v3, vm0, $0xb8;
	[tilespmem:$0xC100] =	vst v63  }
0x5a: {  	v3 =	vld [tilespmem:$0x30];
	_ =	sdelay $0x4  }
0x5b: {  	v59 =	vshrl.u32 v3, $0x3  }
0x5c: {  	v4 =	vmul.u32 $0x30, v59  }
0x5d: {  	v3 =	vand.u32 $0x7, v3  }
0x5e: {  	v3 =	vor.u32 v3, v4  }
0x5f: {  	v4 =	vperm.xlane v3, v0;
	_ =	sdelay $0x1  }
0x60: {  	v4 =	vadd.s32 v1, v4;
	_ =	sdelay $0x3  }
0x61: {  	v3 =	vperm.xlane v3, v2  }
0x62: {  	[hbm4b:s3+s2] =	stream.indirect_vreg.scatter [tilespmem:s29], [sflag:$0x1], $0x80, v4, vm0, $0xb8;
	[tilespmem:$0xC100] =	vst v63  }
0x63: {  	v3 =	vadd.s32 v1, v3  }
0x64: {  	[hbm4b:s4+s2] =	stream.indirect_vreg.scatter [tilespmem:s30], [sflag:$0x1], $0x80, v4, vm0, $0xb8;
	[tilespmem:$0xC100] =	vst v63  }
0x65: {  	_ = 	snop  }
0x66: {  	[hbm4b:s5+s2] =	stream.indirect_vreg.scatter [tilespmem:s31], [sflag:$0x1], $0x80, v4, vm0, $0xb8;
	[tilespmem:$0xC100] =	vst v63  }
0x67: {  	_ = 	snop  }
0x68: {  	[hbm4b:s3+s2] =	stream.indirect_vreg.scatter [tilespmem:s1], [sflag:$0x1], $0x80, v3, vm0, $0xb8;
	[tilespmem:$0xC100] =	vst v63  }
0x69: {  	s0 =	simm.s32 $0xB100  }
0x6a: {  	[hbm4b:s4+s2] =	stream.indirect_vreg.scatter [tilespmem:s0], [sflag:$0x1], $0x80, v3, vm0, $0xb8;
	[tilespmem:$0xC100] =	vst v63  }
0x6b: {  	_ = 	snop  }
0x6c: {  	[hbm4b:s5+s2] =	stream.indirect_vreg.scatter [tilespmem:s7], [sflag:$0x1], $0x80, v3, vm0, $0xb8;
	[tilespmem:$0xC100] =	vst v63  }
0x6d: {  	v3 =	vld [tilespmem:$0x80];
	_ =	sdelay $0x4  }
0x6e: {  	v60 =	vshrl.u32 v3, $0x3  }
0x6f: {  	v4 =	vmul.u32 $0x30, v60  }
0x70: {  	v3 =	vand.u32 $0x7, v3  }
0x71: {  	v3 =	vor.u32 v3, v4  }
0x72: {  	v4 =	vperm.xlane v3, v0;
	_ =	sdelay $0x1  }
0x73: {  	v4 =	vadd.s32 v1, v4;
	_ =	sdelay $0x3  }
0x74: {  	v3 =	vperm.xlane v3, v2  }
0x75: {  	[hbm4b:s3+s2] =	stream.indirect_vreg.scatter [tilespmem:s10], [sflag:$0x2], $0x80, v4, vm0, $0xb8;
	[tilespmem:$0xC100] =	vst v63  }
0x76: {  	v3 =	vadd.s32 v1, v3  }
0x77: {  	[hbm4b:s4+s2] =	stream.indirect_vreg.scatter [tilespmem:s11], [sflag:$0x2], $0x80, v4, vm0, $0xb8;
	[tilespmem:$0xC100] =	vst v63  }
0x78: {  	_ = 	snop  }
0x79: {  	[hbm4b:s5+s2] =	stream.indirect_vreg.scatter [tilespmem:s12], [sflag:$0x2], $0x80, v4, vm0, $0xb8;
	[tilespmem:$0xC100] =	vst v63  }
0x7a: {  	_ = 	snop  }
0x7b: {  	[hbm4b:s3+s2] =	stream.indirect_vreg.scatter [tilespmem:s13], [sflag:$0x2], $0x80, v3, vm0, $0xb8;
	[tilespmem:$0xC100] =	vst v63  }
0x7c: {  	_ = 	snop  }
0x7d: {  	[hbm4b:s4+s2] =	stream.indirect_vreg.scatter [tilespmem:s14], [sflag:$0x2], $0x80, v3, vm0, $0xb8;
	[tilespmem:$0xC100] =	vst v63  }
0x7e: {  	_ = 	snop  }
0x7f: {  	[hbm4b:s5+s2] =	stream.indirect_vreg.scatter [tilespmem:s15], [sflag:$0x2], $0x80, v3, vm0, $0xb8;
	[tilespmem:$0xC100] =	vst v63  }
0x80: {  	v3 =	vld [tilespmem:$0x90];
	_ =	sdelay $0x4  }
0x81: {  	v61 =	vshrl.u32 v3, $0x3  }
0x82: {  	v4 =	vmul.u32 $0x30, v61  }
0x83: {  	v3 =	vand.u32 $0x7, v3  }
0x84: {  	v3 =	vor.u32 v3, v4  }
0x85: {  	v4 =	vperm.xlane v3, v0;
	_ =	sdelay $0x1  }
0x86: {  	v4 =	vadd.s32 v1, v4;
	_ =	sdelay $0x3  }
0x87: {  	v3 =	vperm.xlane v3, v2  }
0x88: {  	[hbm4b:s3+s2] =	stream.indirect_vreg.scatter [tilespmem:s16], [sflag:$0x2], $0x80, v4, vm0, $0xb8;
	[tilespmem:$0xC100] =	vst v63  }
0x89: {  	v3 =	vadd.s32 v1, v3  }
0x8a: {  	[hbm4b:s4+s2] =	stream.indirect_vreg.scatter [tilespmem:s17], [sflag:$0x2], $0x80, v4, vm0, $0xb8;
	[tilespmem:$0xC100] =	vst v63  }
0x8b: {  	_ = 	snop  }
0x8c: {  	[hbm4b:s5+s2] =	stream.indirect_vreg.scatter [tilespmem:s18], [sflag:$0x2], $0x80, v4, vm0, $0xb8;
	[tilespmem:$0xC100] =	vst v63  }
0x8d: {  	_ = 	snop  }
0x8e: {  	[hbm4b:s3+s2] =	stream.indirect_vreg.scatter [tilespmem:s19], [sflag:$0x2], $0x80, v3, vm0, $0xb8;
	[tilespmem:$0xC100] =	vst v63  }
0x8f: {  	_ = 	snop  }
0x90: {  	[hbm4b:s4+s2] =	stream.indirect_vreg.scatter [tilespmem:s20], [sflag:$0x2], $0x80, v3, vm0, $0xb8;
	[tilespmem:$0xC100] =	vst v63  }
0x91: {  	_ = 	snop  }
0x92: {  	[hbm4b:s5+s2] =	stream.indirect_vreg.scatter [tilespmem:s21], [sflag:$0x2], $0x80, v3, vm0, $0xb8;
	[tilespmem:$0xC100] =	vst v63  }
0x93: {  	v3 =	vld [tilespmem:$0xA0];
	_ =	sdelay $0x4  }
0x94: {  	v62 =	vshrl.u32 v3, $0x3  }
0x95: {  	v4 =	vmul.u32 $0x30, v62  }
0x96: {  	v3 =	vand.u32 $0x7, v3  }
0x97: {  	v3 =	vor.u32 v3, v4  }
0x98: {  	v4 =	vperm.xlane v3, v0;
	_ =	sdelay $0x1  }
0x99: {  	v4 =	vadd.s32 v1, v4;
	_ =	sdelay $0x3  }
0x9a: {  	v3 =	vperm.xlane v3, v2  }
0x9b: {  	[hbm4b:s3+s2] =	stream.indirect_vreg.scatter [tilespmem:s22], [sflag:$0x2], $0x80, v4, vm0, $0xb8;
	[tilespmem:$0xC100] =	vst v63  }
0x9c: {  	v3 =	vadd.s32 v1, v3  }
0x9d: {  	[hbm4b:s4+s2] =	stream.indirect_vreg.scatter [tilespmem:s23], [sflag:$0x2], $0x80, v4, vm0, $0xb8;
	[tilespmem:$0xC100] =	vst v63  }
0x9e: {  	_ = 	snop  }
0x9f: {  	[hbm4b:s5+s2] =	stream.indirect_vreg.scatter [tilespmem:s24], [sflag:$0x2], $0x80, v4, vm0, $0xb8;
	[tilespmem:$0xC100] =	vst v63  }
0xa0: {  	_ = 	snop  }
0xa1: {  	[hbm4b:s3+s2] =	stream.indirect_vreg.scatter [tilespmem:s25], [sflag:$0x2], $0x80, v3, vm0, $0xb8;
	[tilespmem:$0xC100] =	vst v63  }
0xa2: {  	_ = 	snop  }
0xa3: {  	[hbm4b:s4+s2] =	stream.indirect_vreg.scatter [tilespmem:s26], [sflag:$0x2], $0x80, v3, vm0, $0xb8;
	[tilespmem:$0xC100] =	vst v63  }
0xa4: {  	_ = 	snop  }
0xa5: {  	[hbm4b:s5+s2] =	stream.indirect_vreg.scatter [tilespmem:s28], [sflag:$0x2], $0x80, v3, vm0, $0xb8;
	[tilespmem:$0xC100] =	vst v63  }
0xa6: {  	v3 =	vld [tilespmem:$0xB0];
	_ =	sdelay $0x4  }
0xa7: {  	v63 =	vshrl.u32 v3, $0x3  }
0xa8: {  	v4 =	vmul.u32 $0x30, v63  }
0xa9: {  	v3 =	vand.u32 $0x7, v3  }
0xaa: {  	v3 =	vor.u32 v3, v4  }
0xab: {  	v4 =	vperm.xlane v3, v0;
	_ =	sdelay $0x1  }
0xac: {  	v4 =	vadd.s32 v1, v4;
	_ =	sdelay $0x3  }
0xad: {  	v3 =	vperm.xlane v3, v2  }
0xae: {  	[hbm4b:s3+s2] =	stream.indirect_vreg.scatter [tilespmem:s29], [sflag:$0x2], $0x80, v4, vm0, $0xb8;
	[tilespmem:$0xC100] =	vst v63  }
0xaf: {  	v3 =	vadd.s32 v1, v3  }
0xb0: {  	[hbm4b:s4+s2] =	stream.indirect_vreg.scatter [tilespmem:s30], [sflag:$0x2], $0x80, v4, vm0, $0xb8;
	[tilespmem:$0xC100] =	vst v63  }
0xb1: {  	_ = 	snop  }
0xb2: {  	[hbm4b:s5+s2] =	stream.indirect_vreg.scatter [tilespmem:s31], [sflag:$0x2], $0x80, v4, vm0, $0xb8;
	[tilespmem:$0xC100] =	vst v63  }
0xb3: {  	_ = 	snop  }
0xb4: {  	[hbm4b:s3+s2] =	stream.indirect_vreg.scatter [tilespmem:s1], [sflag:$0x2], $0x80, v3, vm0, $0xb8;
	[tilespmem:$0xC100] =	vst v63  }
0xb5: {  	_ = 	snop  }
0xb6: {  	[hbm4b:s4+s2] =	stream.indirect_vreg.scatter [tilespmem:s0], [sflag:$0x2], $0x80, v3, vm0, $0xb8;
	[tilespmem:$0xC100] =	vst v63  }
0xb7: {  	_ = 	snop  }
0xb8: {  	[hbm4b:s5+s2] =	stream.indirect_vreg.scatter [tilespmem:s7], [sflag:$0x2], $0x80, v3, vm0, $0xb8;
	[tilespmem:$0xC100] =	vst v63  }
0xb9: {  	p0 =	sne.s32 s6, $0x1;
	_ =	swait.ge [sflag:s9], $0xC000  }
.Ltmp0:
0xba: {  	[sflag:s9] =	ssyncset.done $0x0;
	(pc) =	sbr.rel @p0 .LBB2_1-.Ltmp0, $4  }
0xbb: {  	s12 =	simm.s32 $0x2;
	[sflag:s9] =	ssyncadd.s32 $0xFFFF4000  }
0xbc: {  	_ =	swait.ge [sflag:s12], $0xC000  }
0xbd: {  	[sflag:s12] =	ssyncset.done $0x0  }
0xbe: {  	s6 =	sadd.s32 $0xFFFFFFFF, s6;
	[sflag:s12] =	ssyncadd.s32 $0xFFFF4000  }
0xbf: {  	_ =	sfence.sel $0x180000  }
0xc0: {  	[bflag:$0x0] =	sbarrier.arrive $0xFFFF  }
0xc1: {  	_ =	strace $0x90000047  }
0xc2: {  	s0 =	stileid.u32;
	[bflag:$0x2] =	sbarrier.arrive $0xFFFF  }
0xc3: {  	p0 =	sne.s32 s0, $0x0;
	s0 =	rddreg [dreg:$0x3]  }
0xc4: {  	s0 =	sadd.s32 @!p0 $0x100000, s0  }
0xc5: {  	[sflag:s0] =	ssyncadd.tile.s32 @!p0 $0x1;
	_ =	shalt  }
.Lfunc_end2:
_tile_overlayer_lowered:
.L_overlay_start_2:
0xc6: {  	(tag) =	ssettag $0x2  }
0xc7: {  	s0 =	rddreg [dreg:$0x0];
	s2 =	stileid.u32  }
0xc8: {  	s1 =	rddreg [dreg:$0x1];
	p0 =	sne.s32 s2, $0x0  }
0xc9: {  	s3 =	rddreg [dreg:$0x2];
	[bflag:$0x3] =	sbarrier.arrive $0xFFFF;
	s2 =	simm.s32 @!p0 $0x1C03  }
0xca: {  	[timem:s3], [sflag:s2] =	dma.local @!p0 [hbm:s0], s1  }
0xcb: {  	s0 =	simm.s32 @!p0 $0x3  }
0xcc: {  	_ =	swait.ge @!p0 [sflag:s0], s1  }
0xcd: {  	s1 =	ssub.s32 @!p0 $0x0, s1;
	[sflag:s0] =	ssyncset.done @!p0 $0x0  }
0xce: {  	[sflag:s0] =	ssyncadd.s32 @!p0 s1  }
0xcf: {  	[bflag:$0x3] =	sbarrier.arrive $0xFFFF  }
0xd0: {  	_ =	shalt  }

</sc_bundles>
